<compile_context>
chip_gen: v7x
topology: tpu7x:2x2x1
jax: 0.10.2.dev20260603
libtpu: 0.0.44.dev20260713+nightly
codegen_flags: <defaults>
</compile_context>

<pallas_src>
import functools

import jax
import jax.numpy as jnp
from jax import lax
from jax.experimental import pallas as pl
from jax.experimental.pallas import tpu as pltpu
from jax.experimental.pallas import tpu_sc as plsc

_NC = 2
_NS = 16
_NW = _NC * _NS
_L = 16
_D = 128
_IDX_CHUNK = 64


def _make_sc_call(B):
    b_per_w = B // _NW
    n_chunks = b_per_w // _IDX_CHUNK
    d_chunks = _D // _L
    mesh = plsc.VectorSubcoreMesh(core_axis_name="c", subcore_axis_name="s",
                                  num_cores=_NC, num_subcores=_NS)

    n_buf = min(8, n_chunks)

    def body(mem_hbm, nodes_hbm, td_hbm, w_hbm, b_hbm, out_hbm,
             idx_v, td_s, w_v, b_v, *bufs_and_sems):
        rows = bufs_and_sems[:n_buf]
        gsems = bufs_and_sems[n_buf:2 * n_buf]
        st_sem = bufs_and_sems[2 * n_buf]
        cid = lax.axis_index("c")
        sid = lax.axis_index("s")
        wid = sid * _NC + cid
        row0 = wid * b_per_w

        pltpu.sync_copy(nodes_hbm.at[pl.ds(row0, b_per_w)], idx_v)
        gathers = [
            pltpu.async_copy(
                mem_hbm.at[idx_v.at[pl.ds(ch * _IDX_CHUNK, _IDX_CHUNK)]],
                rows[ch], gsems[ch])
            for ch in range(n_buf)
        ]
        pltpu.sync_copy(td_hbm.at[pl.ds(row0, b_per_w)],
                        td_s.at[pl.ds(0, b_per_w)])
        pltpu.sync_copy(w_hbm, w_v)
        pltpu.sync_copy(b_hbm, b_v)

        w_ch = [w_v[pl.ds(j * _L, _L)] for j in range(d_chunks)]
        ob_ch = [b_v[pl.ds(j * _L, _L)] + 1.0 for j in range(d_chunks)]

        stores = [None] * n_chunks
        gathers += [None] * (n_chunks - n_buf)
        for ch in range(n_chunks):
            gathers[ch].wait()
            rv = rows[ch % n_buf]

            @plsc.parallel_loop(0, _IDX_CHUNK, 1, unroll=4)
            def row_body(r, rv=rv, ch=ch):
                td_b = td_s[pl.ds(ch * _IDX_CHUNK + r, _L)][0]
                for j in range(d_chunks):
                    sl = pl.ds(j * _L, _L)
                    rv[r, sl] = rv[r, sl] * (td_b * w_ch[j] + ob_ch[j])

            stores[ch] = pltpu.async_copy(
                rv, out_hbm.at[pl.ds(row0 + ch * _IDX_CHUNK, _IDX_CHUNK)],
                st_sem)
            nxt = ch + n_buf
            if nxt < n_chunks:
                stores[ch].wait()
                gathers[nxt] = pltpu.async_copy(
                    mem_hbm.at[idx_v.at[pl.ds(nxt * _IDX_CHUNK, _IDX_CHUNK)]],
                    rv, gsems[ch % n_buf])

        for ch in range(max(0, n_chunks - n_buf), n_chunks):
            stores[ch].wait()

    return functools.partial(
        pl.kernel,
        out_type=jax.ShapeDtypeStruct((B, _D), jnp.float32),
        mesh=mesh,
        scratch_types=(
            [
                pltpu.VMEM((b_per_w,), jnp.int32),
                pltpu.VMEM((b_per_w + _L,), jnp.float32),
                pltpu.VMEM((_D,), jnp.float32),
                pltpu.VMEM((_D,), jnp.float32),
            ]
            + [pltpu.VMEM((_IDX_CHUNK, _D), jnp.float32)
               for _ in range(n_buf)]
            + [pltpu.SemaphoreType.DMA for _ in range(n_buf)]
            + [pltpu.SemaphoreType.DMA]
        ),
    )(body)


@jax.jit
def _run(memory, nodes, time_diffs, W, b):
    B = nodes.shape[0]
    return _make_sc_call(B)(memory, nodes.astype(jnp.int32), time_diffs,
                            W.reshape(-1), b)


def kernel(memory, nodes, time_diffs, W, b):
    return _run(memory, nodes, time_diffs, W, b)

# --- scband reference (transcript-rebuilt; emitter-appended) ---
"""Pipeline reference for scband-time-embedding-23785528885490 (READ-ONLY COPY).

The authoritative reference and input builder live on the scoring server;
editing this copy changes nothing except your own understanding.
"""

import jax, jax.numpy as jnp
import numpy as np

N_NODES = 1000000
D = 128
B = 16384

def setup_inputs(seed: int = 0) -> dict:
    key = jax.random.key(seed)
    k1, k2, k3, k4, k5 = jax.random.split(key, 5)
    memory = jax.random.normal(k1, (N_NODES, D), dtype=jnp.float32)
    nodes = jax.random.randint(k2, (B,), 0, N_NODES, dtype=jnp.int64 if jax.config.jax_enable_x64 else jnp.int32)
    time_diffs = jax.random.normal(k3, (B,), dtype=jnp.float32)
    # NormalLinear(1, D): weight [D, 1], bias [D], init N(0, 1/sqrt(in_features)=1)
    W = jax.random.normal(k4, (D, 1), dtype=jnp.float32) * 1.0
    b = jax.random.normal(k5, (D,), dtype=jnp.float32) * 1.0
    return {"memory": memory, "nodes": nodes, "time_diffs": time_diffs, "W": W, "b": b}

def reference(memory, nodes, time_diffs, W, b):
    # embedding_layer(time_diffs.unsqueeze(1)): [B,1] @ W.T + b -> [B,D]
    lin = time_diffs[:, None] @ W.T + b
    gathered = jnp.take(memory, nodes, axis=0)
    source_embeddings = gathered * (1.0 + lin)
    return source_embeddings

if __name__ == "__main__":
    import jax
    _d = setup_inputs()
    print(jax.jit(kernel)(*tuple(_d.values())))

</pallas_src>

<mosaic_0001>
#map = affine_map<(d0, d1) -> (0, 0)>
#map1 = affine_map<(d0, d1) -> (0)>
module attributes {stable_mosaic.version = 14 : i64} {
  func.func @body(%arg0: i32, %arg1: i32, %arg2: memref<1000000x128xf32, #tpu.memory_space<hbm>>, %arg3: memref<16384xi32, #tpu.memory_space<hbm>>, %arg4: memref<16384xf32, #tpu.memory_space<hbm>>, %arg5: memref<128xf32, #tpu.memory_space<hbm>>, %arg6: memref<128xf32, #tpu.memory_space<hbm>>, %arg7: memref<16384x128xf32, #tpu.memory_space<hbm>>, %arg8: memref<512xi32, #tpu.memory_space<vmem>>, %arg9: memref<528xf32, #tpu.memory_space<vmem>>, %arg10: memref<128xf32, #tpu.memory_space<vmem>>, %arg11: memref<128xf32, #tpu.memory_space<vmem>>, %arg12: memref<64x128xf32, #tpu.memory_space<vmem>>, %arg13: memref<64x128xf32, #tpu.memory_space<vmem>>, %arg14: memref<64x128xf32, #tpu.memory_space<vmem>>, %arg15: memref<64x128xf32, #tpu.memory_space<vmem>>, %arg16: memref<64x128xf32, #tpu.memory_space<vmem>>, %arg17: memref<64x128xf32, #tpu.memory_space<vmem>>, %arg18: memref<64x128xf32, #tpu.memory_space<vmem>>, %arg19: memref<64x128xf32, #tpu.memory_space<vmem>>, %arg20: memref<!tpu.dma_semaphore, #tpu.memory_space<semaphore_mem>>, %arg21: memref<!tpu.dma_semaphore, #tpu.memory_space<semaphore_mem>>, %arg22: memref<!tpu.dma_semaphore, #tpu.memory_space<semaphore_mem>>, %arg23: memref<!tpu.dma_semaphore, #tpu.memory_space<semaphore_mem>>, %arg24: memref<!tpu.dma_semaphore, #tpu.memory_space<semaphore_mem>>, %arg25: memref<!tpu.dma_semaphore, #tpu.memory_space<semaphore_mem>>, %arg26: memref<!tpu.dma_semaphore, #tpu.memory_space<semaphore_mem>>, %arg27: memref<!tpu.dma_semaphore, #tpu.memory_space<semaphore_mem>>, %arg28: memref<!tpu.dma_semaphore, #tpu.memory_space<semaphore_mem>>) attributes {dimension_semantics = [#tpu.dimension_semantics<core_parallel>, #tpu.dimension_semantics<subcore_parallel>], iteration_bounds = array<i64: 2, 16>, scalar_prefetch = 0 : i64, scratch_operands = 21 : i64, tpu.core_type = #tpu.core_type<sc_vector_subcore>, window_params = [{transform_indices = #map}, {transform_indices = #map1}, {transform_indices = #map1}, {transform_indices = #map1}, {transform_indices = #map1}, {transform_indices = #map}]} {
    %mul3A = arith.constant 2 : i32
    %mul3A_0 = arith.muli %arg1, %mul3A : i32
    %add3A = arith.addi %mul3A_0, %arg0 : i32
    %mul3A_1 = arith.constant 512 : i32
    %mul3A_2 = arith.muli %add3A, %mul3A_1 : i32
    "tpu.region"() ({
      %run_scoped3A = tpu.sem_alloc : memref<!tpu.dma_semaphore, #tpu.memory_space<semaphore_mem>>
      %dma_start3A_255 = tpu.memref_slice %arg3[%mul3A_2] : memref<16384xi32, #tpu.memory_space<hbm>> -> memref<512xi32, #tpu.memory_space<hbm>>
      %dma_start3A_256 = tpu.memref_slice %arg3[%mul3A_2] : memref<16384xi32, #tpu.memory_space<hbm>> -> memref<512xi32, #tpu.memory_space<hbm>>
      tpu.enqueue_dma source(%dma_start3A_256 : memref<512xi32, #tpu.memory_space<hbm>>) target(%arg8 : memref<512xi32, #tpu.memory_space<vmem>>) target_semaphore(%run_scoped3A : memref<!tpu.dma_semaphore, #tpu.memory_space<semaphore_mem>>)
      %dma_wait3A_257 = tpu.memref_slice %arg3[%mul3A_2] : memref<16384xi32, #tpu.memory_space<hbm>> -> memref<512xi32, #tpu.memory_space<hbm>>
      %dma_wait3A_258 = tpu.memref_slice %arg3[%mul3A_2] : memref<16384xi32, #tpu.memory_space<hbm>> -> memref<512xi32, #tpu.memory_space<hbm>>
      tpu.wait_dma2 semaphore(%run_scoped3A : memref<!tpu.dma_semaphore, #tpu.memory_space<semaphore_mem>>) src(%dma_wait3A_258 : memref<512xi32, #tpu.memory_space<hbm>>) dst(%arg8 : memref<512xi32, #tpu.memory_space<vmem>>)
      tpu.yield
    }) : () -> ()
    %dma_start3A = arith.constant 0 : i32
    %dma_start3A_3 = tpu.memref_slice %arg8[%dma_start3A] : memref<512xi32, #tpu.memory_space<vmem>> -> memref<64xi32, #tpu.memory_space<vmem>>
    %dma_start3A_4 = arith.constant 0 : i32
    %dma_start3A_5 = arith.constant 0 : i32
    %dma_start3A_6 = tpu.memref_slice %arg2[%dma_start3A_4, %dma_start3A_5] : memref<1000000x128xf32, #tpu.memory_space<hbm>> -> memref<1000000x128xf32, #tpu.memory_space<hbm>>
    tpu.enqueue_indirect_dma source(%dma_start3A_6 : memref<1000000x128xf32, #tpu.memory_space<hbm>>) target(%arg12 : memref<64x128xf32, #tpu.memory_space<vmem>>) offsets(%dma_start3A_3 : memref<64xi32, #tpu.memory_space<vmem>>) semaphore(%arg20 : memref<!tpu.dma_semaphore, #tpu.memory_space<semaphore_mem>>)
    %dma_start3A_7 = arith.constant 64 : i32
    %dma_start3A_8 = tpu.memref_slice %arg8[%dma_start3A_7] : memref<512xi32, #tpu.memory_space<vmem>> -> memref<64xi32, #tpu.memory_space<vmem>>
    %dma_start3A_9 = arith.constant 0 : i32
    %dma_start3A_10 = arith.constant 0 : i32
    %dma_start3A_11 = tpu.memref_slice %arg2[%dma_start3A_9, %dma_start3A_10] : memref<1000000x128xf32, #tpu.memory_space<hbm>> -> memref<1000000x128xf32, #tpu.memory_space<hbm>>
    tpu.enqueue_indirect_dma source(%dma_start3A_11 : memref<1000000x128xf32, #tpu.memory_space<hbm>>) target(%arg13 : memref<64x128xf32, #tpu.memory_space<vmem>>) offsets(%dma_start3A_8 : memref<64xi32, #tpu.memory_space<vmem>>) semaphore(%arg21 : memref<!tpu.dma_semaphore, #tpu.memory_space<semaphore_mem>>)
    %dma_start3A_12 = arith.constant 128 : i32
    %dma_start3A_13 = tpu.memref_slice %arg8[%dma_start3A_12] : memref<512xi32, #tpu.memory_space<vmem>> -> memref<64xi32, #tpu.memory_space<vmem>>
    %dma_start3A_14 = arith.constant 0 : i32
    %dma_start3A_15 = arith.constant 0 : i32
    %dma_start3A_16 = tpu.memref_slice %arg2[%dma_start3A_14, %dma_start3A_15] : memref<1000000x128xf32, #tpu.memory_space<hbm>> -> memref<1000000x128xf32, #tpu.memory_space<hbm>>
    tpu.enqueue_indirect_dma source(%dma_start3A_16 : memref<1000000x128xf32, #tpu.memory_space<hbm>>) target(%arg14 : memref<64x128xf32, #tpu.memory_space<vmem>>) offsets(%dma_start3A_13 : memref<64xi32, #tpu.memory_space<vmem>>) semaphore(%arg22 : memref<!tpu.dma_semaphore, #tpu.memory_space<semaphore_mem>>)
    %dma_start3A_17 = arith.constant 192 : i32
    %dma_start3A_18 = tpu.memref_slice %arg8[%dma_start3A_17] : memref<512xi32, #tpu.memory_space<vmem>> -> memref<64xi32, #tpu.memory_space<vmem>>
    %dma_start3A_19 = arith.constant 0 : i32
    %dma_start3A_20 = arith.constant 0 : i32
    %dma_start3A_21 = tpu.memref_slice %arg2[%dma_start3A_19, %dma_start3A_20] : memref<1000000x128xf32, #tpu.memory_space<hbm>> -> memref<1000000x128xf32, #tpu.memory_space<hbm>>
    tpu.enqueue_indirect_dma source(%dma_start3A_21 : memref<1000000x128xf32, #tpu.memory_space<hbm>>) target(%arg15 : memref<64x128xf32, #tpu.memory_space<vmem>>) offsets(%dma_start3A_18 : memref<64xi32, #tpu.memory_space<vmem>>) semaphore(%arg23 : memref<!tpu.dma_semaphore, #tpu.memory_space<semaphore_mem>>)
    %dma_start3A_22 = arith.constant 256 : i32
    %dma_start3A_23 = tpu.memref_slice %arg8[%dma_start3A_22] : memref<512xi32, #tpu.memory_space<vmem>> -> memref<64xi32, #tpu.memory_space<vmem>>
    %dma_start3A_24 = arith.constant 0 : i32
    %dma_start3A_25 = arith.constant 0 : i32
    %dma_start3A_26 = tpu.memref_slice %arg2[%dma_start3A_24, %dma_start3A_25] : memref<1000000x128xf32, #tpu.memory_space<hbm>> -> memref<1000000x128xf32, #tpu.memory_space<hbm>>
    tpu.enqueue_indirect_dma source(%dma_start3A_26 : memref<1000000x128xf32, #tpu.memory_space<hbm>>) target(%arg16 : memref<64x128xf32, #tpu.memory_space<vmem>>) offsets(%dma_start3A_23 : memref<64xi32, #tpu.memory_space<vmem>>) semaphore(%arg24 : memref<!tpu.dma_semaphore, #tpu.memory_space<semaphore_mem>>)
    %dma_start3A_27 = arith.constant 320 : i32
    %dma_start3A_28 = tpu.memref_slice %arg8[%dma_start3A_27] : memref<512xi32, #tpu.memory_space<vmem>> -> memref<64xi32, #tpu.memory_space<vmem>>
    %dma_start3A_29 = arith.constant 0 : i32
    %dma_start3A_30 = arith.constant 0 : i32
    %dma_start3A_31 = tpu.memref_slice %arg2[%dma_start3A_29, %dma_start3A_30] : memref<1000000x128xf32, #tpu.memory_space<hbm>> -> memref<1000000x128xf32, #tpu.memory_space<hbm>>
    tpu.enqueue_indirect_dma source(%dma_start3A_31 : memref<1000000x128xf32, #tpu.memory_space<hbm>>) target(%arg17 : memref<64x128xf32, #tpu.memory_space<vmem>>) offsets(%dma_start3A_28 : memref<64xi32, #tpu.memory_space<vmem>>) semaphore(%arg25 : memref<!tpu.dma_semaphore, #tpu.memory_space<semaphore_mem>>)
    %dma_start3A_32 = arith.constant 384 : i32
    %dma_start3A_33 = tpu.memref_slice %arg8[%dma_start3A_32] : memref<512xi32, #tpu.memory_space<vmem>> -> memref<64xi32, #tpu.memory_space<vmem>>
    %dma_start3A_34 = arith.constant 0 : i32
    %dma_start3A_35 = arith.constant 0 : i32
    %dma_start3A_36 = tpu.memref_slice %arg2[%dma_start3A_34, %dma_start3A_35] : memref<1000000x128xf32, #tpu.memory_space<hbm>> -> memref<1000000x128xf32, #tpu.memory_space<hbm>>
    tpu.enqueue_indirect_dma source(%dma_start3A_36 : memref<1000000x128xf32, #tpu.memory_space<hbm>>) target(%arg18 : memref<64x128xf32, #tpu.memory_space<vmem>>) offsets(%dma_start3A_33 : memref<64xi32, #tpu.memory_space<vmem>>) semaphore(%arg26 : memref<!tpu.dma_semaphore, #tpu.memory_space<semaphore_mem>>)
    %dma_start3A_37 = arith.constant 448 : i32
    %dma_start3A_38 = tpu.memref_slice %arg8[%dma_start3A_37] : memref<512xi32, #tpu.memory_space<vmem>> -> memref<64xi32, #tpu.memory_space<vmem>>
    %dma_start3A_39 = arith.constant 0 : i32
    %dma_start3A_40 = arith.constant 0 : i32
    %dma_start3A_41 = tpu.memref_slice %arg2[%dma_start3A_39, %dma_start3A_40] : memref<1000000x128xf32, #tpu.memory_space<hbm>> -> memref<1000000x128xf32, #tpu.memory_space<hbm>>
    tpu.enqueue_indirect_dma source(%dma_start3A_41 : memref<1000000x128xf32, #tpu.memory_space<hbm>>) target(%arg19 : memref<64x128xf32, #tpu.memory_space<vmem>>) offsets(%dma_start3A_38 : memref<64xi32, #tpu.memory_space<vmem>>) semaphore(%arg27 : memref<!tpu.dma_semaphore, #tpu.memory_space<semaphore_mem>>)
    "tpu.region"() ({
      %run_scoped3A = tpu.sem_alloc : memref<!tpu.dma_semaphore, #tpu.memory_space<semaphore_mem>>
      %dma_start3A_255 = arith.constant 0 : i32
      %dma_start3A_256 = tpu.memref_slice %arg9[%dma_start3A_255] : memref<528xf32, #tpu.memory_space<vmem>> -> memref<512xf32, #tpu.memory_space<vmem>>
      %dma_start3A_257 = tpu.memref_slice %arg4[%mul3A_2] : memref<16384xf32, #tpu.memory_space<hbm>> -> memref<512xf32, #tpu.memory_space<hbm>>
      %dma_start3A_258 = arith.constant 0 : i32
      %dma_start3A_259 = tpu.memref_slice %arg9[%dma_start3A_258] : memref<528xf32, #tpu.memory_space<vmem>> -> memref<512xf32, #tpu.memory_space<vmem>>
      %dma_start3A_260 = tpu.memref_slice %arg4[%mul3A_2] : memref<16384xf32, #tpu.memory_space<hbm>> -> memref<512xf32, #tpu.memory_space<hbm>>
      tpu.enqueue_dma source(%dma_start3A_260 : memref<512xf32, #tpu.memory_space<hbm>>) target(%dma_start3A_259 : memref<512xf32, #tpu.memory_space<vmem>>) target_semaphore(%run_scoped3A : memref<!tpu.dma_semaphore, #tpu.memory_space<semaphore_mem>>)
      %dma_wait3A_261 = arith.constant 0 : i32
      %dma_wait3A_262 = tpu.memref_slice %arg9[%dma_wait3A_261] : memref<528xf32, #tpu.memory_space<vmem>> -> memref<512xf32, #tpu.memory_space<vmem>>
      %dma_wait3A_263 = tpu.memref_slice %arg4[%mul3A_2] : memref<16384xf32, #tpu.memory_space<hbm>> -> memref<512xf32, #tpu.memory_space<hbm>>
      %dma_wait3A_264 = arith.constant 0 : i32
      %dma_wait3A_265 = tpu.memref_slice %arg9[%dma_wait3A_264] : memref<528xf32, #tpu.memory_space<vmem>> -> memref<512xf32, #tpu.memory_space<vmem>>
      %dma_wait3A_266 = tpu.memref_slice %arg4[%mul3A_2] : memref<16384xf32, #tpu.memory_space<hbm>> -> memref<512xf32, #tpu.memory_space<hbm>>
      tpu.wait_dma2 semaphore(%run_scoped3A : memref<!tpu.dma_semaphore, #tpu.memory_space<semaphore_mem>>) src(%dma_wait3A_266 : memref<512xf32, #tpu.memory_space<hbm>>) dst(%dma_wait3A_265 : memref<512xf32, #tpu.memory_space<vmem>>)
      tpu.yield
    }) : () -> ()
    "tpu.region"() ({
      %run_scoped3A = tpu.sem_alloc : memref<!tpu.dma_semaphore, #tpu.memory_space<semaphore_mem>>
      tpu.enqueue_dma source(%arg5 : memref<128xf32, #tpu.memory_space<hbm>>) target(%arg10 : memref<128xf32, #tpu.memory_space<vmem>>) target_semaphore(%run_scoped3A : memref<!tpu.dma_semaphore, #tpu.memory_space<semaphore_mem>>)
      tpu.wait_dma2 semaphore(%run_scoped3A : memref<!tpu.dma_semaphore, #tpu.memory_space<semaphore_mem>>) src(%arg5 : memref<128xf32, #tpu.memory_space<hbm>>) dst(%arg10 : memref<128xf32, #tpu.memory_space<vmem>>)
      tpu.yield
    }) : () -> ()
    "tpu.region"() ({
      %run_scoped3A = tpu.sem_alloc : memref<!tpu.dma_semaphore, #tpu.memory_space<semaphore_mem>>
      tpu.enqueue_dma source(%arg6 : memref<128xf32, #tpu.memory_space<hbm>>) target(%arg11 : memref<128xf32, #tpu.memory_space<vmem>>) target_semaphore(%run_scoped3A : memref<!tpu.dma_semaphore, #tpu.memory_space<semaphore_mem>>)
      tpu.wait_dma2 semaphore(%run_scoped3A : memref<!tpu.dma_semaphore, #tpu.memory_space<semaphore_mem>>) src(%arg6 : memref<128xf32, #tpu.memory_space<hbm>>) dst(%arg11 : memref<128xf32, #tpu.memory_space<vmem>>)
      tpu.yield
    }) : () -> ()
    %get3A = arith.constant 0 : index
    %get3A_42 = tpu.vector_load %arg10[%get3A] {strides = array<i32>} : memref<128xf32, #tpu.memory_space<vmem>>, vector<16xf32>,
    %get3A_43 = vector.shape_cast %get3A_42 : vector<16xf32> to vector<16xf32>
    %get3A_44 = arith.constant 16 : index
    %get3A_45 = tpu.vector_load %arg10[%get3A_44] {strides = array<i32>} : memref<128xf32, #tpu.memory_space<vmem>>, vector<16xf32>,
    %get3A_46 = vector.shape_cast %get3A_45 : vector<16xf32> to vector<16xf32>
    %get3A_47 = arith.constant 32 : index
    %get3A_48 = tpu.vector_load %arg10[%get3A_47] {strides = array<i32>} : memref<128xf32, #tpu.memory_space<vmem>>, vector<16xf32>,
    %get3A_49 = vector.shape_cast %get3A_48 : vector<16xf32> to vector<16xf32>
    %get3A_50 = arith.constant 48 : index
    %get3A_51 = tpu.vector_load %arg10[%get3A_50] {strides = array<i32>} : memref<128xf32, #tpu.memory_space<vmem>>, vector<16xf32>,
    %get3A_52 = vector.shape_cast %get3A_51 : vector<16xf32> to vector<16xf32>
    %get3A_53 = arith.constant 64 : index
    %get3A_54 = tpu.vector_load %arg10[%get3A_53] {strides = array<i32>} : memref<128xf32, #tpu.memory_space<vmem>>, vector<16xf32>,
    %get3A_55 = vector.shape_cast %get3A_54 : vector<16xf32> to vector<16xf32>
    %get3A_56 = arith.constant 80 : index
    %get3A_57 = tpu.vector_load %arg10[%get3A_56] {strides = array<i32>} : memref<128xf32, #tpu.memory_space<vmem>>, vector<16xf32>,
    %get3A_58 = vector.shape_cast %get3A_57 : vector<16xf32> to vector<16xf32>
    %get3A_59 = arith.constant 96 : index
    %get3A_60 = tpu.vector_load %arg10[%get3A_59] {strides = array<i32>} : memref<128xf32, #tpu.memory_space<vmem>>, vector<16xf32>,
    %get3A_61 = vector.shape_cast %get3A_60 : vector<16xf32> to vector<16xf32>
    %get3A_62 = arith.constant 112 : index
    %get3A_63 = tpu.vector_load %arg10[%get3A_62] {strides = array<i32>} : memref<128xf32, #tpu.memory_space<vmem>>, vector<16xf32>,
    %get3A_64 = vector.shape_cast %get3A_63 : vector<16xf32> to vector<16xf32>
    %get3A_65 = arith.constant 0 : index
    %get3A_66 = tpu.vector_load %arg11[%get3A_65] {strides = array<i32>} : memref<128xf32, #tpu.memory_space<vmem>>, vector<16xf32>,
    %get3A_67 = vector.shape_cast %get3A_66 : vector<16xf32> to vector<16xf32>
    %add3A_68 = arith.constant 1.000000e+00 : f32
    %add3A_69 = vector.broadcast %add3A_68 : f32 to vector<16xf32>
    %add3A_70 = arith.addf %get3A_67, %add3A_69 : vector<16xf32>
    %get3A_71 = arith.constant 16 : index
    %get3A_72 = tpu.vector_load %arg11[%get3A_71] {strides = array<i32>} : memref<128xf32, #tpu.memory_space<vmem>>, vector<16xf32>,
    %get3A_73 = vector.shape_cast %get3A_72 : vector<16xf32> to vector<16xf32>
    %add3A_74 = arith.constant 1.000000e+00 : f32
    %add3A_75 = vector.broadcast %add3A_74 : f32 to vector<16xf32>
    %add3A_76 = arith.addf %get3A_73, %add3A_75 : vector<16xf32>
    %get3A_77 = arith.constant 32 : index
    %get3A_78 = tpu.vector_load %arg11[%get3A_77] {strides = array<i32>} : memref<128xf32, #tpu.memory_space<vmem>>, vector<16xf32>,
    %get3A_79 = vector.shape_cast %get3A_78 : vector<16xf32> to vector<16xf32>
    %add3A_80 = arith.constant 1.000000e+00 : f32
    %add3A_81 = vector.broadcast %add3A_80 : f32 to vector<16xf32>
    %add3A_82 = arith.addf %get3A_79, %add3A_81 : vector<16xf32>
    %get3A_83 = arith.constant 48 : index
    %get3A_84 = tpu.vector_load %arg11[%get3A_83] {strides = array<i32>} : memref<128xf32, #tpu.memory_space<vmem>>, vector<16xf32>,
    %get3A_85 = vector.shape_cast %get3A_84 : vector<16xf32> to vector<16xf32>
    %add3A_86 = arith.constant 1.000000e+00 : f32
    %add3A_87 = vector.broadcast %add3A_86 : f32 to vector<16xf32>
    %add3A_88 = arith.addf %get3A_85, %add3A_87 : vector<16xf32>
    %get3A_89 = arith.constant 64 : index
    %get3A_90 = tpu.vector_load %arg11[%get3A_89] {strides = array<i32>} : memref<128xf32, #tpu.memory_space<vmem>>, vector<16xf32>,
    %get3A_91 = vector.shape_cast %get3A_90 : vector<16xf32> to vector<16xf32>
    %add3A_92 = arith.constant 1.000000e+00 : f32
    %add3A_93 = vector.broadcast %add3A_92 : f32 to vector<16xf32>
    %add3A_94 = arith.addf %get3A_91, %add3A_93 : vector<16xf32>
    %get3A_95 = arith.constant 80 : index
    %get3A_96 = tpu.vector_load %arg11[%get3A_95] {strides = array<i32>} : memref<128xf32, #tpu.memory_space<vmem>>, vector<16xf32>,
    %get3A_97 = vector.shape_cast %get3A_96 : vector<16xf32> to vector<16xf32>
    %add3A_98 = arith.constant 1.000000e+00 : f32
    %add3A_99 = vector.broadcast %add3A_98 : f32 to vector<16xf32>
    %add3A_100 = arith.addf %get3A_97, %add3A_99 : vector<16xf32>
    %get3A_101 = arith.constant 96 : index
    %get3A_102 = tpu.vector_load %arg11[%get3A_101] {strides = array<i32>} : memref<128xf32, #tpu.memory_space<vmem>>, vector<16xf32>,
    %get3A_103 = vector.shape_cast %get3A_102 : vector<16xf32> to vector<16xf32>
    %add3A_104 = arith.constant 1.000000e+00 : f32
    %add3A_105 = vector.broadcast %add3A_104 : f32 to vector<16xf32>
    %add3A_106 = arith.addf %get3A_103, %add3A_105 : vector<16xf32>
    %get3A_107 = arith.constant 112 : index
    %get3A_108 = tpu.vector_load %arg11[%get3A_107] {strides = array<i32>} : memref<128xf32, #tpu.memory_space<vmem>>, vector<16xf32>,
    %get3A_109 = vector.shape_cast %get3A_108 : vector<16xf32> to vector<16xf32>
    %add3A_110 = arith.constant 1.000000e+00 : f32
    %add3A_111 = vector.broadcast %add3A_110 : f32 to vector<16xf32>
    %add3A_112 = arith.addf %get3A_109, %add3A_111 : vector<16xf32>
    %dma_wait3A = arith.constant 0 : i32
    %dma_wait3A_113 = tpu.memref_slice %arg8[%dma_wait3A] : memref<512xi32, #tpu.memory_space<vmem>> -> memref<64xi32, #tpu.memory_space<vmem>>
    %dma_wait3A_114 = arith.constant 0 : i32
    %dma_wait3A_115 = arith.constant 0 : i32
    %dma_wait3A_116 = tpu.memref_slice %arg2[%dma_wait3A_114, %dma_wait3A_115] : memref<1000000x128xf32, #tpu.memory_space<hbm>> -> memref<1000000x128xf32, #tpu.memory_space<hbm>>
    tpu.wait_indirect_dma semaphore(%arg20 : memref<!tpu.dma_semaphore, #tpu.memory_space<semaphore_mem>>) src(%dma_wait3A_116 : memref<1000000x128xf32, #tpu.memory_space<hbm>>) dst(%arg12 : memref<64x128xf32, #tpu.memory_space<vmem>>)
    %parallel_loop3A = arith.constant 0 : i32
    %parallel_loop3A_117 = arith.constant 64 : i32
    %parallel_loop3A_118 = arith.constant 1 : i32
    scf.for %parallel_loop3A_255 = %parallel_loop3A to %parallel_loop3A_117 step %parallel_loop3A_118  : i32 {
      %parallel_loop3A_256 = arith.constant 0 : i32
      %parallel_loop3A_257 = arith.addi %parallel_loop3A_256, %parallel_loop3A_255 : i32
      %parallel_loop3A_258 = arith.index_cast %parallel_loop3A_257 : i32 to index
      %parallel_loop3A_259 = tpu.vector_load %arg9[%parallel_loop3A_258] {strides = array<i32>} : memref<528xf32, #tpu.memory_space<vmem>>, vector<16xf32>,
      %parallel_loop3A_260 = vector.shape_cast %parallel_loop3A_259 : vector<16xf32> to vector<16xf32>
      %parallel_loop3A_261 = vector.extract_strided_slice %parallel_loop3A_260 {offsets = [0], sizes = [1], strides = [1]} : vector<16xf32> to vector<1xf32>
      %parallel_loop3A_262 = vector.extract %parallel_loop3A_261[0] : f32 from vector<1xf32>
      %parallel_loop3A_263 = arith.index_cast %parallel_loop3A_255 : i32 to index
      %parallel_loop3A_264 = arith.constant 0 : index
      %parallel_loop3A_265 = tpu.vector_load %arg12[%parallel_loop3A_263, %parallel_loop3A_264] {strides = array<i32>} : memref<64x128xf32, #tpu.memory_space<vmem>>, vector<1x16xf32>,
      %parallel_loop3A_266 = vector.shape_cast %parallel_loop3A_265 : vector<1x16xf32> to vector<16xf32>
      %parallel_loop3A_267 = vector.broadcast %parallel_loop3A_262 : f32 to vector<16xf32>
      %parallel_loop3A_268 = arith.mulf %parallel_loop3A_267, %get3A_43 : vector<16xf32>
      %parallel_loop3A_269 = arith.addf %parallel_loop3A_268, %add3A_70 : vector<16xf32>
      %parallel_loop3A_270 = arith.mulf %parallel_loop3A_266, %parallel_loop3A_269 : vector<16xf32>
      %parallel_loop3A_271 = arith.index_cast %parallel_loop3A_255 : i32 to index
      %parallel_loop3A_272 = arith.constant 0 : index
      %parallel_loop3A_273 = tpu.vector_load %arg12[%parallel_loop3A_271, %parallel_loop3A_272] {strides = array<i32>} : memref<64x128xf32, #tpu.memory_space<vmem>>, vector<1x16xf32>,
      %parallel_loop3A_274 = vector.shape_cast %parallel_loop3A_273 : vector<1x16xf32> to vector<16xf32>
      %parallel_loop3A_275 = vector.shape_cast %parallel_loop3A_270 : vector<16xf32> to vector<1x16xf32>
      tpu.vector_store %arg12[%parallel_loop3A_271, %parallel_loop3A_272], %parallel_loop3A_275 {strides = array<i32>} : memref<64x128xf32, #tpu.memory_space<vmem>>, vector<1x16xf32>,
      %parallel_loop3A_276 = arith.index_cast %parallel_loop3A_255 : i32 to index
      %parallel_loop3A_277 = arith.constant 16 : index
      %parallel_loop3A_278 = tpu.vector_load %arg12[%parallel_loop3A_276, %parallel_loop3A_277] {strides = array<i32>} : memref<64x128xf32, #tpu.memory_space<vmem>>, vector<1x16xf32>,
      %parallel_loop3A_279 = vector.shape_cast %parallel_loop3A_278 : vector<1x16xf32> to vector<16xf32>
      %parallel_loop3A_280 = vector.broadcast %parallel_loop3A_262 : f32 to vector<16xf32>
      %parallel_loop3A_281 = arith.mulf %parallel_loop3A_280, %get3A_46 : vector<16xf32>
      %parallel_loop3A_282 = arith.addf %parallel_loop3A_281, %add3A_76 : vector<16xf32>
      %parallel_loop3A_283 = arith.mulf %parallel_loop3A_279, %parallel_loop3A_282 : vector<16xf32>
      %parallel_loop3A_284 = arith.index_cast %parallel_loop3A_255 : i32 to index
      %parallel_loop3A_285 = arith.constant 16 : index
      %parallel_loop3A_286 = tpu.vector_load %arg12[%parallel_loop3A_284, %parallel_loop3A_285] {strides = array<i32>} : memref<64x128xf32, #tpu.memory_space<vmem>>, vector<1x16xf32>,
      %parallel_loop3A_287 = vector.shape_cast %parallel_loop3A_286 : vector<1x16xf32> to vector<16xf32>
      %parallel_loop3A_288 = vector.shape_cast %parallel_loop3A_283 : vector<16xf32> to vector<1x16xf32>
      tpu.vector_store %arg12[%parallel_loop3A_284, %parallel_loop3A_285], %parallel_loop3A_288 {strides = array<i32>} : memref<64x128xf32, #tpu.memory_space<vmem>>, vector<1x16xf32>,
      %parallel_loop3A_289 = arith.index_cast %parallel_loop3A_255 : i32 to index
      %parallel_loop3A_290 = arith.constant 32 : index
      %parallel_loop3A_291 = tpu.vector_load %arg12[%parallel_loop3A_289, %parallel_loop3A_290] {strides = array<i32>} : memref<64x128xf32, #tpu.memory_space<vmem>>, vector<1x16xf32>,
      %parallel_loop3A_292 = vector.shape_cast %parallel_loop3A_291 : vector<1x16xf32> to vector<16xf32>
      %parallel_loop3A_293 = vector.broadcast %parallel_loop3A_262 : f32 to vector<16xf32>
      %parallel_loop3A_294 = arith.mulf %parallel_loop3A_293, %get3A_49 : vector<16xf32>
      %parallel_loop3A_295 = arith.addf %parallel_loop3A_294, %add3A_82 : vector<16xf32>
      %parallel_loop3A_296 = arith.mulf %parallel_loop3A_292, %parallel_loop3A_295 : vector<16xf32>
      %parallel_loop3A_297 = arith.index_cast %parallel_loop3A_255 : i32 to index
      %parallel_loop3A_298 = arith.constant 32 : index
      %parallel_loop3A_299 = tpu.vector_load %arg12[%parallel_loop3A_297, %parallel_loop3A_298] {strides = array<i32>} : memref<64x128xf32, #tpu.memory_space<vmem>>, vector<1x16xf32>,
      %parallel_loop3A_300 = vector.shape_cast %parallel_loop3A_299 : vector<1x16xf32> to vector<16xf32>
      %parallel_loop3A_301 = vector.shape_cast %parallel_loop3A_296 : vector<16xf32> to vector<1x16xf32>
      tpu.vector_store %arg12[%parallel_loop3A_297, %parallel_loop3A_298], %parallel_loop3A_301 {strides = array<i32>} : memref<64x128xf32, #tpu.memory_space<vmem>>, vector<1x16xf32>,
      %parallel_loop3A_302 = arith.index_cast %parallel_loop3A_255 : i32 to index
      %parallel_loop3A_303 = arith.constant 48 : index
      %parallel_loop3A_304 = tpu.vector_load %arg12[%parallel_loop3A_302, %parallel_loop3A_303] {strides = array<i32>} : memref<64x128xf32, #tpu.memory_space<vmem>>, vector<1x16xf32>,
      %parallel_loop3A_305 = vector.shape_cast %parallel_loop3A_304 : vector<1x16xf32> to vector<16xf32>
      %parallel_loop3A_306 = vector.broadcast %parallel_loop3A_262 : f32 to vector<16xf32>
      %parallel_loop3A_307 = arith.mulf %parallel_loop3A_306, %get3A_52 : vector<16xf32>
      %parallel_loop3A_308 = arith.addf %parallel_loop3A_307, %add3A_88 : vector<16xf32>
      %parallel_loop3A_309 = arith.mulf %parallel_loop3A_305, %parallel_loop3A_308 : vector<16xf32>
      %parallel_loop3A_310 = arith.index_cast %parallel_loop3A_255 : i32 to index
      %parallel_loop3A_311 = arith.constant 48 : index
      %parallel_loop3A_312 = tpu.vector_load %arg12[%parallel_loop3A_310, %parallel_loop3A_311] {strides = array<i32>} : memref<64x128xf32, #tpu.memory_space<vmem>>, vector<1x16xf32>,
      %parallel_loop3A_313 = vector.shape_cast %parallel_loop3A_312 : vector<1x16xf32> to vector<16xf32>
      %parallel_loop3A_314 = vector.shape_cast %parallel_loop3A_309 : vector<16xf32> to vector<1x16xf32>
      tpu.vector_store %arg12[%parallel_loop3A_310, %parallel_loop3A_311], %parallel_loop3A_314 {strides = array<i32>} : memref<64x128xf32, #tpu.memory_space<vmem>>, vector<1x16xf32>,
      %parallel_loop3A_315 = arith.index_cast %parallel_loop3A_255 : i32 to index
      %parallel_loop3A_316 = arith.constant 64 : index
      %parallel_loop3A_317 = tpu.vector_load %arg12[%parallel_loop3A_315, %parallel_loop3A_316] {strides = array<i32>} : memref<64x128xf32, #tpu.memory_space<vmem>>, vector<1x16xf32>,
      %parallel_loop3A_318 = vector.shape_cast %parallel_loop3A_317 : vector<1x16xf32> to vector<16xf32>
      %parallel_loop3A_319 = vector.broadcast %parallel_loop3A_262 : f32 to vector<16xf32>
      %parallel_loop3A_320 = arith.mulf %parallel_loop3A_319, %get3A_55 : vector<16xf32>
      %parallel_loop3A_321 = arith.addf %parallel_loop3A_320, %add3A_94 : vector<16xf32>
      %parallel_loop3A_322 = arith.mulf %parallel_loop3A_318, %parallel_loop3A_321 : vector<16xf32>
      %parallel_loop3A_323 = arith.index_cast %parallel_loop3A_255 : i32 to index
      %parallel_loop3A_324 = arith.constant 64 : index
      %parallel_loop3A_325 = tpu.vector_load %arg12[%parallel_loop3A_323, %parallel_loop3A_324] {strides = array<i32>} : memref<64x128xf32, #tpu.memory_space<vmem>>, vector<1x16xf32>,
      %parallel_loop3A_326 = vector.shape_cast %parallel_loop3A_325 : vector<1x16xf32> to vector<16xf32>
      %parallel_loop3A_327 = vector.shape_cast %parallel_loop3A_322 : vector<16xf32> to vector<1x16xf32>
      tpu.vector_store %arg12[%parallel_loop3A_323, %parallel_loop3A_324], %parallel_loop3A_327 {strides = array<i32>} : memref<64x128xf32, #tpu.memory_space<vmem>>, vector<1x16xf32>,
      %parallel_loop3A_328 = arith.index_cast %parallel_loop3A_255 : i32 to index
      %parallel_loop3A_329 = arith.constant 80 : index
      %parallel_loop3A_330 = tpu.vector_load %arg12[%parallel_loop3A_328, %parallel_loop3A_329] {strides = array<i32>} : memref<64x128xf32, #tpu.memory_space<vmem>>, vector<1x16xf32>,
      %parallel_loop3A_331 = vector.shape_cast %parallel_loop3A_330 : vector<1x16xf32> to vector<16xf32>
      %parallel_loop3A_332 = vector.broadcast %parallel_loop3A_262 : f32 to vector<16xf32>
      %parallel_loop3A_333 = arith.mulf %parallel_loop3A_332, %get3A_58 : vector<16xf32>
      %parallel_loop3A_334 = arith.addf %parallel_loop3A_333, %add3A_100 : vector<16xf32>
      %parallel_loop3A_335 = arith.mulf %parallel_loop3A_331, %parallel_loop3A_334 : vector<16xf32>
      %parallel_loop3A_336 = arith.index_cast %parallel_loop3A_255 : i32 to index
      %parallel_loop3A_337 = arith.constant 80 : index
      %parallel_loop3A_338 = tpu.vector_load %arg12[%parallel_loop3A_336, %parallel_loop3A_337] {strides = array<i32>} : memref<64x128xf32, #tpu.memory_space<vmem>>, vector<1x16xf32>,
      %parallel_loop3A_339 = vector.shape_cast %parallel_loop3A_338 : vector<1x16xf32> to vector<16xf32>
      %parallel_loop3A_340 = vector.shape_cast %parallel_loop3A_335 : vector<16xf32> to vector<1x16xf32>
      tpu.vector_store %arg12[%parallel_loop3A_336, %parallel_loop3A_337], %parallel_loop3A_340 {strides = array<i32>} : memref<64x128xf32, #tpu.memory_space<vmem>>, vector<1x16xf32>,
      %parallel_loop3A_341 = arith.index_cast %parallel_loop3A_255 : i32 to index
      %parallel_loop3A_342 = arith.constant 96 : index
      %parallel_loop3A_343 = tpu.vector_load %arg12[%parallel_loop3A_341, %parallel_loop3A_342] {strides = array<i32>} : memref<64x128xf32, #tpu.memory_space<vmem>>, vector<1x16xf32>,
      %parallel_loop3A_344 = vector.shape_cast %parallel_loop3A_343 : vector<1x16xf32> to vector<16xf32>
      %parallel_loop3A_345 = vector.broadcast %parallel_loop3A_262 : f32 to vector<16xf32>
      %parallel_loop3A_346 = arith.mulf %parallel_loop3A_345, %get3A_61 : vector<16xf32>
      %parallel_loop3A_347 = arith.addf %parallel_loop3A_346, %add3A_106 : vector<16xf32>
      %parallel_loop3A_348 = arith.mulf %parallel_loop3A_344, %parallel_loop3A_347 : vector<16xf32>
      %parallel_loop3A_349 = arith.index_cast %parallel_loop3A_255 : i32 to index
      %parallel_loop3A_350 = arith.constant 96 : index
      %parallel_loop3A_351 = tpu.vector_load %arg12[%parallel_loop3A_349, %parallel_loop3A_350] {strides = array<i32>} : memref<64x128xf32, #tpu.memory_space<vmem>>, vector<1x16xf32>,
      %parallel_loop3A_352 = vector.shape_cast %parallel_loop3A_351 : vector<1x16xf32> to vector<16xf32>
      %parallel_loop3A_353 = vector.shape_cast %parallel_loop3A_348 : vector<16xf32> to vector<1x16xf32>
      tpu.vector_store %arg12[%parallel_loop3A_349, %parallel_loop3A_350], %parallel_loop3A_353 {strides = array<i32>} : memref<64x128xf32, #tpu.memory_space<vmem>>, vector<1x16xf32>,
      %parallel_loop3A_354 = arith.index_cast %parallel_loop3A_255 : i32 to index
      %parallel_loop3A_355 = arith.constant 112 : index
      %parallel_loop3A_356 = tpu.vector_load %arg12[%parallel_loop3A_354, %parallel_loop3A_355] {strides = array<i32>} : memref<64x128xf32, #tpu.memory_space<vmem>>, vector<1x16xf32>,
      %parallel_loop3A_357 = vector.shape_cast %parallel_loop3A_356 : vector<1x16xf32> to vector<16xf32>
      %parallel_loop3A_358 = vector.broadcast %parallel_loop3A_262 : f32 to vector<16xf32>
      %parallel_loop3A_359 = arith.mulf %parallel_loop3A_358, %get3A_64 : vector<16xf32>
      %parallel_loop3A_360 = arith.addf %parallel_loop3A_359, %add3A_112 : vector<16xf32>
      %parallel_loop3A_361 = arith.mulf %parallel_loop3A_357, %parallel_loop3A_360 : vector<16xf32>
      %parallel_loop3A_362 = arith.index_cast %parallel_loop3A_255 : i32 to index
      %parallel_loop3A_363 = arith.constant 112 : index
      %parallel_loop3A_364 = tpu.vector_load %arg12[%parallel_loop3A_362, %parallel_loop3A_363] {strides = array<i32>} : memref<64x128xf32, #tpu.memory_space<vmem>>, vector<1x16xf32>,
      %parallel_loop3A_365 = vector.shape_cast %parallel_loop3A_364 : vector<1x16xf32> to vector<16xf32>
      %parallel_loop3A_366 = vector.shape_cast %parallel_loop3A_361 : vector<16xf32> to vector<1x16xf32>
      tpu.vector_store %arg12[%parallel_loop3A_362, %parallel_loop3A_363], %parallel_loop3A_366 {strides = array<i32>} : memref<64x128xf32, #tpu.memory_space<vmem>>, vector<1x16xf32>,
    } {sc.loop_unroll_factor = 4 : i64, sc.parallel_access}
    %add3A_119 = arith.constant 0 : i32
    %add3A_120 = arith.addi %mul3A_2, %add3A_119 : i32
    %dma_start3A_121 = arith.constant 0 : i32
    %dma_start3A_122 = tpu.memref_slice %arg7[%add3A_120, %dma_start3A_121] : memref<16384x128xf32, #tpu.memory_space<hbm>> -> memref<64x128xf32, #tpu.memory_space<hbm>>
    %dma_start3A_123 = arith.constant 0 : i32
    %dma_start3A_124 = tpu.memref_slice %arg7[%add3A_120, %dma_start3A_123] : memref<16384x128xf32, #tpu.memory_space<hbm>> -> memref<64x128xf32, #tpu.memory_space<hbm>>
    tpu.enqueue_dma source(%arg12 : memref<64x128xf32, #tpu.memory_space<vmem>>) target(%dma_start3A_124 : memref<64x128xf32, #tpu.memory_space<hbm>>) target_semaphore(%arg28 : memref<!tpu.dma_semaphore, #tpu.memory_space<semaphore_mem>>)
    %dma_wait3A_125 = arith.constant 64 : i32
    %dma_wait3A_126 = tpu.memref_slice %arg8[%dma_wait3A_125] : memref<512xi32, #tpu.memory_space<vmem>> -> memref<64xi32, #tpu.memory_space<vmem>>
    %dma_wait3A_127 = arith.constant 0 : i32
    %dma_wait3A_128 = arith.constant 0 : i32
    %dma_wait3A_129 = tpu.memref_slice %arg2[%dma_wait3A_127, %dma_wait3A_128] : memref<1000000x128xf32, #tpu.memory_space<hbm>> -> memref<1000000x128xf32, #tpu.memory_space<hbm>>
    tpu.wait_indirect_dma semaphore(%arg21 : memref<!tpu.dma_semaphore, #tpu.memory_space<semaphore_mem>>) src(%dma_wait3A_129 : memref<1000000x128xf32, #tpu.memory_space<hbm>>) dst(%arg13 : memref<64x128xf32, #tpu.memory_space<vmem>>)
    %parallel_loop3A_130 = arith.constant 0 : i32
    %parallel_loop3A_131 = arith.constant 64 : i32
    %parallel_loop3A_132 = arith.constant 1 : i32
    scf.for %parallel_loop3A_255 = %parallel_loop3A_130 to %parallel_loop3A_131 step %parallel_loop3A_132  : i32 {
      %parallel_loop3A_256 = arith.constant 64 : i32
      %parallel_loop3A_257 = arith.addi %parallel_loop3A_256, %parallel_loop3A_255 : i32
      %parallel_loop3A_258 = arith.index_cast %parallel_loop3A_257 : i32 to index
      %parallel_loop3A_259 = tpu.vector_load %arg9[%parallel_loop3A_258] {strides = array<i32>} : memref<528xf32, #tpu.memory_space<vmem>>, vector<16xf32>,
      %parallel_loop3A_260 = vector.shape_cast %parallel_loop3A_259 : vector<16xf32> to vector<16xf32>
      %parallel_loop3A_261 = vector.extract_strided_slice %parallel_loop3A_260 {offsets = [0], sizes = [1], strides = [1]} : vector<16xf32> to vector<1xf32>
      %parallel_loop3A_262 = vector.extract %parallel_loop3A_261[0] : f32 from vector<1xf32>
      %parallel_loop3A_263 = arith.index_cast %parallel_loop3A_255 : i32 to index
      %parallel_loop3A_264 = arith.constant 0 : index
      %parallel_loop3A_265 = tpu.vector_load %arg13[%parallel_loop3A_263, %parallel_loop3A_264] {strides = array<i32>} : memref<64x128xf32, #tpu.memory_space<vmem>>, vector<1x16xf32>,
      %parallel_loop3A_266 = vector.shape_cast %parallel_loop3A_265 : vector<1x16xf32> to vector<16xf32>
      %parallel_loop3A_267 = vector.broadcast %parallel_loop3A_262 : f32 to vector<16xf32>
      %parallel_loop3A_268 = arith.mulf %parallel_loop3A_267, %get3A_43 : vector<16xf32>
      %parallel_loop3A_269 = arith.addf %parallel_loop3A_268, %add3A_70 : vector<16xf32>
      %parallel_loop3A_270 = arith.mulf %parallel_loop3A_266, %parallel_loop3A_269 : vector<16xf32>
      %parallel_loop3A_271 = arith.index_cast %parallel_loop3A_255 : i32 to index
      %parallel_loop3A_272 = arith.constant 0 : index
      %parallel_loop3A_273 = tpu.vector_load %arg13[%parallel_loop3A_271, %parallel_loop3A_272] {strides = array<i32>} : memref<64x128xf32, #tpu.memory_space<vmem>>, vector<1x16xf32>,
      %parallel_loop3A_274 = vector.shape_cast %parallel_loop3A_273 : vector<1x16xf32> to vector<16xf32>
      %parallel_loop3A_275 = vector.shape_cast %parallel_loop3A_270 : vector<16xf32> to vector<1x16xf32>
      tpu.vector_store %arg13[%parallel_loop3A_271, %parallel_loop3A_272], %parallel_loop3A_275 {strides = array<i32>} : memref<64x128xf32, #tpu.memory_space<vmem>>, vector<1x16xf32>,
      %parallel_loop3A_276 = arith.index_cast %parallel_loop3A_255 : i32 to index
      %parallel_loop3A_277 = arith.constant 16 : index
      %parallel_loop3A_278 = tpu.vector_load %arg13[%parallel_loop3A_276, %parallel_loop3A_277] {strides = array<i32>} : memref<64x128xf32, #tpu.memory_space<vmem>>, vector<1x16xf32>,
      %parallel_loop3A_279 = vector.shape_cast %parallel_loop3A_278 : vector<1x16xf32> to vector<16xf32>
      %parallel_loop3A_280 = vector.broadcast %parallel_loop3A_262 : f32 to vector<16xf32>
      %parallel_loop3A_281 = arith.mulf %parallel_loop3A_280, %get3A_46 : vector<16xf32>
      %parallel_loop3A_282 = arith.addf %parallel_loop3A_281, %add3A_76 : vector<16xf32>
      %parallel_loop3A_283 = arith.mulf %parallel_loop3A_279, %parallel_loop3A_282 : vector<16xf32>
      %parallel_loop3A_284 = arith.index_cast %parallel_loop3A_255 : i32 to index
      %parallel_loop3A_285 = arith.constant 16 : index
      %parallel_loop3A_286 = tpu.vector_load %arg13[%parallel_loop3A_284, %parallel_loop3A_285] {strides = array<i32>} : memref<64x128xf32, #tpu.memory_space<vmem>>, vector<1x16xf32>,
      %parallel_loop3A_287 = vector.shape_cast %parallel_loop3A_286 : vector<1x16xf32> to vector<16xf32>
      %parallel_loop3A_288 = vector.shape_cast %parallel_loop3A_283 : vector<16xf32> to vector<1x16xf32>
      tpu.vector_store %arg13[%parallel_loop3A_284, %parallel_loop3A_285], %parallel_loop3A_288 {strides = array<i32>} : memref<64x128xf32, #tpu.memory_space<vmem>>, vector<1x16xf32>,
      %parallel_loop3A_289 = arith.index_cast %parallel_loop3A_255 : i32 to index
      %parallel_loop3A_290 = arith.constant 32 : index
      %parallel_loop3A_291 = tpu.vector_load %arg13[%parallel_loop3A_289, %parallel_loop3A_290] {strides = array<i32>} : memref<64x128xf32, #tpu.memory_space<vmem>>, vector<1x16xf32>,
      %parallel_loop3A_292 = vector.shape_cast %parallel_loop3A_291 : vector<1x16xf32> to vector<16xf32>
      %parallel_loop3A_293 = vector.broadcast %parallel_loop3A_262 : f32 to vector<16xf32>
      %parallel_loop3A_294 = arith.mulf %parallel_loop3A_293, %get3A_49 : vector<16xf32>
      %parallel_loop3A_295 = arith.addf %parallel_loop3A_294, %add3A_82 : vector<16xf32>
      %parallel_loop3A_296 = arith.mulf %parallel_loop3A_292, %parallel_loop3A_295 : vector<16xf32>
      %parallel_loop3A_297 = arith.index_cast %parallel_loop3A_255 : i32 to index
      %parallel_loop3A_298 = arith.constant 32 : index
      %parallel_loop3A_299 = tpu.vector_load %arg13[%parallel_loop3A_297, %parallel_loop3A_298] {strides = array<i32>} : memref<64x128xf32, #tpu.memory_space<vmem>>, vector<1x16xf32>,
      %parallel_loop3A_300 = vector.shape_cast %parallel_loop3A_299 : vector<1x16xf32> to vector<16xf32>
      %parallel_loop3A_301 = vector.shape_cast %parallel_loop3A_296 : vector<16xf32> to vector<1x16xf32>
      tpu.vector_store %arg13[%parallel_loop3A_297, %parallel_loop3A_298], %parallel_loop3A_301 {strides = array<i32>} : memref<64x128xf32, #tpu.memory_space<vmem>>, vector<1x16xf32>,
      %parallel_loop3A_302 = arith.index_cast %parallel_loop3A_255 : i32 to index
      %parallel_loop3A_303 = arith.constant 48 : index
      %parallel_loop3A_304 = tpu.vector_load %arg13[%parallel_loop3A_302, %parallel_loop3A_303] {strides = array<i32>} : memref<64x128xf32, #tpu.memory_space<vmem>>, vector<1x16xf32>,
      %parallel_loop3A_305 = vector.shape_cast %parallel_loop3A_304 : vector<1x16xf32> to vector<16xf32>
      %parallel_loop3A_306 = vector.broadcast %parallel_loop3A_262 : f32 to vector<16xf32>
      %parallel_loop3A_307 = arith.mulf %parallel_loop3A_306, %get3A_52 : vector<16xf32>
      %parallel_loop3A_308 = arith.addf %parallel_loop3A_307, %add3A_88 : vector<16xf32>
      %parallel_loop3A_309 = arith.mulf %parallel_loop3A_305, %parallel_loop3A_308 : vector<16xf32>
      %parallel_loop3A_310 = arith.index_cast %parallel_loop3A_255 : i32 to index
      %parallel_loop3A_311 = arith.constant 48 : index
      %parallel_loop3A_312 = tpu.vector_load %arg13[%parallel_loop3A_310, %parallel_loop3A_311] {strides = array<i32>} : memref<64x128xf32, #tpu.memory_space<vmem>>, vector<1x16xf32>,
      %parallel_loop3A_313 = vector.shape_cast %parallel_loop3A_312 : vector<1x16xf32> to vector<16xf32>
      %parallel_loop3A_314 = vector.shape_cast %parallel_loop3A_309 : vector<16xf32> to vector<1x16xf32>
      tpu.vector_store %arg13[%parallel_loop3A_310, %parallel_loop3A_311], %parallel_loop3A_314 {strides = array<i32>} : memref<64x128xf32, #tpu.memory_space<vmem>>, vector<1x16xf32>,
      %parallel_loop3A_315 = arith.index_cast %parallel_loop3A_255 : i32 to index
      %parallel_loop3A_316 = arith.constant 64 : index
      %parallel_loop3A_317 = tpu.vector_load %arg13[%parallel_loop3A_315, %parallel_loop3A_316] {strides = array<i32>} : memref<64x128xf32, #tpu.memory_space<vmem>>, vector<1x16xf32>,
      %parallel_loop3A_318 = vector.shape_cast %parallel_loop3A_317 : vector<1x16xf32> to vector<16xf32>
      %parallel_loop3A_319 = vector.broadcast %parallel_loop3A_262 : f32 to vector<16xf32>
      %parallel_loop3A_320 = arith.mulf %parallel_loop3A_319, %get3A_55 : vector<16xf32>
      %parallel_loop3A_321 = arith.addf %parallel_loop3A_320, %add3A_94 : vector<16xf32>
      %parallel_loop3A_322 = arith.mulf %parallel_loop3A_318, %parallel_loop3A_321 : vector<16xf32>
      %parallel_loop3A_323 = arith.index_cast %parallel_loop3A_255 : i32 to index
      %parallel_loop3A_324 = arith.constant 64 : index
      %parallel_loop3A_325 = tpu.vector_load %arg13[%parallel_loop3A_323, %parallel_loop3A_324] {strides = array<i32>} : memref<64x128xf32, #tpu.memory_space<vmem>>, vector<1x16xf32>,
      %parallel_loop3A_326 = vector.shape_cast %parallel_loop3A_325 : vector<1x16xf32> to vector<16xf32>
      %parallel_loop3A_327 = vector.shape_cast %parallel_loop3A_322 : vector<16xf32> to vector<1x16xf32>
      tpu.vector_store %arg13[%parallel_loop3A_323, %parallel_loop3A_324], %parallel_loop3A_327 {strides = array<i32>} : memref<64x128xf32, #tpu.memory_space<vmem>>, vector<1x16xf32>,
      %parallel_loop3A_328 = arith.index_cast %parallel_loop3A_255 : i32 to index
      %parallel_loop3A_329 = arith.constant 80 : index
      %parallel_loop3A_330 = tpu.vector_load %arg13[%parallel_loop3A_328, %parallel_loop3A_329] {strides = array<i32>} : memref<64x128xf32, #tpu.memory_space<vmem>>, vector<1x16xf32>,
      %parallel_loop3A_331 = vector.shape_cast %parallel_loop3A_330 : vector<1x16xf32> to vector<16xf32>
      %parallel_loop3A_332 = vector.broadcast %parallel_loop3A_262 : f32 to vector<16xf32>
      %parallel_loop3A_333 = arith.mulf %parallel_loop3A_332, %get3A_58 : vector<16xf32>
      %parallel_loop3A_334 = arith.addf %parallel_loop3A_333, %add3A_100 : vector<16xf32>
      %parallel_loop3A_335 = arith.mulf %parallel_loop3A_331, %parallel_loop3A_334 : vector<16xf32>
      %parallel_loop3A_336 = arith.index_cast %parallel_loop3A_255 : i32 to index
      %parallel_loop3A_337 = arith.constant 80 : index
      %parallel_loop3A_338 = tpu.vector_load %arg13[%parallel_loop3A_336, %parallel_loop3A_337] {strides = array<i32>} : memref<64x128xf32, #tpu.memory_space<vmem>>, vector<1x16xf32>,
      %parallel_loop3A_339 = vector.shape_cast %parallel_loop3A_338 : vector<1x16xf32> to vector<16xf32>
      %parallel_loop3A_340 = vector.shape_cast %parallel_loop3A_335 : vector<16xf32> to vector<1x16xf32>
      tpu.vector_store %arg13[%parallel_loop3A_336, %parallel_loop3A_337], %parallel_loop3A_340 {strides = array<i32>} : memref<64x128xf32, #tpu.memory_space<vmem>>, vector<1x16xf32>,
      %parallel_loop3A_341 = arith.index_cast %parallel_loop3A_255 : i32 to index
      %parallel_loop3A_342 = arith.constant 96 : index
      %parallel_loop3A_343 = tpu.vector_load %arg13[%parallel_loop3A_341, %parallel_loop3A_342] {strides = array<i32>} : memref<64x128xf32, #tpu.memory_space<vmem>>, vector<1x16xf32>,
      %parallel_loop3A_344 = vector.shape_cast %parallel_loop3A_343 : vector<1x16xf32> to vector<16xf32>
      %parallel_loop3A_345 = vector.broadcast %parallel_loop3A_262 : f32 to vector<16xf32>
      %parallel_loop3A_346 = arith.mulf %parallel_loop3A_345, %get3A_61 : vector<16xf32>
      %parallel_loop3A_347 = arith.addf %parallel_loop3A_346, %add3A_106 : vector<16xf32>
      %parallel_loop3A_348 = arith.mulf %parallel_loop3A_344, %parallel_loop3A_347 : vector<16xf32>
      %parallel_loop3A_349 = arith.index_cast %parallel_loop3A_255 : i32 to index
      %parallel_loop3A_350 = arith.constant 96 : index
      %parallel_loop3A_351 = tpu.vector_load %arg13[%parallel_loop3A_349, %parallel_loop3A_350] {strides = array<i32>} : memref<64x128xf32, #tpu.memory_space<vmem>>, vector<1x16xf32>,
      %parallel_loop3A_352 = vector.shape_cast %parallel_loop3A_351 : vector<1x16xf32> to vector<16xf32>
      %parallel_loop3A_353 = vector.shape_cast %parallel_loop3A_348 : vector<16xf32> to vector<1x16xf32>
      tpu.vector_store %arg13[%parallel_loop3A_349, %parallel_loop3A_350], %parallel_loop3A_353 {strides = array<i32>} : memref<64x128xf32, #tpu.memory_space<vmem>>, vector<1x16xf32>,
      %parallel_loop3A_354 = arith.index_cast %parallel_loop3A_255 : i32 to index
      %parallel_loop3A_355 = arith.constant 112 : index
      %parallel_loop3A_356 = tpu.vector_load %arg13[%parallel_loop3A_354, %parallel_loop3A_355] {strides = array<i32>} : memref<64x128xf32, #tpu.memory_space<vmem>>, vector<1x16xf32>,
      %parallel_loop3A_357 = vector.shape_cast %parallel_loop3A_356 : vector<1x16xf32> to vector<16xf32>
      %parallel_loop3A_358 = vector.broadcast %parallel_loop3A_262 : f32 to vector<16xf32>
      %parallel_loop3A_359 = arith.mulf %parallel_loop3A_358, %get3A_64 : vector<16xf32>
      %parallel_loop3A_360 = arith.addf %parallel_loop3A_359, %add3A_112 : vector<16xf32>
      %parallel_loop3A_361 = arith.mulf %parallel_loop3A_357, %parallel_loop3A_360 : vector<16xf32>
      %parallel_loop3A_362 = arith.index_cast %parallel_loop3A_255 : i32 to index
      %parallel_loop3A_363 = arith.constant 112 : index
      %parallel_loop3A_364 = tpu.vector_load %arg13[%parallel_loop3A_362, %parallel_loop3A_363] {strides = array<i32>} : memref<64x128xf32, #tpu.memory_space<vmem>>, vector<1x16xf32>,
      %parallel_loop3A_365 = vector.shape_cast %parallel_loop3A_364 : vector<1x16xf32> to vector<16xf32>
      %parallel_loop3A_366 = vector.shape_cast %parallel_loop3A_361 : vector<16xf32> to vector<1x16xf32>
      tpu.vector_store %arg13[%parallel_loop3A_362, %parallel_loop3A_363], %parallel_loop3A_366 {strides = array<i32>} : memref<64x128xf32, #tpu.memory_space<vmem>>, vector<1x16xf32>,
    } {sc.loop_unroll_factor = 4 : i64, sc.parallel_access}
    %add3A_133 = arith.constant 64 : i32
    %add3A_134 = arith.addi %mul3A_2, %add3A_133 : i32
    %dma_start3A_135 = arith.constant 0 : i32
    %dma_start3A_136 = tpu.memref_slice %arg7[%add3A_134, %dma_start3A_135] : memref<16384x128xf32, #tpu.memory_space<hbm>> -> memref<64x128xf32, #tpu.memory_space<hbm>>
    %dma_start3A_137 = arith.constant 0 : i32
    %dma_start3A_138 = tpu.memref_slice %arg7[%add3A_134, %dma_start3A_137] : memref<16384x128xf32, #tpu.memory_space<hbm>> -> memref<64x128xf32, #tpu.memory_space<hbm>>
    tpu.enqueue_dma source(%arg13 : memref<64x128xf32, #tpu.memory_space<vmem>>) target(%dma_start3A_138 : memref<64x128xf32, #tpu.memory_space<hbm>>) target_semaphore(%arg28 : memref<!tpu.dma_semaphore, #tpu.memory_space<semaphore_mem>>)
    %dma_wait3A_139 = arith.constant 128 : i32
    %dma_wait3A_140 = tpu.memref_slice %arg8[%dma_wait3A_139] : memref<512xi32, #tpu.memory_space<vmem>> -> memref<64xi32, #tpu.memory_space<vmem>>
    %dma_wait3A_141 = arith.constant 0 : i32
    %dma_wait3A_142 = arith.constant 0 : i32
    %dma_wait3A_143 = tpu.memref_slice %arg2[%dma_wait3A_141, %dma_wait3A_142] : memref<1000000x128xf32, #tpu.memory_space<hbm>> -> memref<1000000x128xf32, #tpu.memory_space<hbm>>
    tpu.wait_indirect_dma semaphore(%arg22 : memref<!tpu.dma_semaphore, #tpu.memory_space<semaphore_mem>>) src(%dma_wait3A_143 : memref<1000000x128xf32, #tpu.memory_space<hbm>>) dst(%arg14 : memref<64x128xf32, #tpu.memory_space<vmem>>)
    %parallel_loop3A_144 = arith.constant 0 : i32
    %parallel_loop3A_145 = arith.constant 64 : i32
    %parallel_loop3A_146 = arith.constant 1 : i32
    scf.for %parallel_loop3A_255 = %parallel_loop3A_144 to %parallel_loop3A_145 step %parallel_loop3A_146  : i32 {
      %parallel_loop3A_256 = arith.constant 128 : i32
      %parallel_loop3A_257 = arith.addi %parallel_loop3A_256, %parallel_loop3A_255 : i32
      %parallel_loop3A_258 = arith.index_cast %parallel_loop3A_257 : i32 to index
      %parallel_loop3A_259 = tpu.vector_load %arg9[%parallel_loop3A_258] {strides = array<i32>} : memref<528xf32, #tpu.memory_space<vmem>>, vector<16xf32>,
      %parallel_loop3A_260 = vector.shape_cast %parallel_loop3A_259 : vector<16xf32> to vector<16xf32>
      %parallel_loop3A_261 = vector.extract_strided_slice %parallel_loop3A_260 {offsets = [0], sizes = [1], strides = [1]} : vector<16xf32> to vector<1xf32>
      %parallel_loop3A_262 = vector.extract %parallel_loop3A_261[0] : f32 from vector<1xf32>
      %parallel_loop3A_263 = arith.index_cast %parallel_loop3A_255 : i32 to index
      %parallel_loop3A_264 = arith.constant 0 : index
      %parallel_loop3A_265 = tpu.vector_load %arg14[%parallel_loop3A_263, %parallel_loop3A_264] {strides = array<i32>} : memref<64x128xf32, #tpu.memory_space<vmem>>, vector<1x16xf32>,
      %parallel_loop3A_266 = vector.shape_cast %parallel_loop3A_265 : vector<1x16xf32> to vector<16xf32>
      %parallel_loop3A_267 = vector.broadcast %parallel_loop3A_262 : f32 to vector<16xf32>
      %parallel_loop3A_268 = arith.mulf %parallel_loop3A_267, %get3A_43 : vector<16xf32>
      %parallel_loop3A_269 = arith.addf %parallel_loop3A_268, %add3A_70 : vector<16xf32>
      %parallel_loop3A_270 = arith.mulf %parallel_loop3A_266, %parallel_loop3A_269 : vector<16xf32>
      %parallel_loop3A_271 = arith.index_cast %parallel_loop3A_255 : i32 to index
      %parallel_loop3A_272 = arith.constant 0 : index
      %parallel_loop3A_273 = tpu.vector_load %arg14[%parallel_loop3A_271, %parallel_loop3A_272] {strides = array<i32>} : memref<64x128xf32, #tpu.memory_space<vmem>>, vector<1x16xf32>,
      %parallel_loop3A_274 = vector.shape_cast %parallel_loop3A_273 : vector<1x16xf32> to vector<16xf32>
      %parallel_loop3A_275 = vector.shape_cast %parallel_loop3A_270 : vector<16xf32> to vector<1x16xf32>
      tpu.vector_store %arg14[%parallel_loop3A_271, %parallel_loop3A_272], %parallel_loop3A_275 {strides = array<i32>} : memref<64x128xf32, #tpu.memory_space<vmem>>, vector<1x16xf32>,
      %parallel_loop3A_276 = arith.index_cast %parallel_loop3A_255 : i32 to index
      %parallel_loop3A_277 = arith.constant 16 : index
      %parallel_loop3A_278 = tpu.vector_load %arg14[%parallel_loop3A_276, %parallel_loop3A_277] {strides = array<i32>} : memref<64x128xf32, #tpu.memory_space<vmem>>, vector<1x16xf32>,
      %parallel_loop3A_279 = vector.shape_cast %parallel_loop3A_278 : vector<1x16xf32> to vector<16xf32>
      %parallel_loop3A_280 = vector.broadcast %parallel_loop3A_262 : f32 to vector<16xf32>
      %parallel_loop3A_281 = arith.mulf %parallel_loop3A_280, %get3A_46 : vector<16xf32>
      %parallel_loop3A_282 = arith.addf %parallel_loop3A_281, %add3A_76 : vector<16xf32>
      %parallel_loop3A_283 = arith.mulf %parallel_loop3A_279, %parallel_loop3A_282 : vector<16xf32>
      %parallel_loop3A_284 = arith.index_cast %parallel_loop3A_255 : i32 to index
      %parallel_loop3A_285 = arith.constant 16 : index
      %parallel_loop3A_286 = tpu.vector_load %arg14[%parallel_loop3A_284, %parallel_loop3A_285] {strides = array<i32>} : memref<64x128xf32, #tpu.memory_space<vmem>>, vector<1x16xf32>,
      %parallel_loop3A_287 = vector.shape_cast %parallel_loop3A_286 : vector<1x16xf32> to vector<16xf32>
      %parallel_loop3A_288 = vector.shape_cast %parallel_loop3A_283 : vector<16xf32> to vector<1x16xf32>
      tpu.vector_store %arg14[%parallel_loop3A_284, %parallel_loop3A_285], %parallel_loop3A_288 {strides = array<i32>} : memref<64x128xf32, #tpu.memory_space<vmem>>, vector<1x16xf32>,
      %parallel_loop3A_289 = arith.index_cast %parallel_loop3A_255 : i32 to index
      %parallel_loop3A_290 = arith.constant 32 : index
      %parallel_loop3A_291 = tpu.vector_load %arg14[%parallel_loop3A_289, %parallel_loop3A_290] {strides = array<i32>} : memref<64x128xf32, #tpu.memory_space<vmem>>, vector<1x16xf32>,
      %parallel_loop3A_292 = vector.shape_cast %parallel_loop3A_291 : vector<1x16xf32> to vector<16xf32>
      %parallel_loop3A_293 = vector.broadcast %parallel_loop3A_262 : f32 to vector<16xf32>
      %parallel_loop3A_294 = arith.mulf %parallel_loop3A_293, %get3A_49 : vector<16xf32>
      %parallel_loop3A_295 = arith.addf %parallel_loop3A_294, %add3A_82 : vector<16xf32>
      %parallel_loop3A_296 = arith.mulf %parallel_loop3A_292, %parallel_loop3A_295 : vector<16xf32>
      %parallel_loop3A_297 = arith.index_cast %parallel_loop3A_255 : i32 to index
      %parallel_loop3A_298 = arith.constant 32 : index
      %parallel_loop3A_299 = tpu.vector_load %arg14[%parallel_loop3A_297, %parallel_loop3A_298] {strides = array<i32>} : memref<64x128xf32, #tpu.memory_space<vmem>>, vector<1x16xf32>,
      %parallel_loop3A_300 = vector.shape_cast %parallel_loop3A_299 : vector<1x16xf32> to vector<16xf32>
      %parallel_loop3A_301 = vector.shape_cast %parallel_loop3A_296 : vector<16xf32> to vector<1x16xf32>
      tpu.vector_store %arg14[%parallel_loop3A_297, %parallel_loop3A_298], %parallel_loop3A_301 {strides = array<i32>} : memref<64x128xf32, #tpu.memory_space<vmem>>, vector<1x16xf32>,
      %parallel_loop3A_302 = arith.index_cast %parallel_loop3A_255 : i32 to index
      %parallel_loop3A_303 = arith.constant 48 : index
      %parallel_loop3A_304 = tpu.vector_load %arg14[%parallel_loop3A_302, %parallel_loop3A_303] {strides = array<i32>} : memref<64x128xf32, #tpu.memory_space<vmem>>, vector<1x16xf32>,
      %parallel_loop3A_305 = vector.shape_cast %parallel_loop3A_304 : vector<1x16xf32> to vector<16xf32>
      %parallel_loop3A_306 = vector.broadcast %parallel_loop3A_262 : f32 to vector<16xf32>
      %parallel_loop3A_307 = arith.mulf %parallel_loop3A_306, %get3A_52 : vector<16xf32>
      %parallel_loop3A_308 = arith.addf %parallel_loop3A_307, %add3A_88 : vector<16xf32>
      %parallel_loop3A_309 = arith.mulf %parallel_loop3A_305, %parallel_loop3A_308 : vector<16xf32>
      %parallel_loop3A_310 = arith.index_cast %parallel_loop3A_255 : i32 to index
      %parallel_loop3A_311 = arith.constant 48 : index
      %parallel_loop3A_312 = tpu.vector_load %arg14[%parallel_loop3A_310, %parallel_loop3A_311] {strides = array<i32>} : memref<64x128xf32, #tpu.memory_space<vmem>>, vector<1x16xf32>,
      %parallel_loop3A_313 = vector.shape_cast %parallel_loop3A_312 : vector<1x16xf32> to vector<16xf32>
      %parallel_loop3A_314 = vector.shape_cast %parallel_loop3A_309 : vector<16xf32> to vector<1x16xf32>
      tpu.vector_store %arg14[%parallel_loop3A_310, %parallel_loop3A_311], %parallel_loop3A_314 {strides = array<i32>} : memref<64x128xf32, #tpu.memory_space<vmem>>, vector<1x16xf32>,
      %parallel_loop3A_315 = arith.index_cast %parallel_loop3A_255 : i32 to index
      %parallel_loop3A_316 = arith.constant 64 : index
      %parallel_loop3A_317 = tpu.vector_load %arg14[%parallel_loop3A_315, %parallel_loop3A_316] {strides = array<i32>} : memref<64x128xf32, #tpu.memory_space<vmem>>, vector<1x16xf32>,
      %parallel_loop3A_318 = vector.shape_cast %parallel_loop3A_317 : vector<1x16xf32> to vector<16xf32>
      %parallel_loop3A_319 = vector.broadcast %parallel_loop3A_262 : f32 to vector<16xf32>
      %parallel_loop3A_320 = arith.mulf %parallel_loop3A_319, %get3A_55 : vector<16xf32>
      %parallel_loop3A_321 = arith.addf %parallel_loop3A_320, %add3A_94 : vector<16xf32>
      %parallel_loop3A_322 = arith.mulf %parallel_loop3A_318, %parallel_loop3A_321 : vector<16xf32>
      %parallel_loop3A_323 = arith.index_cast %parallel_loop3A_255 : i32 to index
      %parallel_loop3A_324 = arith.constant 64 : index
      %parallel_loop3A_325 = tpu.vector_load %arg14[%parallel_loop3A_323, %parallel_loop3A_324] {strides = array<i32>} : memref<64x128xf32, #tpu.memory_space<vmem>>, vector<1x16xf32>,
      %parallel_loop3A_326 = vector.shape_cast %parallel_loop3A_325 : vector<1x16xf32> to vector<16xf32>
      %parallel_loop3A_327 = vector.shape_cast %parallel_loop3A_322 : vector<16xf32> to vector<1x16xf32>
      tpu.vector_store %arg14[%parallel_loop3A_323, %parallel_loop3A_324], %parallel_loop3A_327 {strides = array<i32>} : memref<64x128xf32, #tpu.memory_space<vmem>>, vector<1x16xf32>,
      %parallel_loop3A_328 = arith.index_cast %parallel_loop3A_255 : i32 to index
      %parallel_loop3A_329 = arith.constant 80 : index
      %parallel_loop3A_330 = tpu.vector_load %arg14[%parallel_loop3A_328, %parallel_loop3A_329] {strides = array<i32>} : memref<64x128xf32, #tpu.memory_space<vmem>>, vector<1x16xf32>,
      %parallel_loop3A_331 = vector.shape_cast %parallel_loop3A_330 : vector<1x16xf32> to vector<16xf32>
      %parallel_loop3A_332 = vector.broadcast %parallel_loop3A_262 : f32 to vector<16xf32>
      %parallel_loop3A_333 = arith.mulf %parallel_loop3A_332, %get3A_58 : vector<16xf32>
      %parallel_loop3A_334 = arith.addf %parallel_loop3A_333, %add3A_100 : vector<16xf32>
      %parallel_loop3A_335 = arith.mulf %parallel_loop3A_331, %parallel_loop3A_334 : vector<16xf32>
      %parallel_loop3A_336 = arith.index_cast %parallel_loop3A_255 : i32 to index
      %parallel_loop3A_337 = arith.constant 80 : index
      %parallel_loop3A_338 = tpu.vector_load %arg14[%parallel_loop3A_336, %parallel_loop3A_337] {strides = array<i32>} : memref<64x128xf32, #tpu.memory_space<vmem>>, vector<1x16xf32>,
      %parallel_loop3A_339 = vector.shape_cast %parallel_loop3A_338 : vector<1x16xf32> to vector<16xf32>
      %parallel_loop3A_340 = vector.shape_cast %parallel_loop3A_335 : vector<16xf32> to vector<1x16xf32>
      tpu.vector_store %arg14[%parallel_loop3A_336, %parallel_loop3A_337], %parallel_loop3A_340 {strides = array<i32>} : memref<64x128xf32, #tpu.memory_space<vmem>>, vector<1x16xf32>,
      %parallel_loop3A_341 = arith.index_cast %parallel_loop3A_255 : i32 to index
      %parallel_loop3A_342 = arith.constant 96 : index
      %parallel_loop3A_343 = tpu.vector_load %arg14[%parallel_loop3A_341, %parallel_loop3A_342] {strides = array<i32>} : memref<64x128xf32, #tpu.memory_space<vmem>>, vector<1x16xf32>,
      %parallel_loop3A_344 = vector.shape_cast %parallel_loop3A_343 : vector<1x16xf32> to vector<16xf32>
      %parallel_loop3A_345 = vector.broadcast %parallel_loop3A_262 : f32 to vector<16xf32>
      %parallel_loop3A_346 = arith.mulf %parallel_loop3A_345, %get3A_61 : vector<16xf32>
      %parallel_loop3A_347 = arith.addf %parallel_loop3A_346, %add3A_106 : vector<16xf32>
      %parallel_loop3A_348 = arith.mulf %parallel_loop3A_344, %parallel_loop3A_347 : vector<16xf32>
      %parallel_loop3A_349 = arith.index_cast %parallel_loop3A_255 : i32 to index
      %parallel_loop3A_350 = arith.constant 96 : index
      %parallel_loop3A_351 = tpu.vector_load %arg14[%parallel_loop3A_349, %parallel_loop3A_350] {strides = array<i32>} : memref<64x128xf32, #tpu.memory_space<vmem>>, vector<1x16xf32>,
      %parallel_loop3A_352 = vector.shape_cast %parallel_loop3A_351 : vector<1x16xf32> to vector<16xf32>
      %parallel_loop3A_353 = vector.shape_cast %parallel_loop3A_348 : vector<16xf32> to vector<1x16xf32>
      tpu.vector_store %arg14[%parallel_loop3A_349, %parallel_loop3A_350], %parallel_loop3A_353 {strides = array<i32>} : memref<64x128xf32, #tpu.memory_space<vmem>>, vector<1x16xf32>,
      %parallel_loop3A_354 = arith.index_cast %parallel_loop3A_255 : i32 to index
      %parallel_loop3A_355 = arith.constant 112 : index
      %parallel_loop3A_356 = tpu.vector_load %arg14[%parallel_loop3A_354, %parallel_loop3A_355] {strides = array<i32>} : memref<64x128xf32, #tpu.memory_space<vmem>>, vector<1x16xf32>,
      %parallel_loop3A_357 = vector.shape_cast %parallel_loop3A_356 : vector<1x16xf32> to vector<16xf32>
      %parallel_loop3A_358 = vector.broadcast %parallel_loop3A_262 : f32 to vector<16xf32>
      %parallel_loop3A_359 = arith.mulf %parallel_loop3A_358, %get3A_64 : vector<16xf32>
      %parallel_loop3A_360 = arith.addf %parallel_loop3A_359, %add3A_112 : vector<16xf32>
      %parallel_loop3A_361 = arith.mulf %parallel_loop3A_357, %parallel_loop3A_360 : vector<16xf32>
      %parallel_loop3A_362 = arith.index_cast %parallel_loop3A_255 : i32 to index
      %parallel_loop3A_363 = arith.constant 112 : index
      %parallel_loop3A_364 = tpu.vector_load %arg14[%parallel_loop3A_362, %parallel_loop3A_363] {strides = array<i32>} : memref<64x128xf32, #tpu.memory_space<vmem>>, vector<1x16xf32>,
      %parallel_loop3A_365 = vector.shape_cast %parallel_loop3A_364 : vector<1x16xf32> to vector<16xf32>
      %parallel_loop3A_366 = vector.shape_cast %parallel_loop3A_361 : vector<16xf32> to vector<1x16xf32>
      tpu.vector_store %arg14[%parallel_loop3A_362, %parallel_loop3A_363], %parallel_loop3A_366 {strides = array<i32>} : memref<64x128xf32, #tpu.memory_space<vmem>>, vector<1x16xf32>,
    } {sc.loop_unroll_factor = 4 : i64, sc.parallel_access}
    %add3A_147 = arith.constant 128 : i32
    %add3A_148 = arith.addi %mul3A_2, %add3A_147 : i32
    %dma_start3A_149 = arith.constant 0 : i32
    %dma_start3A_150 = tpu.memref_slice %arg7[%add3A_148, %dma_start3A_149] : memref<16384x128xf32, #tpu.memory_space<hbm>> -> memref<64x128xf32, #tpu.memory_space<hbm>>
    %dma_start3A_151 = arith.constant 0 : i32
    %dma_start3A_152 = tpu.memref_slice %arg7[%add3A_148, %dma_start3A_151] : memref<16384x128xf32, #tpu.memory_space<hbm>> -> memref<64x128xf32, #tpu.memory_space<hbm>>
    tpu.enqueue_dma source(%arg14 : memref<64x128xf32, #tpu.memory_space<vmem>>) target(%dma_start3A_152 : memref<64x128xf32, #tpu.memory_space<hbm>>) target_semaphore(%arg28 : memref<!tpu.dma_semaphore, #tpu.memory_space<semaphore_mem>>)
    %dma_wait3A_153 = arith.constant 192 : i32
    %dma_wait3A_154 = tpu.memref_slice %arg8[%dma_wait3A_153] : memref<512xi32, #tpu.memory_space<vmem>> -> memref<64xi32, #tpu.memory_space<vmem>>
    %dma_wait3A_155 = arith.constant 0 : i32
    %dma_wait3A_156 = arith.constant 0 : i32
    %dma_wait3A_157 = tpu.memref_slice %arg2[%dma_wait3A_155, %dma_wait3A_156] : memref<1000000x128xf32, #tpu.memory_space<hbm>> -> memref<1000000x128xf32, #tpu.memory_space<hbm>>
    tpu.wait_indirect_dma semaphore(%arg23 : memref<!tpu.dma_semaphore, #tpu.memory_space<semaphore_mem>>) src(%dma_wait3A_157 : memref<1000000x128xf32, #tpu.memory_space<hbm>>) dst(%arg15 : memref<64x128xf32, #tpu.memory_space<vmem>>)
    %parallel_loop3A_158 = arith.constant 0 : i32
    %parallel_loop3A_159 = arith.constant 64 : i32
    %parallel_loop3A_160 = arith.constant 1 : i32
    scf.for %parallel_loop3A_255 = %parallel_loop3A_158 to %parallel_loop3A_159 step %parallel_loop3A_160  : i32 {
      %parallel_loop3A_256 = arith.constant 192 : i32
      %parallel_loop3A_257 = arith.addi %parallel_loop3A_256, %parallel_loop3A_255 : i32
      %parallel_loop3A_258 = arith.index_cast %parallel_loop3A_257 : i32 to index
      %parallel_loop3A_259 = tpu.vector_load %arg9[%parallel_loop3A_258] {strides = array<i32>} : memref<528xf32, #tpu.memory_space<vmem>>, vector<16xf32>,
      %parallel_loop3A_260 = vector.shape_cast %parallel_loop3A_259 : vector<16xf32> to vector<16xf32>
      %parallel_loop3A_261 = vector.extract_strided_slice %parallel_loop3A_260 {offsets = [0], sizes = [1], strides = [1]} : vector<16xf32> to vector<1xf32>
      %parallel_loop3A_262 = vector.extract %parallel_loop3A_261[0] : f32 from vector<1xf32>
      %parallel_loop3A_263 = arith.index_cast %parallel_loop3A_255 : i32 to index
      %parallel_loop3A_264 = arith.constant 0 : index
      %parallel_loop3A_265 = tpu.vector_load %arg15[%parallel_loop3A_263, %parallel_loop3A_264] {strides = array<i32>} : memref<64x128xf32, #tpu.memory_space<vmem>>, vector<1x16xf32>,
      %parallel_loop3A_266 = vector.shape_cast %parallel_loop3A_265 : vector<1x16xf32> to vector<16xf32>
      %parallel_loop3A_267 = vector.broadcast %parallel_loop3A_262 : f32 to vector<16xf32>
      %parallel_loop3A_268 = arith.mulf %parallel_loop3A_267, %get3A_43 : vector<16xf32>
      %parallel_loop3A_269 = arith.addf %parallel_loop3A_268, %add3A_70 : vector<16xf32>
      %parallel_loop3A_270 = arith.mulf %parallel_loop3A_266, %parallel_loop3A_269 : vector<16xf32>
      %parallel_loop3A_271 = arith.index_cast %parallel_loop3A_255 : i32 to index
      %parallel_loop3A_272 = arith.constant 0 : index
      %parallel_loop3A_273 = tpu.vector_load %arg15[%parallel_loop3A_271, %parallel_loop3A_272] {strides = array<i32>} : memref<64x128xf32, #tpu.memory_space<vmem>>, vector<1x16xf32>,
      %parallel_loop3A_274 = vector.shape_cast %parallel_loop3A_273 : vector<1x16xf32> to vector<16xf32>
      %parallel_loop3A_275 = vector.shape_cast %parallel_loop3A_270 : vector<16xf32> to vector<1x16xf32>
      tpu.vector_store %arg15[%parallel_loop3A_271, %parallel_loop3A_272], %parallel_loop3A_275 {strides = array<i32>} : memref<64x128xf32, #tpu.memory_space<vmem>>, vector<1x16xf32>,
      %parallel_loop3A_276 = arith.index_cast %parallel_loop3A_255 : i32 to index
      %parallel_loop3A_277 = arith.constant 16 : index
      %parallel_loop3A_278 = tpu.vector_load %arg15[%parallel_loop3A_276, %parallel_loop3A_277] {strides = array<i32>} : memref<64x128xf32, #tpu.memory_space<vmem>>, vector<1x16xf32>,
      %parallel_loop3A_279 = vector.shape_cast %parallel_loop3A_278 : vector<1x16xf32> to vector<16xf32>
      %parallel_loop3A_280 = vector.broadcast %parallel_loop3A_262 : f32 to vector<16xf32>
      %parallel_loop3A_281 = arith.mulf %parallel_loop3A_280, %get3A_46 : vector<16xf32>
      %parallel_loop3A_282 = arith.addf %parallel_loop3A_281, %add3A_76 : vector<16xf32>
      %parallel_loop3A_283 = arith.mulf %parallel_loop3A_279, %parallel_loop3A_282 : vector<16xf32>
      %parallel_loop3A_284 = arith.index_cast %parallel_loop3A_255 : i32 to index
      %parallel_loop3A_285 = arith.constant 16 : index
      %parallel_loop3A_286 = tpu.vector_load %arg15[%parallel_loop3A_284, %parallel_loop3A_285] {strides = array<i32>} : memref<64x128xf32, #tpu.memory_space<vmem>>, vector<1x16xf32>,
      %parallel_loop3A_287 = vector.shape_cast %parallel_loop3A_286 : vector<1x16xf32> to vector<16xf32>
      %parallel_loop3A_288 = vector.shape_cast %parallel_loop3A_283 : vector<16xf32> to vector<1x16xf32>
      tpu.vector_store %arg15[%parallel_loop3A_284, %parallel_loop3A_285], %parallel_loop3A_288 {strides = array<i32>} : memref<64x128xf32, #tpu.memory_space<vmem>>, vector<1x16xf32>,
      %parallel_loop3A_289 = arith.index_cast %parallel_loop3A_255 : i32 to index
      %parallel_loop3A_290 = arith.constant 32 : index
      %parallel_loop3A_291 = tpu.vector_load %arg15[%parallel_loop3A_289, %parallel_loop3A_290] {strides = array<i32>} : memref<64x128xf32, #tpu.memory_space<vmem>>, vector<1x16xf32>,
      %parallel_loop3A_292 = vector.shape_cast %parallel_loop3A_291 : vector<1x16xf32> to vector<16xf32>
      %parallel_loop3A_293 = vector.broadcast %parallel_loop3A_262 : f32 to vector<16xf32>
      %parallel_loop3A_294 = arith.mulf %parallel_loop3A_293, %get3A_49 : vector<16xf32>
      %parallel_loop3A_295 = arith.addf %parallel_loop3A_294, %add3A_82 : vector<16xf32>
      %parallel_loop3A_296 = arith.mulf %parallel_loop3A_292, %parallel_loop3A_295 : vector<16xf32>
      %parallel_loop3A_297 = arith.index_cast %parallel_loop3A_255 : i32 to index
      %parallel_loop3A_298 = arith.constant 32 : index
      %parallel_loop3A_299 = tpu.vector_load %arg15[%parallel_loop3A_297, %parallel_loop3A_298] {strides = array<i32>} : memref<64x128xf32, #tpu.memory_space<vmem>>, vector<1x16xf32>,
      %parallel_loop3A_300 = vector.shape_cast %parallel_loop3A_299 : vector<1x16xf32> to vector<16xf32>
      %parallel_loop3A_301 = vector.shape_cast %parallel_loop3A_296 : vector<16xf32> to vector<1x16xf32>
      tpu.vector_store %arg15[%parallel_loop3A_297, %parallel_loop3A_298], %parallel_loop3A_301 {strides = array<i32>} : memref<64x128xf32, #tpu.memory_space<vmem>>, vector<1x16xf32>,
      %parallel_loop3A_302 = arith.index_cast %parallel_loop3A_255 : i32 to index
      %parallel_loop3A_303 = arith.constant 48 : index
      %parallel_loop3A_304 = tpu.vector_load %arg15[%parallel_loop3A_302, %parallel_loop3A_303] {strides = array<i32>} : memref<64x128xf32, #tpu.memory_space<vmem>>, vector<1x16xf32>,
      %parallel_loop3A_305 = vector.shape_cast %parallel_loop3A_304 : vector<1x16xf32> to vector<16xf32>
      %parallel_loop3A_306 = vector.broadcast %parallel_loop3A_262 : f32 to vector<16xf32>
      %parallel_loop3A_307 = arith.mulf %parallel_loop3A_306, %get3A_52 : vector<16xf32>
      %parallel_loop3A_308 = arith.addf %parallel_loop3A_307, %add3A_88 : vector<16xf32>
      %parallel_loop3A_309 = arith.mulf %parallel_loop3A_305, %parallel_loop3A_308 : vector<16xf32>
      %parallel_loop3A_310 = arith.index_cast %parallel_loop3A_255 : i32 to index
      %parallel_loop3A_311 = arith.constant 48 : index
      %parallel_loop3A_312 = tpu.vector_load %arg15[%parallel_loop3A_310, %parallel_loop3A_311] {strides = array<i32>} : memref<64x128xf32, #tpu.memory_space<vmem>>, vector<1x16xf32>,
      %parallel_loop3A_313 = vector.shape_cast %parallel_loop3A_312 : vector<1x16xf32> to vector<16xf32>
      %parallel_loop3A_314 = vector.shape_cast %parallel_loop3A_309 : vector<16xf32> to vector<1x16xf32>
      tpu.vector_store %arg15[%parallel_loop3A_310, %parallel_loop3A_311], %parallel_loop3A_314 {strides = array<i32>} : memref<64x128xf32, #tpu.memory_space<vmem>>, vector<1x16xf32>,
      %parallel_loop3A_315 = arith.index_cast %parallel_loop3A_255 : i32 to index
      %parallel_loop3A_316 = arith.constant 64 : index
      %parallel_loop3A_317 = tpu.vector_load %arg15[%parallel_loop3A_315, %parallel_loop3A_316] {strides = array<i32>} : memref<64x128xf32, #tpu.memory_space<vmem>>, vector<1x16xf32>,
      %parallel_loop3A_318 = vector.shape_cast %parallel_loop3A_317 : vector<1x16xf32> to vector<16xf32>
      %parallel_loop3A_319 = vector.broadcast %parallel_loop3A_262 : f32 to vector<16xf32>
      %parallel_loop3A_320 = arith.mulf %parallel_loop3A_319, %get3A_55 : vector<16xf32>
      %parallel_loop3A_321 = arith.addf %parallel_loop3A_320, %add3A_94 : vector<16xf32>
      %parallel_loop3A_322 = arith.mulf %parallel_loop3A_318, %parallel_loop3A_321 : vector<16xf32>
      %parallel_loop3A_323 = arith.index_cast %parallel_loop3A_255 : i32 to index
      %parallel_loop3A_324 = arith.constant 64 : index
      %parallel_loop3A_325 = tpu.vector_load %arg15[%parallel_loop3A_323, %parallel_loop3A_324] {strides = array<i32>} : memref<64x128xf32, #tpu.memory_space<vmem>>, vector<1x16xf32>,
      %parallel_loop3A_326 = vector.shape_cast %parallel_loop3A_325 : vector<1x16xf32> to vector<16xf32>
      %parallel_loop3A_327 = vector.shape_cast %parallel_loop3A_322 : vector<16xf32> to vector<1x16xf32>
      tpu.vector_store %arg15[%parallel_loop3A_323, %parallel_loop3A_324], %parallel_loop3A_327 {strides = array<i32>} : memref<64x128xf32, #tpu.memory_space<vmem>>, vector<1x16xf32>,
      %parallel_loop3A_328 = arith.index_cast %parallel_loop3A_255 : i32 to index
      %parallel_loop3A_329 = arith.constant 80 : index
      %parallel_loop3A_330 = tpu.vector_load %arg15[%parallel_loop3A_328, %parallel_loop3A_329] {strides = array<i32>} : memref<64x128xf32, #tpu.memory_space<vmem>>, vector<1x16xf32>,
      %parallel_loop3A_331 = vector.shape_cast %parallel_loop3A_330 : vector<1x16xf32> to vector<16xf32>
      %parallel_loop3A_332 = vector.broadcast %parallel_loop3A_262 : f32 to vector<16xf32>
      %parallel_loop3A_333 = arith.mulf %parallel_loop3A_332, %get3A_58 : vector<16xf32>
      %parallel_loop3A_334 = arith.addf %parallel_loop3A_333, %add3A_100 : vector<16xf32>
      %parallel_loop3A_335 = arith.mulf %parallel_loop3A_331, %parallel_loop3A_334 : vector<16xf32>
      %parallel_loop3A_336 = arith.index_cast %parallel_loop3A_255 : i32 to index
      %parallel_loop3A_337 = arith.constant 80 : index
      %parallel_loop3A_338 = tpu.vector_load %arg15[%parallel_loop3A_336, %parallel_loop3A_337] {strides = array<i32>} : memref<64x128xf32, #tpu.memory_space<vmem>>, vector<1x16xf32>,
      %parallel_loop3A_339 = vector.shape_cast %parallel_loop3A_338 : vector<1x16xf32> to vector<16xf32>
      %parallel_loop3A_340 = vector.shape_cast %parallel_loop3A_335 : vector<16xf32> to vector<1x16xf32>
      tpu.vector_store %arg15[%parallel_loop3A_336, %parallel_loop3A_337], %parallel_loop3A_340 {strides = array<i32>} : memref<64x128xf32, #tpu.memory_space<vmem>>, vector<1x16xf32>,
      %parallel_loop3A_341 = arith.index_cast %parallel_loop3A_255 : i32 to index
      %parallel_loop3A_342 = arith.constant 96 : index
      %parallel_loop3A_343 = tpu.vector_load %arg15[%parallel_loop3A_341, %parallel_loop3A_342] {strides = array<i32>} : memref<64x128xf32, #tpu.memory_space<vmem>>, vector<1x16xf32>,
      %parallel_loop3A_344 = vector.shape_cast %parallel_loop3A_343 : vector<1x16xf32> to vector<16xf32>
      %parallel_loop3A_345 = vector.broadcast %parallel_loop3A_262 : f32 to vector<16xf32>
      %parallel_loop3A_346 = arith.mulf %parallel_loop3A_345, %get3A_61 : vector<16xf32>
      %parallel_loop3A_347 = arith.addf %parallel_loop3A_346, %add3A_106 : vector<16xf32>
      %parallel_loop3A_348 = arith.mulf %parallel_loop3A_344, %parallel_loop3A_347 : vector<16xf32>
      %parallel_loop3A_349 = arith.index_cast %parallel_loop3A_255 : i32 to index
      %parallel_loop3A_350 = arith.constant 96 : index
      %parallel_loop3A_351 = tpu.vector_load %arg15[%parallel_loop3A_349, %parallel_loop3A_350] {strides = array<i32>} : memref<64x128xf32, #tpu.memory_space<vmem>>, vector<1x16xf32>,
      %parallel_loop3A_352 = vector.shape_cast %parallel_loop3A_351 : vector<1x16xf32> to vector<16xf32>
      %parallel_loop3A_353 = vector.shape_cast %parallel_loop3A_348 : vector<16xf32> to vector<1x16xf32>
      tpu.vector_store %arg15[%parallel_loop3A_349, %parallel_loop3A_350], %parallel_loop3A_353 {strides = array<i32>} : memref<64x128xf32, #tpu.memory_space<vmem>>, vector<1x16xf32>,
      %parallel_loop3A_354 = arith.index_cast %parallel_loop3A_255 : i32 to index
      %parallel_loop3A_355 = arith.constant 112 : index
      %parallel_loop3A_356 = tpu.vector_load %arg15[%parallel_loop3A_354, %parallel_loop3A_355] {strides = array<i32>} : memref<64x128xf32, #tpu.memory_space<vmem>>, vector<1x16xf32>,
      %parallel_loop3A_357 = vector.shape_cast %parallel_loop3A_356 : vector<1x16xf32> to vector<16xf32>
      %parallel_loop3A_358 = vector.broadcast %parallel_loop3A_262 : f32 to vector<16xf32>
      %parallel_loop3A_359 = arith.mulf %parallel_loop3A_358, %get3A_64 : vector<16xf32>
      %parallel_loop3A_360 = arith.addf %parallel_loop3A_359, %add3A_112 : vector<16xf32>
      %parallel_loop3A_361 = arith.mulf %parallel_loop3A_357, %parallel_loop3A_360 : vector<16xf32>
      %parallel_loop3A_362 = arith.index_cast %parallel_loop3A_255 : i32 to index
      %parallel_loop3A_363 = arith.constant 112 : index
      %parallel_loop3A_364 = tpu.vector_load %arg15[%parallel_loop3A_362, %parallel_loop3A_363] {strides = array<i32>} : memref<64x128xf32, #tpu.memory_space<vmem>>, vector<1x16xf32>,
      %parallel_loop3A_365 = vector.shape_cast %parallel_loop3A_364 : vector<1x16xf32> to vector<16xf32>
      %parallel_loop3A_366 = vector.shape_cast %parallel_loop3A_361 : vector<16xf32> to vector<1x16xf32>
      tpu.vector_store %arg15[%parallel_loop3A_362, %parallel_loop3A_363], %parallel_loop3A_366 {strides = array<i32>} : memref<64x128xf32, #tpu.memory_space<vmem>>, vector<1x16xf32>,
    } {sc.loop_unroll_factor = 4 : i64, sc.parallel_access}
    %add3A_161 = arith.constant 192 : i32
    %add3A_162 = arith.addi %mul3A_2, %add3A_161 : i32
    %dma_start3A_163 = arith.constant 0 : i32
    %dma_start3A_164 = tpu.memref_slice %arg7[%add3A_162, %dma_start3A_163] : memref<16384x128xf32, #tpu.memory_space<hbm>> -> memref<64x128xf32, #tpu.memory_space<hbm>>
    %dma_start3A_165 = arith.constant 0 : i32
    %dma_start3A_166 = tpu.memref_slice %arg7[%add3A_162, %dma_start3A_165] : memref<16384x128xf32, #tpu.memory_space<hbm>> -> memref<64x128xf32, #tpu.memory_space<hbm>>
    tpu.enqueue_dma source(%arg15 : memref<64x128xf32, #tpu.memory_space<vmem>>) target(%dma_start3A_166 : memref<64x128xf32, #tpu.memory_space<hbm>>) target_semaphore(%arg28 : memref<!tpu.dma_semaphore, #tpu.memory_space<semaphore_mem>>)
    %dma_wait3A_167 = arith.constant 256 : i32
    %dma_wait3A_168 = tpu.memref_slice %arg8[%dma_wait3A_167] : memref<512xi32, #tpu.memory_space<vmem>> -> memref<64xi32, #tpu.memory_space<vmem>>
    %dma_wait3A_169 = arith.constant 0 : i32
    %dma_wait3A_170 = arith.constant 0 : i32
    %dma_wait3A_171 = tpu.memref_slice %arg2[%dma_wait3A_169, %dma_wait3A_170] : memref<1000000x128xf32, #tpu.memory_space<hbm>> -> memref<1000000x128xf32, #tpu.memory_space<hbm>>
    tpu.wait_indirect_dma semaphore(%arg24 : memref<!tpu.dma_semaphore, #tpu.memory_space<semaphore_mem>>) src(%dma_wait3A_171 : memref<1000000x128xf32, #tpu.memory_space<hbm>>) dst(%arg16 : memref<64x128xf32, #tpu.memory_space<vmem>>)
    %parallel_loop3A_172 = arith.constant 0 : i32
    %parallel_loop3A_173 = arith.constant 64 : i32
    %parallel_loop3A_174 = arith.constant 1 : i32
    scf.for %parallel_loop3A_255 = %parallel_loop3A_172 to %parallel_loop3A_173 step %parallel_loop3A_174  : i32 {
      %parallel_loop3A_256 = arith.constant 256 : i32
      %parallel_loop3A_257 = arith.addi %parallel_loop3A_256, %parallel_loop3A_255 : i32
      %parallel_loop3A_258 = arith.index_cast %parallel_loop3A_257 : i32 to index
      %parallel_loop3A_259 = tpu.vector_load %arg9[%parallel_loop3A_258] {strides = array<i32>} : memref<528xf32, #tpu.memory_space<vmem>>, vector<16xf32>,
      %parallel_loop3A_260 = vector.shape_cast %parallel_loop3A_259 : vector<16xf32> to vector<16xf32>
      %parallel_loop3A_261 = vector.extract_strided_slice %parallel_loop3A_260 {offsets = [0], sizes = [1], strides = [1]} : vector<16xf32> to vector<1xf32>
      %parallel_loop3A_262 = vector.extract %parallel_loop3A_261[0] : f32 from vector<1xf32>
      %parallel_loop3A_263 = arith.index_cast %parallel_loop3A_255 : i32 to index
      %parallel_loop3A_264 = arith.constant 0 : index
      %parallel_loop3A_265 = tpu.vector_load %arg16[%parallel_loop3A_263, %parallel_loop3A_264] {strides = array<i32>} : memref<64x128xf32, #tpu.memory_space<vmem>>, vector<1x16xf32>,
      %parallel_loop3A_266 = vector.shape_cast %parallel_loop3A_265 : vector<1x16xf32> to vector<16xf32>
      %parallel_loop3A_267 = vector.broadcast %parallel_loop3A_262 : f32 to vector<16xf32>
      %parallel_loop3A_268 = arith.mulf %parallel_loop3A_267, %get3A_43 : vector<16xf32>
      %parallel_loop3A_269 = arith.addf %parallel_loop3A_268, %add3A_70 : vector<16xf32>
      %parallel_loop3A_270 = arith.mulf %parallel_loop3A_266, %parallel_loop3A_269 : vector<16xf32>
      %parallel_loop3A_271 = arith.index_cast %parallel_loop3A_255 : i32 to index
      %parallel_loop3A_272 = arith.constant 0 : index
      %parallel_loop3A_273 = tpu.vector_load %arg16[%parallel_loop3A_271, %parallel_loop3A_272] {strides = array<i32>} : memref<64x128xf32, #tpu.memory_space<vmem>>, vector<1x16xf32>,
      %parallel_loop3A_274 = vector.shape_cast %parallel_loop3A_273 : vector<1x16xf32> to vector<16xf32>
      %parallel_loop3A_275 = vector.shape_cast %parallel_loop3A_270 : vector<16xf32> to vector<1x16xf32>
      tpu.vector_store %arg16[%parallel_loop3A_271, %parallel_loop3A_272], %parallel_loop3A_275 {strides = array<i32>} : memref<64x128xf32, #tpu.memory_space<vmem>>, vector<1x16xf32>,
      %parallel_loop3A_276 = arith.index_cast %parallel_loop3A_255 : i32 to index
      %parallel_loop3A_277 = arith.constant 16 : index
      %parallel_loop3A_278 = tpu.vector_load %arg16[%parallel_loop3A_276, %parallel_loop3A_277] {strides = array<i32>} : memref<64x128xf32, #tpu.memory_space<vmem>>, vector<1x16xf32>,
      %parallel_loop3A_279 = vector.shape_cast %parallel_loop3A_278 : vector<1x16xf32> to vector<16xf32>
      %parallel_loop3A_280 = vector.broadcast %parallel_loop3A_262 : f32 to vector<16xf32>
      %parallel_loop3A_281 = arith.mulf %parallel_loop3A_280, %get3A_46 : vector<16xf32>
      %parallel_loop3A_282 = arith.addf %parallel_loop3A_281, %add3A_76 : vector<16xf32>
      %parallel_loop3A_283 = arith.mulf %parallel_loop3A_279, %parallel_loop3A_282 : vector<16xf32>
      %parallel_loop3A_284 = arith.index_cast %parallel_loop3A_255 : i32 to index
      %parallel_loop3A_285 = arith.constant 16 : index
      %parallel_loop3A_286 = tpu.vector_load %arg16[%parallel_loop3A_284, %parallel_loop3A_285] {strides = array<i32>} : memref<64x128xf32, #tpu.memory_space<vmem>>, vector<1x16xf32>,
      %parallel_loop3A_287 = vector.shape_cast %parallel_loop3A_286 : vector<1x16xf32> to vector<16xf32>
      %parallel_loop3A_288 = vector.shape_cast %parallel_loop3A_283 : vector<16xf32> to vector<1x16xf32>
      tpu.vector_store %arg16[%parallel_loop3A_284, %parallel_loop3A_285], %parallel_loop3A_288 {strides = array<i32>} : memref<64x128xf32, #tpu.memory_space<vmem>>, vector<1x16xf32>,
      %parallel_loop3A_289 = arith.index_cast %parallel_loop3A_255 : i32 to index
      %parallel_loop3A_290 = arith.constant 32 : index
      %parallel_loop3A_291 = tpu.vector_load %arg16[%parallel_loop3A_289, %parallel_loop3A_290] {strides = array<i32>} : memref<64x128xf32, #tpu.memory_space<vmem>>, vector<1x16xf32>,
      %parallel_loop3A_292 = vector.shape_cast %parallel_loop3A_291 : vector<1x16xf32> to vector<16xf32>
      %parallel_loop3A_293 = vector.broadcast %parallel_loop3A_262 : f32 to vector<16xf32>
      %parallel_loop3A_294 = arith.mulf %parallel_loop3A_293, %get3A_49 : vector<16xf32>
      %parallel_loop3A_295 = arith.addf %parallel_loop3A_294, %add3A_82 : vector<16xf32>
      %parallel_loop3A_296 = arith.mulf %parallel_loop3A_292, %parallel_loop3A_295 : vector<16xf32>
      %parallel_loop3A_297 = arith.index_cast %parallel_loop3A_255 : i32 to index
      %parallel_loop3A_298 = arith.constant 32 : index
      %parallel_loop3A_299 = tpu.vector_load %arg16[%parallel_loop3A_297, %parallel_loop3A_298] {strides = array<i32>} : memref<64x128xf32, #tpu.memory_space<vmem>>, vector<1x16xf32>,
      %parallel_loop3A_300 = vector.shape_cast %parallel_loop3A_299 : vector<1x16xf32> to vector<16xf32>
      %parallel_loop3A_301 = vector.shape_cast %parallel_loop3A_296 : vector<16xf32> to vector<1x16xf32>
      tpu.vector_store %arg16[%parallel_loop3A_297, %parallel_loop3A_298], %parallel_loop3A_301 {strides = array<i32>} : memref<64x128xf32, #tpu.memory_space<vmem>>, vector<1x16xf32>,
      %parallel_loop3A_302 = arith.index_cast %parallel_loop3A_255 : i32 to index
      %parallel_loop3A_303 = arith.constant 48 : index
      %parallel_loop3A_304 = tpu.vector_load %arg16[%parallel_loop3A_302, %parallel_loop3A_303] {strides = array<i32>} : memref<64x128xf32, #tpu.memory_space<vmem>>, vector<1x16xf32>,
      %parallel_loop3A_305 = vector.shape_cast %parallel_loop3A_304 : vector<1x16xf32> to vector<16xf32>
      %parallel_loop3A_306 = vector.broadcast %parallel_loop3A_262 : f32 to vector<16xf32>
      %parallel_loop3A_307 = arith.mulf %parallel_loop3A_306, %get3A_52 : vector<16xf32>
      %parallel_loop3A_308 = arith.addf %parallel_loop3A_307, %add3A_88 : vector<16xf32>
      %parallel_loop3A_309 = arith.mulf %parallel_loop3A_305, %parallel_loop3A_308 : vector<16xf32>
      %parallel_loop3A_310 = arith.index_cast %parallel_loop3A_255 : i32 to index
      %parallel_loop3A_311 = arith.constant 48 : index
      %parallel_loop3A_312 = tpu.vector_load %arg16[%parallel_loop3A_310, %parallel_loop3A_311] {strides = array<i32>} : memref<64x128xf32, #tpu.memory_space<vmem>>, vector<1x16xf32>,
      %parallel_loop3A_313 = vector.shape_cast %parallel_loop3A_312 : vector<1x16xf32> to vector<16xf32>
      %parallel_loop3A_314 = vector.shape_cast %parallel_loop3A_309 : vector<16xf32> to vector<1x16xf32>
      tpu.vector_store %arg16[%parallel_loop3A_310, %parallel_loop3A_311], %parallel_loop3A_314 {strides = array<i32>} : memref<64x128xf32, #tpu.memory_space<vmem>>, vector<1x16xf32>,
      %parallel_loop3A_315 = arith.index_cast %parallel_loop3A_255 : i32 to index
      %parallel_loop3A_316 = arith.constant 64 : index
      %parallel_loop3A_317 = tpu.vector_load %arg16[%parallel_loop3A_315, %parallel_loop3A_316] {strides = array<i32>} : memref<64x128xf32, #tpu.memory_space<vmem>>, vector<1x16xf32>,
      %parallel_loop3A_318 = vector.shape_cast %parallel_loop3A_317 : vector<1x16xf32> to vector<16xf32>
      %parallel_loop3A_319 = vector.broadcast %parallel_loop3A_262 : f32 to vector<16xf32>
      %parallel_loop3A_320 = arith.mulf %parallel_loop3A_319, %get3A_55 : vector<16xf32>
      %parallel_loop3A_321 = arith.addf %parallel_loop3A_320, %add3A_94 : vector<16xf32>
      %parallel_loop3A_322 = arith.mulf %parallel_loop3A_318, %parallel_loop3A_321 : vector<16xf32>
      %parallel_loop3A_323 = arith.index_cast %parallel_loop3A_255 : i32 to index
      %parallel_loop3A_324 = arith.constant 64 : index
      %parallel_loop3A_325 = tpu.vector_load %arg16[%parallel_loop3A_323, %parallel_loop3A_324] {strides = array<i32>} : memref<64x128xf32, #tpu.memory_space<vmem>>, vector<1x16xf32>,
      %parallel_loop3A_326 = vector.shape_cast %parallel_loop3A_325 : vector<1x16xf32> to vector<16xf32>
      %parallel_loop3A_327 = vector.shape_cast %parallel_loop3A_322 : vector<16xf32> to vector<1x16xf32>
      tpu.vector_store %arg16[%parallel_loop3A_323, %parallel_loop3A_324], %parallel_loop3A_327 {strides = array<i32>} : memref<64x128xf32, #tpu.memory_space<vmem>>, vector<1x16xf32>,
      %parallel_loop3A_328 = arith.index_cast %parallel_loop3A_255 : i32 to index
      %parallel_loop3A_329 = arith.constant 80 : index
      %parallel_loop3A_330 = tpu.vector_load %arg16[%parallel_loop3A_328, %parallel_loop3A_329] {strides = array<i32>} : memref<64x128xf32, #tpu.memory_space<vmem>>, vector<1x16xf32>,
      %parallel_loop3A_331 = vector.shape_cast %parallel_loop3A_330 : vector<1x16xf32> to vector<16xf32>
      %parallel_loop3A_332 = vector.broadcast %parallel_loop3A_262 : f32 to vector<16xf32>
      %parallel_loop3A_333 = arith.mulf %parallel_loop3A_332, %get3A_58 : vector<16xf32>
      %parallel_loop3A_334 = arith.addf %parallel_loop3A_333, %add3A_100 : vector<16xf32>
      %parallel_loop3A_335 = arith.mulf %parallel_loop3A_331, %parallel_loop3A_334 : vector<16xf32>
      %parallel_loop3A_336 = arith.index_cast %parallel_loop3A_255 : i32 to index
      %parallel_loop3A_337 = arith.constant 80 : index
      %parallel_loop3A_338 = tpu.vector_load %arg16[%parallel_loop3A_336, %parallel_loop3A_337] {strides = array<i32>} : memref<64x128xf32, #tpu.memory_space<vmem>>, vector<1x16xf32>,
      %parallel_loop3A_339 = vector.shape_cast %parallel_loop3A_338 : vector<1x16xf32> to vector<16xf32>
      %parallel_loop3A_340 = vector.shape_cast %parallel_loop3A_335 : vector<16xf32> to vector<1x16xf32>
      tpu.vector_store %arg16[%parallel_loop3A_336, %parallel_loop3A_337], %parallel_loop3A_340 {strides = array<i32>} : memref<64x128xf32, #tpu.memory_space<vmem>>, vector<1x16xf32>,
      %parallel_loop3A_341 = arith.index_cast %parallel_loop3A_255 : i32 to index
      %parallel_loop3A_342 = arith.constant 96 : index
      %parallel_loop3A_343 = tpu.vector_load %arg16[%parallel_loop3A_341, %parallel_loop3A_342] {strides = array<i32>} : memref<64x128xf32, #tpu.memory_space<vmem>>, vector<1x16xf32>,
      %parallel_loop3A_344 = vector.shape_cast %parallel_loop3A_343 : vector<1x16xf32> to vector<16xf32>
      %parallel_loop3A_345 = vector.broadcast %parallel_loop3A_262 : f32 to vector<16xf32>
      %parallel_loop3A_346 = arith.mulf %parallel_loop3A_345, %get3A_61 : vector<16xf32>
      %parallel_loop3A_347 = arith.addf %parallel_loop3A_346, %add3A_106 : vector<16xf32>
      %parallel_loop3A_348 = arith.mulf %parallel_loop3A_344, %parallel_loop3A_347 : vector<16xf32>
      %parallel_loop3A_349 = arith.index_cast %parallel_loop3A_255 : i32 to index
      %parallel_loop3A_350 = arith.constant 96 : index
      %parallel_loop3A_351 = tpu.vector_load %arg16[%parallel_loop3A_349, %parallel_loop3A_350] {strides = array<i32>} : memref<64x128xf32, #tpu.memory_space<vmem>>, vector<1x16xf32>,
      %parallel_loop3A_352 = vector.shape_cast %parallel_loop3A_351 : vector<1x16xf32> to vector<16xf32>
      %parallel_loop3A_353 = vector.shape_cast %parallel_loop3A_348 : vector<16xf32> to vector<1x16xf32>
      tpu.vector_store %arg16[%parallel_loop3A_349, %parallel_loop3A_350], %parallel_loop3A_353 {strides = array<i32>} : memref<64x128xf32, #tpu.memory_space<vmem>>, vector<1x16xf32>,
      %parallel_loop3A_354 = arith.index_cast %parallel_loop3A_255 : i32 to index
      %parallel_loop3A_355 = arith.constant 112 : index
      %parallel_loop3A_356 = tpu.vector_load %arg16[%parallel_loop3A_354, %parallel_loop3A_355] {strides = array<i32>} : memref<64x128xf32, #tpu.memory_space<vmem>>, vector<1x16xf32>,
      %parallel_loop3A_357 = vector.shape_cast %parallel_loop3A_356 : vector<1x16xf32> to vector<16xf32>
      %parallel_loop3A_358 = vector.broadcast %parallel_loop3A_262 : f32 to vector<16xf32>
      %parallel_loop3A_359 = arith.mulf %parallel_loop3A_358, %get3A_64 : vector<16xf32>
      %parallel_loop3A_360 = arith.addf %parallel_loop3A_359, %add3A_112 : vector<16xf32>
      %parallel_loop3A_361 = arith.mulf %parallel_loop3A_357, %parallel_loop3A_360 : vector<16xf32>
      %parallel_loop3A_362 = arith.index_cast %parallel_loop3A_255 : i32 to index
      %parallel_loop3A_363 = arith.constant 112 : index
      %parallel_loop3A_364 = tpu.vector_load %arg16[%parallel_loop3A_362, %parallel_loop3A_363] {strides = array<i32>} : memref<64x128xf32, #tpu.memory_space<vmem>>, vector<1x16xf32>,
      %parallel_loop3A_365 = vector.shape_cast %parallel_loop3A_364 : vector<1x16xf32> to vector<16xf32>
      %parallel_loop3A_366 = vector.shape_cast %parallel_loop3A_361 : vector<16xf32> to vector<1x16xf32>
      tpu.vector_store %arg16[%parallel_loop3A_362, %parallel_loop3A_363], %parallel_loop3A_366 {strides = array<i32>} : memref<64x128xf32, #tpu.memory_space<vmem>>, vector<1x16xf32>,
    } {sc.loop_unroll_factor = 4 : i64, sc.parallel_access}
    %add3A_175 = arith.constant 256 : i32
    %add3A_176 = arith.addi %mul3A_2, %add3A_175 : i32
    %dma_start3A_177 = arith.constant 0 : i32
    %dma_start3A_178 = tpu.memref_slice %arg7[%add3A_176, %dma_start3A_177] : memref<16384x128xf32, #tpu.memory_space<hbm>> -> memref<64x128xf32, #tpu.memory_space<hbm>>
    %dma_start3A_179 = arith.constant 0 : i32
    %dma_start3A_180 = tpu.memref_slice %arg7[%add3A_176, %dma_start3A_179] : memref<16384x128xf32, #tpu.memory_space<hbm>> -> memref<64x128xf32, #tpu.memory_space<hbm>>
    tpu.enqueue_dma source(%arg16 : memref<64x128xf32, #tpu.memory_space<vmem>>) target(%dma_start3A_180 : memref<64x128xf32, #tpu.memory_space<hbm>>) target_semaphore(%arg28 : memref<!tpu.dma_semaphore, #tpu.memory_space<semaphore_mem>>)
    %dma_wait3A_181 = arith.constant 320 : i32
    %dma_wait3A_182 = tpu.memref_slice %arg8[%dma_wait3A_181] : memref<512xi32, #tpu.memory_space<vmem>> -> memref<64xi32, #tpu.memory_space<vmem>>
    %dma_wait3A_183 = arith.constant 0 : i32
    %dma_wait3A_184 = arith.constant 0 : i32
    %dma_wait3A_185 = tpu.memref_slice %arg2[%dma_wait3A_183, %dma_wait3A_184] : memref<1000000x128xf32, #tpu.memory_space<hbm>> -> memref<1000000x128xf32, #tpu.memory_space<hbm>>
    tpu.wait_indirect_dma semaphore(%arg25 : memref<!tpu.dma_semaphore, #tpu.memory_space<semaphore_mem>>) src(%dma_wait3A_185 : memref<1000000x128xf32, #tpu.memory_space<hbm>>) dst(%arg17 : memref<64x128xf32, #tpu.memory_space<vmem>>)
    %parallel_loop3A_186 = arith.constant 0 : i32
    %parallel_loop3A_187 = arith.constant 64 : i32
    %parallel_loop3A_188 = arith.constant 1 : i32
    scf.for %parallel_loop3A_255 = %parallel_loop3A_186 to %parallel_loop3A_187 step %parallel_loop3A_188  : i32 {
      %parallel_loop3A_256 = arith.constant 320 : i32
      %parallel_loop3A_257 = arith.addi %parallel_loop3A_256, %parallel_loop3A_255 : i32
      %parallel_loop3A_258 = arith.index_cast %parallel_loop3A_257 : i32 to index
      %parallel_loop3A_259 = tpu.vector_load %arg9[%parallel_loop3A_258] {strides = array<i32>} : memref<528xf32, #tpu.memory_space<vmem>>, vector<16xf32>,
      %parallel_loop3A_260 = vector.shape_cast %parallel_loop3A_259 : vector<16xf32> to vector<16xf32>
      %parallel_loop3A_261 = vector.extract_strided_slice %parallel_loop3A_260 {offsets = [0], sizes = [1], strides = [1]} : vector<16xf32> to vector<1xf32>
      %parallel_loop3A_262 = vector.extract %parallel_loop3A_261[0] : f32 from vector<1xf32>
      %parallel_loop3A_263 = arith.index_cast %parallel_loop3A_255 : i32 to index
      %parallel_loop3A_264 = arith.constant 0 : index
      %parallel_loop3A_265 = tpu.vector_load %arg17[%parallel_loop3A_263, %parallel_loop3A_264] {strides = array<i32>} : memref<64x128xf32, #tpu.memory_space<vmem>>, vector<1x16xf32>,
      %parallel_loop3A_266 = vector.shape_cast %parallel_loop3A_265 : vector<1x16xf32> to vector<16xf32>
      %parallel_loop3A_267 = vector.broadcast %parallel_loop3A_262 : f32 to vector<16xf32>
      %parallel_loop3A_268 = arith.mulf %parallel_loop3A_267, %get3A_43 : vector<16xf32>
      %parallel_loop3A_269 = arith.addf %parallel_loop3A_268, %add3A_70 : vector<16xf32>
      %parallel_loop3A_270 = arith.mulf %parallel_loop3A_266, %parallel_loop3A_269 : vector<16xf32>
      %parallel_loop3A_271 = arith.index_cast %parallel_loop3A_255 : i32 to index
      %parallel_loop3A_272 = arith.constant 0 : index
      %parallel_loop3A_273 = tpu.vector_load %arg17[%parallel_loop3A_271, %parallel_loop3A_272] {strides = array<i32>} : memref<64x128xf32, #tpu.memory_space<vmem>>, vector<1x16xf32>,
      %parallel_loop3A_274 = vector.shape_cast %parallel_loop3A_273 : vector<1x16xf32> to vector<16xf32>
      %parallel_loop3A_275 = vector.shape_cast %parallel_loop3A_270 : vector<16xf32> to vector<1x16xf32>
      tpu.vector_store %arg17[%parallel_loop3A_271, %parallel_loop3A_272], %parallel_loop3A_275 {strides = array<i32>} : memref<64x128xf32, #tpu.memory_space<vmem>>, vector<1x16xf32>,
      %parallel_loop3A_276 = arith.index_cast %parallel_loop3A_255 : i32 to index
      %parallel_loop3A_277 = arith.constant 16 : index
      %parallel_loop3A_278 = tpu.vector_load %arg17[%parallel_loop3A_276, %parallel_loop3A_277] {strides = array<i32>} : memref<64x128xf32, #tpu.memory_space<vmem>>, vector<1x16xf32>,
      %parallel_loop3A_279 = vector.shape_cast %parallel_loop3A_278 : vector<1x16xf32> to vector<16xf32>
      %parallel_loop3A_280 = vector.broadcast %parallel_loop3A_262 : f32 to vector<16xf32>
      %parallel_loop3A_281 = arith.mulf %parallel_loop3A_280, %get3A_46 : vector<16xf32>
      %parallel_loop3A_282 = arith.addf %parallel_loop3A_281, %add3A_76 : vector<16xf32>
      %parallel_loop3A_283 = arith.mulf %parallel_loop3A_279, %parallel_loop3A_282 : vector<16xf32>
      %parallel_loop3A_284 = arith.index_cast %parallel_loop3A_255 : i32 to index
      %parallel_loop3A_285 = arith.constant 16 : index
      %parallel_loop3A_286 = tpu.vector_load %arg17[%parallel_loop3A_284, %parallel_loop3A_285] {strides = array<i32>} : memref<64x128xf32, #tpu.memory_space<vmem>>, vector<1x16xf32>,
      %parallel_loop3A_287 = vector.shape_cast %parallel_loop3A_286 : vector<1x16xf32> to vector<16xf32>
      %parallel_loop3A_288 = vector.shape_cast %parallel_loop3A_283 : vector<16xf32> to vector<1x16xf32>
      tpu.vector_store %arg17[%parallel_loop3A_284, %parallel_loop3A_285], %parallel_loop3A_288 {strides = array<i32>} : memref<64x128xf32, #tpu.memory_space<vmem>>, vector<1x16xf32>,
      %parallel_loop3A_289 = arith.index_cast %parallel_loop3A_255 : i32 to index
      %parallel_loop3A_290 = arith.constant 32 : index
      %parallel_loop3A_291 = tpu.vector_load %arg17[%parallel_loop3A_289, %parallel_loop3A_290] {strides = array<i32>} : memref<64x128xf32, #tpu.memory_space<vmem>>, vector<1x16xf32>,
      %parallel_loop3A_292 = vector.shape_cast %parallel_loop3A_291 : vector<1x16xf32> to vector<16xf32>
      %parallel_loop3A_293 = vector.broadcast %parallel_loop3A_262 : f32 to vector<16xf32>
      %parallel_loop3A_294 = arith.mulf %parallel_loop3A_293, %get3A_49 : vector<16xf32>
      %parallel_loop3A_295 = arith.addf %parallel_loop3A_294, %add3A_82 : vector<16xf32>
      %parallel_loop3A_296 = arith.mulf %parallel_loop3A_292, %parallel_loop3A_295 : vector<16xf32>
      %parallel_loop3A_297 = arith.index_cast %parallel_loop3A_255 : i32 to index
      %parallel_loop3A_298 = arith.constant 32 : index
      %parallel_loop3A_299 = tpu.vector_load %arg17[%parallel_loop3A_297, %parallel_loop3A_298] {strides = array<i32>} : memref<64x128xf32, #tpu.memory_space<vmem>>, vector<1x16xf32>,
      %parallel_loop3A_300 = vector.shape_cast %parallel_loop3A_299 : vector<1x16xf32> to vector<16xf32>
      %parallel_loop3A_301 = vector.shape_cast %parallel_loop3A_296 : vector<16xf32> to vector<1x16xf32>
      tpu.vector_store %arg17[%parallel_loop3A_297, %parallel_loop3A_298], %parallel_loop3A_301 {strides = array<i32>} : memref<64x128xf32, #tpu.memory_space<vmem>>, vector<1x16xf32>,
      %parallel_loop3A_302 = arith.index_cast %parallel_loop3A_255 : i32 to index
      %parallel_loop3A_303 = arith.constant 48 : index
      %parallel_loop3A_304 = tpu.vector_load %arg17[%parallel_loop3A_302, %parallel_loop3A_303] {strides = array<i32>} : memref<64x128xf32, #tpu.memory_space<vmem>>, vector<1x16xf32>,
      %parallel_loop3A_305 = vector.shape_cast %parallel_loop3A_304 : vector<1x16xf32> to vector<16xf32>
      %parallel_loop3A_306 = vector.broadcast %parallel_loop3A_262 : f32 to vector<16xf32>
      %parallel_loop3A_307 = arith.mulf %parallel_loop3A_306, %get3A_52 : vector<16xf32>
      %parallel_loop3A_308 = arith.addf %parallel_loop3A_307, %add3A_88 : vector<16xf32>
      %parallel_loop3A_309 = arith.mulf %parallel_loop3A_305, %parallel_loop3A_308 : vector<16xf32>
      %parallel_loop3A_310 = arith.index_cast %parallel_loop3A_255 : i32 to index
      %parallel_loop3A_311 = arith.constant 48 : index
      %parallel_loop3A_312 = tpu.vector_load %arg17[%parallel_loop3A_310, %parallel_loop3A_311] {strides = array<i32>} : memref<64x128xf32, #tpu.memory_space<vmem>>, vector<1x16xf32>,
      %parallel_loop3A_313 = vector.shape_cast %parallel_loop3A_312 : vector<1x16xf32> to vector<16xf32>
      %parallel_loop3A_314 = vector.shape_cast %parallel_loop3A_309 : vector<16xf32> to vector<1x16xf32>
      tpu.vector_store %arg17[%parallel_loop3A_310, %parallel_loop3A_311], %parallel_loop3A_314 {strides = array<i32>} : memref<64x128xf32, #tpu.memory_space<vmem>>, vector<1x16xf32>,
      %parallel_loop3A_315 = arith.index_cast %parallel_loop3A_255 : i32 to index
      %parallel_loop3A_316 = arith.constant 64 : index
      %parallel_loop3A_317 = tpu.vector_load %arg17[%parallel_loop3A_315, %parallel_loop3A_316] {strides = array<i32>} : memref<64x128xf32, #tpu.memory_space<vmem>>, vector<1x16xf32>,
      %parallel_loop3A_318 = vector.shape_cast %parallel_loop3A_317 : vector<1x16xf32> to vector<16xf32>
      %parallel_loop3A_319 = vector.broadcast %parallel_loop3A_262 : f32 to vector<16xf32>
      %parallel_loop3A_320 = arith.mulf %parallel_loop3A_319, %get3A_55 : vector<16xf32>
      %parallel_loop3A_321 = arith.addf %parallel_loop3A_320, %add3A_94 : vector<16xf32>
      %parallel_loop3A_322 = arith.mulf %parallel_loop3A_318, %parallel_loop3A_321 : vector<16xf32>
      %parallel_loop3A_323 = arith.index_cast %parallel_loop3A_255 : i32 to index
      %parallel_loop3A_324 = arith.constant 64 : index
      %parallel_loop3A_325 = tpu.vector_load %arg17[%parallel_loop3A_323, %parallel_loop3A_324] {strides = array<i32>} : memref<64x128xf32, #tpu.memory_space<vmem>>, vector<1x16xf32>,
      %parallel_loop3A_326 = vector.shape_cast %parallel_loop3A_325 : vector<1x16xf32> to vector<16xf32>
      %parallel_loop3A_327 = vector.shape_cast %parallel_loop3A_322 : vector<16xf32> to vector<1x16xf32>
      tpu.vector_store %arg17[%parallel_loop3A_323, %parallel_loop3A_324], %parallel_loop3A_327 {strides = array<i32>} : memref<64x128xf32, #tpu.memory_space<vmem>>, vector<1x16xf32>,
      %parallel_loop3A_328 = arith.index_cast %parallel_loop3A_255 : i32 to index
      %parallel_loop3A_329 = arith.constant 80 : index
      %parallel_loop3A_330 = tpu.vector_load %arg17[%parallel_loop3A_328, %parallel_loop3A_329] {strides = array<i32>} : memref<64x128xf32, #tpu.memory_space<vmem>>, vector<1x16xf32>,
      %parallel_loop3A_331 = vector.shape_cast %parallel_loop3A_330 : vector<1x16xf32> to vector<16xf32>
      %parallel_loop3A_332 = vector.broadcast %parallel_loop3A_262 : f32 to vector<16xf32>
      %parallel_loop3A_333 = arith.mulf %parallel_loop3A_332, %get3A_58 : vector<16xf32>
      %parallel_loop3A_334 = arith.addf %parallel_loop3A_333, %add3A_100 : vector<16xf32>
      %parallel_loop3A_335 = arith.mulf %parallel_loop3A_331, %parallel_loop3A_334 : vector<16xf32>
      %parallel_loop3A_336 = arith.index_cast %parallel_loop3A_255 : i32 to index
      %parallel_loop3A_337 = arith.constant 80 : index
      %parallel_loop3A_338 = tpu.vector_load %arg17[%parallel_loop3A_336, %parallel_loop3A_337] {strides = array<i32>} : memref<64x128xf32, #tpu.memory_space<vmem>>, vector<1x16xf32>,
      %parallel_loop3A_339 = vector.shape_cast %parallel_loop3A_338 : vector<1x16xf32> to vector<16xf32>
      %parallel_loop3A_340 = vector.shape_cast %parallel_loop3A_335 : vector<16xf32> to vector<1x16xf32>
      tpu.vector_store %arg17[%parallel_loop3A_336, %parallel_loop3A_337], %parallel_loop3A_340 {strides = array<i32>} : memref<64x128xf32, #tpu.memory_space<vmem>>, vector<1x16xf32>,
      %parallel_loop3A_341 = arith.index_cast %parallel_loop3A_255 : i32 to index
      %parallel_loop3A_342 = arith.constant 96 : index
      %parallel_loop3A_343 = tpu.vector_load %arg17[%parallel_loop3A_341, %parallel_loop3A_342] {strides = array<i32>} : memref<64x128xf32, #tpu.memory_space<vmem>>, vector<1x16xf32>,
      %parallel_loop3A_344 = vector.shape_cast %parallel_loop3A_343 : vector<1x16xf32> to vector<16xf32>
      %parallel_loop3A_345 = vector.broadcast %parallel_loop3A_262 : f32 to vector<16xf32>
      %parallel_loop3A_346 = arith.mulf %parallel_loop3A_345, %get3A_61 : vector<16xf32>
      %parallel_loop3A_347 = arith.addf %parallel_loop3A_346, %add3A_106 : vector<16xf32>
      %parallel_loop3A_348 = arith.mulf %parallel_loop3A_344, %parallel_loop3A_347 : vector<16xf32>
      %parallel_loop3A_349 = arith.index_cast %parallel_loop3A_255 : i32 to index
      %parallel_loop3A_350 = arith.constant 96 : index
      %parallel_loop3A_351 = tpu.vector_load %arg17[%parallel_loop3A_349, %parallel_loop3A_350] {strides = array<i32>} : memref<64x128xf32, #tpu.memory_space<vmem>>, vector<1x16xf32>,
      %parallel_loop3A_352 = vector.shape_cast %parallel_loop3A_351 : vector<1x16xf32> to vector<16xf32>
      %parallel_loop3A_353 = vector.shape_cast %parallel_loop3A_348 : vector<16xf32> to vector<1x16xf32>
      tpu.vector_store %arg17[%parallel_loop3A_349, %parallel_loop3A_350], %parallel_loop3A_353 {strides = array<i32>} : memref<64x128xf32, #tpu.memory_space<vmem>>, vector<1x16xf32>,
      %parallel_loop3A_354 = arith.index_cast %parallel_loop3A_255 : i32 to index
      %parallel_loop3A_355 = arith.constant 112 : index
      %parallel_loop3A_356 = tpu.vector_load %arg17[%parallel_loop3A_354, %parallel_loop3A_355] {strides = array<i32>} : memref<64x128xf32, #tpu.memory_space<vmem>>, vector<1x16xf32>,
      %parallel_loop3A_357 = vector.shape_cast %parallel_loop3A_356 : vector<1x16xf32> to vector<16xf32>
      %parallel_loop3A_358 = vector.broadcast %parallel_loop3A_262 : f32 to vector<16xf32>
      %parallel_loop3A_359 = arith.mulf %parallel_loop3A_358, %get3A_64 : vector<16xf32>
      %parallel_loop3A_360 = arith.addf %parallel_loop3A_359, %add3A_112 : vector<16xf32>
      %parallel_loop3A_361 = arith.mulf %parallel_loop3A_357, %parallel_loop3A_360 : vector<16xf32>
      %parallel_loop3A_362 = arith.index_cast %parallel_loop3A_255 : i32 to index
      %parallel_loop3A_363 = arith.constant 112 : index
      %parallel_loop3A_364 = tpu.vector_load %arg17[%parallel_loop3A_362, %parallel_loop3A_363] {strides = array<i32>} : memref<64x128xf32, #tpu.memory_space<vmem>>, vector<1x16xf32>,
      %parallel_loop3A_365 = vector.shape_cast %parallel_loop3A_364 : vector<1x16xf32> to vector<16xf32>
      %parallel_loop3A_366 = vector.shape_cast %parallel_loop3A_361 : vector<16xf32> to vector<1x16xf32>
      tpu.vector_store %arg17[%parallel_loop3A_362, %parallel_loop3A_363], %parallel_loop3A_366 {strides = array<i32>} : memref<64x128xf32, #tpu.memory_space<vmem>>, vector<1x16xf32>,
    } {sc.loop_unroll_factor = 4 : i64, sc.parallel_access}
    %add3A_189 = arith.constant 320 : i32
    %add3A_190 = arith.addi %mul3A_2, %add3A_189 : i32
    %dma_start3A_191 = arith.constant 0 : i32
    %dma_start3A_192 = tpu.memref_slice %arg7[%add3A_190, %dma_start3A_191] : memref<16384x128xf32, #tpu.memory_space<hbm>> -> memref<64x128xf32, #tpu.memory_space<hbm>>
    %dma_start3A_193 = arith.constant 0 : i32
    %dma_start3A_194 = tpu.memref_slice %arg7[%add3A_190, %dma_start3A_193] : memref<16384x128xf32, #tpu.memory_space<hbm>> -> memref<64x128xf32, #tpu.memory_space<hbm>>
    tpu.enqueue_dma source(%arg17 : memref<64x128xf32, #tpu.memory_space<vmem>>) target(%dma_start3A_194 : memref<64x128xf32, #tpu.memory_space<hbm>>) target_semaphore(%arg28 : memref<!tpu.dma_semaphore, #tpu.memory_space<semaphore_mem>>)
    %dma_wait3A_195 = arith.constant 384 : i32
    %dma_wait3A_196 = tpu.memref_slice %arg8[%dma_wait3A_195] : memref<512xi32, #tpu.memory_space<vmem>> -> memref<64xi32, #tpu.memory_space<vmem>>
    %dma_wait3A_197 = arith.constant 0 : i32
    %dma_wait3A_198 = arith.constant 0 : i32
    %dma_wait3A_199 = tpu.memref_slice %arg2[%dma_wait3A_197, %dma_wait3A_198] : memref<1000000x128xf32, #tpu.memory_space<hbm>> -> memref<1000000x128xf32, #tpu.memory_space<hbm>>
    tpu.wait_indirect_dma semaphore(%arg26 : memref<!tpu.dma_semaphore, #tpu.memory_space<semaphore_mem>>) src(%dma_wait3A_199 : memref<1000000x128xf32, #tpu.memory_space<hbm>>) dst(%arg18 : memref<64x128xf32, #tpu.memory_space<vmem>>)
    %parallel_loop3A_200 = arith.constant 0 : i32
    %parallel_loop3A_201 = arith.constant 64 : i32
    %parallel_loop3A_202 = arith.constant 1 : i32
    scf.for %parallel_loop3A_255 = %parallel_loop3A_200 to %parallel_loop3A_201 step %parallel_loop3A_202  : i32 {
      %parallel_loop3A_256 = arith.constant 384 : i32
      %parallel_loop3A_257 = arith.addi %parallel_loop3A_256, %parallel_loop3A_255 : i32
      %parallel_loop3A_258 = arith.index_cast %parallel_loop3A_257 : i32 to index
      %parallel_loop3A_259 = tpu.vector_load %arg9[%parallel_loop3A_258] {strides = array<i32>} : memref<528xf32, #tpu.memory_space<vmem>>, vector<16xf32>,
      %parallel_loop3A_260 = vector.shape_cast %parallel_loop3A_259 : vector<16xf32> to vector<16xf32>
      %parallel_loop3A_261 = vector.extract_strided_slice %parallel_loop3A_260 {offsets = [0], sizes = [1], strides = [1]} : vector<16xf32> to vector<1xf32>
      %parallel_loop3A_262 = vector.extract %parallel_loop3A_261[0] : f32 from vector<1xf32>
      %parallel_loop3A_263 = arith.index_cast %parallel_loop3A_255 : i32 to index
      %parallel_loop3A_264 = arith.constant 0 : index
      %parallel_loop3A_265 = tpu.vector_load %arg18[%parallel_loop3A_263, %parallel_loop3A_264] {strides = array<i32>} : memref<64x128xf32, #tpu.memory_space<vmem>>, vector<1x16xf32>,
      %parallel_loop3A_266 = vector.shape_cast %parallel_loop3A_265 : vector<1x16xf32> to vector<16xf32>
      %parallel_loop3A_267 = vector.broadcast %parallel_loop3A_262 : f32 to vector<16xf32>
      %parallel_loop3A_268 = arith.mulf %parallel_loop3A_267, %get3A_43 : vector<16xf32>
      %parallel_loop3A_269 = arith.addf %parallel_loop3A_268, %add3A_70 : vector<16xf32>
      %parallel_loop3A_270 = arith.mulf %parallel_loop3A_266, %parallel_loop3A_269 : vector<16xf32>
      %parallel_loop3A_271 = arith.index_cast %parallel_loop3A_255 : i32 to index
      %parallel_loop3A_272 = arith.constant 0 : index
      %parallel_loop3A_273 = tpu.vector_load %arg18[%parallel_loop3A_271, %parallel_loop3A_272] {strides = array<i32>} : memref<64x128xf32, #tpu.memory_space<vmem>>, vector<1x16xf32>,
      %parallel_loop3A_274 = vector.shape_cast %parallel_loop3A_273 : vector<1x16xf32> to vector<16xf32>
      %parallel_loop3A_275 = vector.shape_cast %parallel_loop3A_270 : vector<16xf32> to vector<1x16xf32>
      tpu.vector_store %arg18[%parallel_loop3A_271, %parallel_loop3A_272], %parallel_loop3A_275 {strides = array<i32>} : memref<64x128xf32, #tpu.memory_space<vmem>>, vector<1x16xf32>,
      %parallel_loop3A_276 = arith.index_cast %parallel_loop3A_255 : i32 to index
      %parallel_loop3A_277 = arith.constant 16 : index
      %parallel_loop3A_278 = tpu.vector_load %arg18[%parallel_loop3A_276, %parallel_loop3A_277] {strides = array<i32>} : memref<64x128xf32, #tpu.memory_space<vmem>>, vector<1x16xf32>,
      %parallel_loop3A_279 = vector.shape_cast %parallel_loop3A_278 : vector<1x16xf32> to vector<16xf32>
      %parallel_loop3A_280 = vector.broadcast %parallel_loop3A_262 : f32 to vector<16xf32>
      %parallel_loop3A_281 = arith.mulf %parallel_loop3A_280, %get3A_46 : vector<16xf32>
      %parallel_loop3A_282 = arith.addf %parallel_loop3A_281, %add3A_76 : vector<16xf32>
      %parallel_loop3A_283 = arith.mulf %parallel_loop3A_279, %parallel_loop3A_282 : vector<16xf32>
      %parallel_loop3A_284 = arith.index_cast %parallel_loop3A_255 : i32 to index
      %parallel_loop3A_285 = arith.constant 16 : index
      %parallel_loop3A_286 = tpu.vector_load %arg18[%parallel_loop3A_284, %parallel_loop3A_285] {strides = array<i32>} : memref<64x128xf32, #tpu.memory_space<vmem>>, vector<1x16xf32>,
      %parallel_loop3A_287 = vector.shape_cast %parallel_loop3A_286 : vector<1x16xf32> to vector<16xf32>
      %parallel_loop3A_288 = vector.shape_cast %parallel_loop3A_283 : vector<16xf32> to vector<1x16xf32>
      tpu.vector_store %arg18[%parallel_loop3A_284, %parallel_loop3A_285], %parallel_loop3A_288 {strides = array<i32>} : memref<64x128xf32, #tpu.memory_space<vmem>>, vector<1x16xf32>,
      %parallel_loop3A_289 = arith.index_cast %parallel_loop3A_255 : i32 to index
      %parallel_loop3A_290 = arith.constant 32 : index
      %parallel_loop3A_291 = tpu.vector_load %arg18[%parallel_loop3A_289, %parallel_loop3A_290] {strides = array<i32>} : memref<64x128xf32, #tpu.memory_space<vmem>>, vector<1x16xf32>,
      %parallel_loop3A_292 = vector.shape_cast %parallel_loop3A_291 : vector<1x16xf32> to vector<16xf32>
      %parallel_loop3A_293 = vector.broadcast %parallel_loop3A_262 : f32 to vector<16xf32>
      %parallel_loop3A_294 = arith.mulf %parallel_loop3A_293, %get3A_49 : vector<16xf32>
      %parallel_loop3A_295 = arith.addf %parallel_loop3A_294, %add3A_82 : vector<16xf32>
      %parallel_loop3A_296 = arith.mulf %parallel_loop3A_292, %parallel_loop3A_295 : vector<16xf32>
      %parallel_loop3A_297 = arith.index_cast %parallel_loop3A_255 : i32 to index
      %parallel_loop3A_298 = arith.constant 32 : index
      %parallel_loop3A_299 = tpu.vector_load %arg18[%parallel_loop3A_297, %parallel_loop3A_298] {strides = array<i32>} : memref<64x128xf32, #tpu.memory_space<vmem>>, vector<1x16xf32>,
      %parallel_loop3A_300 = vector.shape_cast %parallel_loop3A_299 : vector<1x16xf32> to vector<16xf32>
      %parallel_loop3A_301 = vector.shape_cast %parallel_loop3A_296 : vector<16xf32> to vector<1x16xf32>
      tpu.vector_store %arg18[%parallel_loop3A_297, %parallel_loop3A_298], %parallel_loop3A_301 {strides = array<i32>} : memref<64x128xf32, #tpu.memory_space<vmem>>, vector<1x16xf32>,
      %parallel_loop3A_302 = arith.index_cast %parallel_loop3A_255 : i32 to index
      %parallel_loop3A_303 = arith.constant 48 : index
      %parallel_loop3A_304 = tpu.vector_load %arg18[%parallel_loop3A_302, %parallel_loop3A_303] {strides = array<i32>} : memref<64x128xf32, #tpu.memory_space<vmem>>, vector<1x16xf32>,
      %parallel_loop3A_305 = vector.shape_cast %parallel_loop3A_304 : vector<1x16xf32> to vector<16xf32>
      %parallel_loop3A_306 = vector.broadcast %parallel_loop3A_262 : f32 to vector<16xf32>
      %parallel_loop3A_307 = arith.mulf %parallel_loop3A_306, %get3A_52 : vector<16xf32>
      %parallel_loop3A_308 = arith.addf %parallel_loop3A_307, %add3A_88 : vector<16xf32>
      %parallel_loop3A_309 = arith.mulf %parallel_loop3A_305, %parallel_loop3A_308 : vector<16xf32>
      %parallel_loop3A_310 = arith.index_cast %parallel_loop3A_255 : i32 to index
      %parallel_loop3A_311 = arith.constant 48 : index
      %parallel_loop3A_312 = tpu.vector_load %arg18[%parallel_loop3A_310, %parallel_loop3A_311] {strides = array<i32>} : memref<64x128xf32, #tpu.memory_space<vmem>>, vector<1x16xf32>,
      %parallel_loop3A_313 = vector.shape_cast %parallel_loop3A_312 : vector<1x16xf32> to vector<16xf32>
      %parallel_loop3A_314 = vector.shape_cast %parallel_loop3A_309 : vector<16xf32> to vector<1x16xf32>
      tpu.vector_store %arg18[%parallel_loop3A_310, %parallel_loop3A_311], %parallel_loop3A_314 {strides = array<i32>} : memref<64x128xf32, #tpu.memory_space<vmem>>, vector<1x16xf32>,
      %parallel_loop3A_315 = arith.index_cast %parallel_loop3A_255 : i32 to index
      %parallel_loop3A_316 = arith.constant 64 : index
      %parallel_loop3A_317 = tpu.vector_load %arg18[%parallel_loop3A_315, %parallel_loop3A_316] {strides = array<i32>} : memref<64x128xf32, #tpu.memory_space<vmem>>, vector<1x16xf32>,
      %parallel_loop3A_318 = vector.shape_cast %parallel_loop3A_317 : vector<1x16xf32> to vector<16xf32>
      %parallel_loop3A_319 = vector.broadcast %parallel_loop3A_262 : f32 to vector<16xf32>
      %parallel_loop3A_320 = arith.mulf %parallel_loop3A_319, %get3A_55 : vector<16xf32>
      %parallel_loop3A_321 = arith.addf %parallel_loop3A_320, %add3A_94 : vector<16xf32>
      %parallel_loop3A_322 = arith.mulf %parallel_loop3A_318, %parallel_loop3A_321 : vector<16xf32>
      %parallel_loop3A_323 = arith.index_cast %parallel_loop3A_255 : i32 to index
      %parallel_loop3A_324 = arith.constant 64 : index
      %parallel_loop3A_325 = tpu.vector_load %arg18[%parallel_loop3A_323, %parallel_loop3A_324] {strides = array<i32>} : memref<64x128xf32, #tpu.memory_space<vmem>>, vector<1x16xf32>,
      %parallel_loop3A_326 = vector.shape_cast %parallel_loop3A_325 : vector<1x16xf32> to vector<16xf32>
      %parallel_loop3A_327 = vector.shape_cast %parallel_loop3A_322 : vector<16xf32> to vector<1x16xf32>
      tpu.vector_store %arg18[%parallel_loop3A_323, %parallel_loop3A_324], %parallel_loop3A_327 {strides = array<i32>} : memref<64x128xf32, #tpu.memory_space<vmem>>, vector<1x16xf32>,
      %parallel_loop3A_328 = arith.index_cast %parallel_loop3A_255 : i32 to index
      %parallel_loop3A_329 = arith.constant 80 : index
      %parallel_loop3A_330 = tpu.vector_load %arg18[%parallel_loop3A_328, %parallel_loop3A_329] {strides = array<i32>} : memref<64x128xf32, #tpu.memory_space<vmem>>, vector<1x16xf32>,
      %parallel_loop3A_331 = vector.shape_cast %parallel_loop3A_330 : vector<1x16xf32> to vector<16xf32>
      %parallel_loop3A_332 = vector.broadcast %parallel_loop3A_262 : f32 to vector<16xf32>
      %parallel_loop3A_333 = arith.mulf %parallel_loop3A_332, %get3A_58 : vector<16xf32>
      %parallel_loop3A_334 = arith.addf %parallel_loop3A_333, %add3A_100 : vector<16xf32>
      %parallel_loop3A_335 = arith.mulf %parallel_loop3A_331, %parallel_loop3A_334 : vector<16xf32>
      %parallel_loop3A_336 = arith.index_cast %parallel_loop3A_255 : i32 to index
      %parallel_loop3A_337 = arith.constant 80 : index
      %parallel_loop3A_338 = tpu.vector_load %arg18[%parallel_loop3A_336, %parallel_loop3A_337] {strides = array<i32>} : memref<64x128xf32, #tpu.memory_space<vmem>>, vector<1x16xf32>,
      %parallel_loop3A_339 = vector.shape_cast %parallel_loop3A_338 : vector<1x16xf32> to vector<16xf32>
      %parallel_loop3A_340 = vector.shape_cast %parallel_loop3A_335 : vector<16xf32> to vector<1x16xf32>
      tpu.vector_store %arg18[%parallel_loop3A_336, %parallel_loop3A_337], %parallel_loop3A_340 {strides = array<i32>} : memref<64x128xf32, #tpu.memory_space<vmem>>, vector<1x16xf32>,
      %parallel_loop3A_341 = arith.index_cast %parallel_loop3A_255 : i32 to index
      %parallel_loop3A_342 = arith.constant 96 : index
      %parallel_loop3A_343 = tpu.vector_load %arg18[%parallel_loop3A_341, %parallel_loop3A_342] {strides = array<i32>} : memref<64x128xf32, #tpu.memory_space<vmem>>, vector<1x16xf32>,
      %parallel_loop3A_344 = vector.shape_cast %parallel_loop3A_343 : vector<1x16xf32> to vector<16xf32>
      %parallel_loop3A_345 = vector.broadcast %parallel_loop3A_262 : f32 to vector<16xf32>
      %parallel_loop3A_346 = arith.mulf %parallel_loop3A_345, %get3A_61 : vector<16xf32>
      %parallel_loop3A_347 = arith.addf %parallel_loop3A_346, %add3A_106 : vector<16xf32>
      %parallel_loop3A_348 = arith.mulf %parallel_loop3A_344, %parallel_loop3A_347 : vector<16xf32>
      %parallel_loop3A_349 = arith.index_cast %parallel_loop3A_255 : i32 to index
      %parallel_loop3A_350 = arith.constant 96 : index
      %parallel_loop3A_351 = tpu.vector_load %arg18[%parallel_loop3A_349, %parallel_loop3A_350] {strides = array<i32>} : memref<64x128xf32, #tpu.memory_space<vmem>>, vector<1x16xf32>,
      %parallel_loop3A_352 = vector.shape_cast %parallel_loop3A_351 : vector<1x16xf32> to vector<16xf32>
      %parallel_loop3A_353 = vector.shape_cast %parallel_loop3A_348 : vector<16xf32> to vector<1x16xf32>
      tpu.vector_store %arg18[%parallel_loop3A_349, %parallel_loop3A_350], %parallel_loop3A_353 {strides = array<i32>} : memref<64x128xf32, #tpu.memory_space<vmem>>, vector<1x16xf32>,
      %parallel_loop3A_354 = arith.index_cast %parallel_loop3A_255 : i32 to index
      %parallel_loop3A_355 = arith.constant 112 : index
      %parallel_loop3A_356 = tpu.vector_load %arg18[%parallel_loop3A_354, %parallel_loop3A_355] {strides = array<i32>} : memref<64x128xf32, #tpu.memory_space<vmem>>, vector<1x16xf32>,
      %parallel_loop3A_357 = vector.shape_cast %parallel_loop3A_356 : vector<1x16xf32> to vector<16xf32>
      %parallel_loop3A_358 = vector.broadcast %parallel_loop3A_262 : f32 to vector<16xf32>
      %parallel_loop3A_359 = arith.mulf %parallel_loop3A_358, %get3A_64 : vector<16xf32>
      %parallel_loop3A_360 = arith.addf %parallel_loop3A_359, %add3A_112 : vector<16xf32>
      %parallel_loop3A_361 = arith.mulf %parallel_loop3A_357, %parallel_loop3A_360 : vector<16xf32>
      %parallel_loop3A_362 = arith.index_cast %parallel_loop3A_255 : i32 to index
      %parallel_loop3A_363 = arith.constant 112 : index
      %parallel_loop3A_364 = tpu.vector_load %arg18[%parallel_loop3A_362, %parallel_loop3A_363] {strides = array<i32>} : memref<64x128xf32, #tpu.memory_space<vmem>>, vector<1x16xf32>,
      %parallel_loop3A_365 = vector.shape_cast %parallel_loop3A_364 : vector<1x16xf32> to vector<16xf32>
      %parallel_loop3A_366 = vector.shape_cast %parallel_loop3A_361 : vector<16xf32> to vector<1x16xf32>
      tpu.vector_store %arg18[%parallel_loop3A_362, %parallel_loop3A_363], %parallel_loop3A_366 {strides = array<i32>} : memref<64x128xf32, #tpu.memory_space<vmem>>, vector<1x16xf32>,
    } {sc.loop_unroll_factor = 4 : i64, sc.parallel_access}
    %add3A_203 = arith.constant 384 : i32
    %add3A_204 = arith.addi %mul3A_2, %add3A_203 : i32
    %dma_start3A_205 = arith.constant 0 : i32
    %dma_start3A_206 = tpu.memref_slice %arg7[%add3A_204, %dma_start3A_205] : memref<16384x128xf32, #tpu.memory_space<hbm>> -> memref<64x128xf32, #tpu.memory_space<hbm>>
    %dma_start3A_207 = arith.constant 0 : i32
    %dma_start3A_208 = tpu.memref_slice %arg7[%add3A_204, %dma_start3A_207] : memref<16384x128xf32, #tpu.memory_space<hbm>> -> memref<64x128xf32, #tpu.memory_space<hbm>>
    tpu.enqueue_dma source(%arg18 : memref<64x128xf32, #tpu.memory_space<vmem>>) target(%dma_start3A_208 : memref<64x128xf32, #tpu.memory_space<hbm>>) target_semaphore(%arg28 : memref<!tpu.dma_semaphore, #tpu.memory_space<semaphore_mem>>)
    %dma_wait3A_209 = arith.constant 448 : i32
    %dma_wait3A_210 = tpu.memref_slice %arg8[%dma_wait3A_209] : memref<512xi32, #tpu.memory_space<vmem>> -> memref<64xi32, #tpu.memory_space<vmem>>
    %dma_wait3A_211 = arith.constant 0 : i32
    %dma_wait3A_212 = arith.constant 0 : i32
    %dma_wait3A_213 = tpu.memref_slice %arg2[%dma_wait3A_211, %dma_wait3A_212] : memref<1000000x128xf32, #tpu.memory_space<hbm>> -> memref<1000000x128xf32, #tpu.memory_space<hbm>>
    tpu.wait_indirect_dma semaphore(%arg27 : memref<!tpu.dma_semaphore, #tpu.memory_space<semaphore_mem>>) src(%dma_wait3A_213 : memref<1000000x128xf32, #tpu.memory_space<hbm>>) dst(%arg19 : memref<64x128xf32, #tpu.memory_space<vmem>>)
    %parallel_loop3A_214 = arith.constant 0 : i32
    %parallel_loop3A_215 = arith.constant 64 : i32
    %parallel_loop3A_216 = arith.constant 1 : i32
    scf.for %parallel_loop3A_255 = %parallel_loop3A_214 to %parallel_loop3A_215 step %parallel_loop3A_216  : i32 {
      %parallel_loop3A_256 = arith.constant 448 : i32
      %parallel_loop3A_257 = arith.addi %parallel_loop3A_256, %parallel_loop3A_255 : i32
      %parallel_loop3A_258 = arith.index_cast %parallel_loop3A_257 : i32 to index
      %parallel_loop3A_259 = tpu.vector_load %arg9[%parallel_loop3A_258] {strides = array<i32>} : memref<528xf32, #tpu.memory_space<vmem>>, vector<16xf32>,
      %parallel_loop3A_260 = vector.shape_cast %parallel_loop3A_259 : vector<16xf32> to vector<16xf32>
      %parallel_loop3A_261 = vector.extract_strided_slice %parallel_loop3A_260 {offsets = [0], sizes = [1], strides = [1]} : vector<16xf32> to vector<1xf32>
      %parallel_loop3A_262 = vector.extract %parallel_loop3A_261[0] : f32 from vector<1xf32>
      %parallel_loop3A_263 = arith.index_cast %parallel_loop3A_255 : i32 to index
      %parallel_loop3A_264 = arith.constant 0 : index
      %parallel_loop3A_265 = tpu.vector_load %arg19[%parallel_loop3A_263, %parallel_loop3A_264] {strides = array<i32>} : memref<64x128xf32, #tpu.memory_space<vmem>>, vector<1x16xf32>,
      %parallel_loop3A_266 = vector.shape_cast %parallel_loop3A_265 : vector<1x16xf32> to vector<16xf32>
      %parallel_loop3A_267 = vector.broadcast %parallel_loop3A_262 : f32 to vector<16xf32>
      %parallel_loop3A_268 = arith.mulf %parallel_loop3A_267, %get3A_43 : vector<16xf32>
      %parallel_loop3A_269 = arith.addf %parallel_loop3A_268, %add3A_70 : vector<16xf32>
      %parallel_loop3A_270 = arith.mulf %parallel_loop3A_266, %parallel_loop3A_269 : vector<16xf32>
      %parallel_loop3A_271 = arith.index_cast %parallel_loop3A_255 : i32 to index
      %parallel_loop3A_272 = arith.constant 0 : index
      %parallel_loop3A_273 = tpu.vector_load %arg19[%parallel_loop3A_271, %parallel_loop3A_272] {strides = array<i32>} : memref<64x128xf32, #tpu.memory_space<vmem>>, vector<1x16xf32>,
      %parallel_loop3A_274 = vector.shape_cast %parallel_loop3A_273 : vector<1x16xf32> to vector<16xf32>
      %parallel_loop3A_275 = vector.shape_cast %parallel_loop3A_270 : vector<16xf32> to vector<1x16xf32>
      tpu.vector_store %arg19[%parallel_loop3A_271, %parallel_loop3A_272], %parallel_loop3A_275 {strides = array<i32>} : memref<64x128xf32, #tpu.memory_space<vmem>>, vector<1x16xf32>,
      %parallel_loop3A_276 = arith.index_cast %parallel_loop3A_255 : i32 to index
      %parallel_loop3A_277 = arith.constant 16 : index
      %parallel_loop3A_278 = tpu.vector_load %arg19[%parallel_loop3A_276, %parallel_loop3A_277] {strides = array<i32>} : memref<64x128xf32, #tpu.memory_space<vmem>>, vector<1x16xf32>,
      %parallel_loop3A_279 = vector.shape_cast %parallel_loop3A_278 : vector<1x16xf32> to vector<16xf32>
      %parallel_loop3A_280 = vector.broadcast %parallel_loop3A_262 : f32 to vector<16xf32>
      %parallel_loop3A_281 = arith.mulf %parallel_loop3A_280, %get3A_46 : vector<16xf32>
      %parallel_loop3A_282 = arith.addf %parallel_loop3A_281, %add3A_76 : vector<16xf32>
      %parallel_loop3A_283 = arith.mulf %parallel_loop3A_279, %parallel_loop3A_282 : vector<16xf32>
      %parallel_loop3A_284 = arith.index_cast %parallel_loop3A_255 : i32 to index
      %parallel_loop3A_285 = arith.constant 16 : index
      %parallel_loop3A_286 = tpu.vector_load %arg19[%parallel_loop3A_284, %parallel_loop3A_285] {strides = array<i32>} : memref<64x128xf32, #tpu.memory_space<vmem>>, vector<1x16xf32>,
      %parallel_loop3A_287 = vector.shape_cast %parallel_loop3A_286 : vector<1x16xf32> to vector<16xf32>
      %parallel_loop3A_288 = vector.shape_cast %parallel_loop3A_283 : vector<16xf32> to vector<1x16xf32>
      tpu.vector_store %arg19[%parallel_loop3A_284, %parallel_loop3A_285], %parallel_loop3A_288 {strides = array<i32>} : memref<64x128xf32, #tpu.memory_space<vmem>>, vector<1x16xf32>,
      %parallel_loop3A_289 = arith.index_cast %parallel_loop3A_255 : i32 to index
      %parallel_loop3A_290 = arith.constant 32 : index
      %parallel_loop3A_291 = tpu.vector_load %arg19[%parallel_loop3A_289, %parallel_loop3A_290] {strides = array<i32>} : memref<64x128xf32, #tpu.memory_space<vmem>>, vector<1x16xf32>,
      %parallel_loop3A_292 = vector.shape_cast %parallel_loop3A_291 : vector<1x16xf32> to vector<16xf32>
      %parallel_loop3A_293 = vector.broadcast %parallel_loop3A_262 : f32 to vector<16xf32>
      %parallel_loop3A_294 = arith.mulf %parallel_loop3A_293, %get3A_49 : vector<16xf32>
      %parallel_loop3A_295 = arith.addf %parallel_loop3A_294, %add3A_82 : vector<16xf32>
      %parallel_loop3A_296 = arith.mulf %parallel_loop3A_292, %parallel_loop3A_295 : vector<16xf32>
      %parallel_loop3A_297 = arith.index_cast %parallel_loop3A_255 : i32 to index
      %parallel_loop3A_298 = arith.constant 32 : index
      %parallel_loop3A_299 = tpu.vector_load %arg19[%parallel_loop3A_297, %parallel_loop3A_298] {strides = array<i32>} : memref<64x128xf32, #tpu.memory_space<vmem>>, vector<1x16xf32>,
      %parallel_loop3A_300 = vector.shape_cast %parallel_loop3A_299 : vector<1x16xf32> to vector<16xf32>
      %parallel_loop3A_301 = vector.shape_cast %parallel_loop3A_296 : vector<16xf32> to vector<1x16xf32>
      tpu.vector_store %arg19[%parallel_loop3A_297, %parallel_loop3A_298], %parallel_loop3A_301 {strides = array<i32>} : memref<64x128xf32, #tpu.memory_space<vmem>>, vector<1x16xf32>,
      %parallel_loop3A_302 = arith.index_cast %parallel_loop3A_255 : i32 to index
      %parallel_loop3A_303 = arith.constant 48 : index
      %parallel_loop3A_304 = tpu.vector_load %arg19[%parallel_loop3A_302, %parallel_loop3A_303] {strides = array<i32>} : memref<64x128xf32, #tpu.memory_space<vmem>>, vector<1x16xf32>,
      %parallel_loop3A_305 = vector.shape_cast %parallel_loop3A_304 : vector<1x16xf32> to vector<16xf32>
      %parallel_loop3A_306 = vector.broadcast %parallel_loop3A_262 : f32 to vector<16xf32>
      %parallel_loop3A_307 = arith.mulf %parallel_loop3A_306, %get3A_52 : vector<16xf32>
      %parallel_loop3A_308 = arith.addf %parallel_loop3A_307, %add3A_88 : vector<16xf32>
      %parallel_loop3A_309 = arith.mulf %parallel_loop3A_305, %parallel_loop3A_308 : vector<16xf32>
      %parallel_loop3A_310 = arith.index_cast %parallel_loop3A_255 : i32 to index
      %parallel_loop3A_311 = arith.constant 48 : index
      %parallel_loop3A_312 = tpu.vector_load %arg19[%parallel_loop3A_310, %parallel_loop3A_311] {strides = array<i32>} : memref<64x128xf32, #tpu.memory_space<vmem>>, vector<1x16xf32>,
      %parallel_loop3A_313 = vector.shape_cast %parallel_loop3A_312 : vector<1x16xf32> to vector<16xf32>
      %parallel_loop3A_314 = vector.shape_cast %parallel_loop3A_309 : vector<16xf32> to vector<1x16xf32>
      tpu.vector_store %arg19[%parallel_loop3A_310, %parallel_loop3A_311], %parallel_loop3A_314 {strides = array<i32>} : memref<64x128xf32, #tpu.memory_space<vmem>>, vector<1x16xf32>,
      %parallel_loop3A_315 = arith.index_cast %parallel_loop3A_255 : i32 to index
      %parallel_loop3A_316 = arith.constant 64 : index
      %parallel_loop3A_317 = tpu.vector_load %arg19[%parallel_loop3A_315, %parallel_loop3A_316] {strides = array<i32>} : memref<64x128xf32, #tpu.memory_space<vmem>>, vector<1x16xf32>,
      %parallel_loop3A_318 = vector.shape_cast %parallel_loop3A_317 : vector<1x16xf32> to vector<16xf32>
      %parallel_loop3A_319 = vector.broadcast %parallel_loop3A_262 : f32 to vector<16xf32>
      %parallel_loop3A_320 = arith.mulf %parallel_loop3A_319, %get3A_55 : vector<16xf32>
      %parallel_loop3A_321 = arith.addf %parallel_loop3A_320, %add3A_94 : vector<16xf32>
      %parallel_loop3A_322 = arith.mulf %parallel_loop3A_318, %parallel_loop3A_321 : vector<16xf32>
      %parallel_loop3A_323 = arith.index_cast %parallel_loop3A_255 : i32 to index
      %parallel_loop3A_324 = arith.constant 64 : index
      %parallel_loop3A_325 = tpu.vector_load %arg19[%parallel_loop3A_323, %parallel_loop3A_324] {strides = array<i32>} : memref<64x128xf32, #tpu.memory_space<vmem>>, vector<1x16xf32>,
      %parallel_loop3A_326 = vector.shape_cast %parallel_loop3A_325 : vector<1x16xf32> to vector<16xf32>
      %parallel_loop3A_327 = vector.shape_cast %parallel_loop3A_322 : vector<16xf32> to vector<1x16xf32>
      tpu.vector_store %arg19[%parallel_loop3A_323, %parallel_loop3A_324], %parallel_loop3A_327 {strides = array<i32>} : memref<64x128xf32, #tpu.memory_space<vmem>>, vector<1x16xf32>,
      %parallel_loop3A_328 = arith.index_cast %parallel_loop3A_255 : i32 to index
      %parallel_loop3A_329 = arith.constant 80 : index
      %parallel_loop3A_330 = tpu.vector_load %arg19[%parallel_loop3A_328, %parallel_loop3A_329] {strides = array<i32>} : memref<64x128xf32, #tpu.memory_space<vmem>>, vector<1x16xf32>,
      %parallel_loop3A_331 = vector.shape_cast %parallel_loop3A_330 : vector<1x16xf32> to vector<16xf32>
      %parallel_loop3A_332 = vector.broadcast %parallel_loop3A_262 : f32 to vector<16xf32>
      %parallel_loop3A_333 = arith.mulf %parallel_loop3A_332, %get3A_58 : vector<16xf32>
      %parallel_loop3A_334 = arith.addf %parallel_loop3A_333, %add3A_100 : vector<16xf32>
      %parallel_loop3A_335 = arith.mulf %parallel_loop3A_331, %parallel_loop3A_334 : vector<16xf32>
      %parallel_loop3A_336 = arith.index_cast %parallel_loop3A_255 : i32 to index
      %parallel_loop3A_337 = arith.constant 80 : index
      %parallel_loop3A_338 = tpu.vector_load %arg19[%parallel_loop3A_336, %parallel_loop3A_337] {strides = array<i32>} : memref<64x128xf32, #tpu.memory_space<vmem>>, vector<1x16xf32>,
      %parallel_loop3A_339 = vector.shape_cast %parallel_loop3A_338 : vector<1x16xf32> to vector<16xf32>
      %parallel_loop3A_340 = vector.shape_cast %parallel_loop3A_335 : vector<16xf32> to vector<1x16xf32>
      tpu.vector_store %arg19[%parallel_loop3A_336, %parallel_loop3A_337], %parallel_loop3A_340 {strides = array<i32>} : memref<64x128xf32, #tpu.memory_space<vmem>>, vector<1x16xf32>,
      %parallel_loop3A_341 = arith.index_cast %parallel_loop3A_255 : i32 to index
      %parallel_loop3A_342 = arith.constant 96 : index
      %parallel_loop3A_343 = tpu.vector_load %arg19[%parallel_loop3A_341, %parallel_loop3A_342] {strides = array<i32>} : memref<64x128xf32, #tpu.memory_space<vmem>>, vector<1x16xf32>,
      %parallel_loop3A_344 = vector.shape_cast %parallel_loop3A_343 : vector<1x16xf32> to vector<16xf32>
      %parallel_loop3A_345 = vector.broadcast %parallel_loop3A_262 : f32 to vector<16xf32>
      %parallel_loop3A_346 = arith.mulf %parallel_loop3A_345, %get3A_61 : vector<16xf32>
      %parallel_loop3A_347 = arith.addf %parallel_loop3A_346, %add3A_106 : vector<16xf32>
      %parallel_loop3A_348 = arith.mulf %parallel_loop3A_344, %parallel_loop3A_347 : vector<16xf32>
      %parallel_loop3A_349 = arith.index_cast %parallel_loop3A_255 : i32 to index
      %parallel_loop3A_350 = arith.constant 96 : index
      %parallel_loop3A_351 = tpu.vector_load %arg19[%parallel_loop3A_349, %parallel_loop3A_350] {strides = array<i32>} : memref<64x128xf32, #tpu.memory_space<vmem>>, vector<1x16xf32>,
      %parallel_loop3A_352 = vector.shape_cast %parallel_loop3A_351 : vector<1x16xf32> to vector<16xf32>
      %parallel_loop3A_353 = vector.shape_cast %parallel_loop3A_348 : vector<16xf32> to vector<1x16xf32>
      tpu.vector_store %arg19[%parallel_loop3A_349, %parallel_loop3A_350], %parallel_loop3A_353 {strides = array<i32>} : memref<64x128xf32, #tpu.memory_space<vmem>>, vector<1x16xf32>,
      %parallel_loop3A_354 = arith.index_cast %parallel_loop3A_255 : i32 to index
      %parallel_loop3A_355 = arith.constant 112 : index
      %parallel_loop3A_356 = tpu.vector_load %arg19[%parallel_loop3A_354, %parallel_loop3A_355] {strides = array<i32>} : memref<64x128xf32, #tpu.memory_space<vmem>>, vector<1x16xf32>,
      %parallel_loop3A_357 = vector.shape_cast %parallel_loop3A_356 : vector<1x16xf32> to vector<16xf32>
      %parallel_loop3A_358 = vector.broadcast %parallel_loop3A_262 : f32 to vector<16xf32>
      %parallel_loop3A_359 = arith.mulf %parallel_loop3A_358, %get3A_64 : vector<16xf32>
      %parallel_loop3A_360 = arith.addf %parallel_loop3A_359, %add3A_112 : vector<16xf32>
      %parallel_loop3A_361 = arith.mulf %parallel_loop3A_357, %parallel_loop3A_360 : vector<16xf32>
      %parallel_loop3A_362 = arith.index_cast %parallel_loop3A_255 : i32 to index
      %parallel_loop3A_363 = arith.constant 112 : index
      %parallel_loop3A_364 = tpu.vector_load %arg19[%parallel_loop3A_362, %parallel_loop3A_363] {strides = array<i32>} : memref<64x128xf32, #tpu.memory_space<vmem>>, vector<1x16xf32>,
      %parallel_loop3A_365 = vector.shape_cast %parallel_loop3A_364 : vector<1x16xf32> to vector<16xf32>
      %parallel_loop3A_366 = vector.shape_cast %parallel_loop3A_361 : vector<16xf32> to vector<1x16xf32>
      tpu.vector_store %arg19[%parallel_loop3A_362, %parallel_loop3A_363], %parallel_loop3A_366 {strides = array<i32>} : memref<64x128xf32, #tpu.memory_space<vmem>>, vector<1x16xf32>,
    } {sc.loop_unroll_factor = 4 : i64, sc.parallel_access}
    %add3A_217 = arith.constant 448 : i32
    %add3A_218 = arith.addi %mul3A_2, %add3A_217 : i32
    %dma_start3A_219 = arith.constant 0 : i32
    %dma_start3A_220 = tpu.memref_slice %arg7[%add3A_218, %dma_start3A_219] : memref<16384x128xf32, #tpu.memory_space<hbm>> -> memref<64x128xf32, #tpu.memory_space<hbm>>
    %dma_start3A_221 = arith.constant 0 : i32
    %dma_start3A_222 = tpu.memref_slice %arg7[%add3A_218, %dma_start3A_221] : memref<16384x128xf32, #tpu.memory_space<hbm>> -> memref<64x128xf32, #tpu.memory_space<hbm>>
    tpu.enqueue_dma source(%arg19 : memref<64x128xf32, #tpu.memory_space<vmem>>) target(%dma_start3A_222 : memref<64x128xf32, #tpu.memory_space<hbm>>) target_semaphore(%arg28 : memref<!tpu.dma_semaphore, #tpu.memory_space<semaphore_mem>>)
    %dma_wait3A_223 = arith.constant 0 : i32
    %dma_wait3A_224 = tpu.memref_slice %arg7[%add3A_120, %dma_wait3A_223] : memref<16384x128xf32, #tpu.memory_space<hbm>> -> memref<64x128xf32, #tpu.memory_space<hbm>>
    %dma_wait3A_225 = arith.constant 0 : i32
    %dma_wait3A_226 = tpu.memref_slice %arg7[%add3A_120, %dma_wait3A_225] : memref<16384x128xf32, #tpu.memory_space<hbm>> -> memref<64x128xf32, #tpu.memory_space<hbm>>
    tpu.wait_dma2 semaphore(%arg28 : memref<!tpu.dma_semaphore, #tpu.memory_space<semaphore_mem>>) src(%arg12 : memref<64x128xf32, #tpu.memory_space<vmem>>) dst(%dma_wait3A_226 : memref<64x128xf32, #tpu.memory_space<hbm>>)
    %dma_wait3A_227 = arith.constant 0 : i32
    %dma_wait3A_228 = tpu.memref_slice %arg7[%add3A_134, %dma_wait3A_227] : memref<16384x128xf32, #tpu.memory_space<hbm>> -> memref<64x128xf32, #tpu.memory_space<hbm>>
    %dma_wait3A_229 = arith.constant 0 : i32
    %dma_wait3A_230 = tpu.memref_slice %arg7[%add3A_134, %dma_wait3A_229] : memref<16384x128xf32, #tpu.memory_space<hbm>> -> memref<64x128xf32, #tpu.memory_space<hbm>>
    tpu.wait_dma2 semaphore(%arg28 : memref<!tpu.dma_semaphore, #tpu.memory_space<semaphore_mem>>) src(%arg13 : memref<64x128xf32, #tpu.memory_space<vmem>>) dst(%dma_wait3A_230 : memref<64x128xf32, #tpu.memory_space<hbm>>)
    %dma_wait3A_231 = arith.constant 0 : i32
    %dma_wait3A_232 = tpu.memref_slice %arg7[%add3A_148, %dma_wait3A_231] : memref<16384x128xf32, #tpu.memory_space<hbm>> -> memref<64x128xf32, #tpu.memory_space<hbm>>
    %dma_wait3A_233 = arith.constant 0 : i32
    %dma_wait3A_234 = tpu.memref_slice %arg7[%add3A_148, %dma_wait3A_233] : memref<16384x128xf32, #tpu.memory_space<hbm>> -> memref<64x128xf32, #tpu.memory_space<hbm>>
    tpu.wait_dma2 semaphore(%arg28 : memref<!tpu.dma_semaphore, #tpu.memory_space<semaphore_mem>>) src(%arg14 : memref<64x128xf32, #tpu.memory_space<vmem>>) dst(%dma_wait3A_234 : memref<64x128xf32, #tpu.memory_space<hbm>>)
    %dma_wait3A_235 = arith.constant 0 : i32
    %dma_wait3A_236 = tpu.memref_slice %arg7[%add3A_162, %dma_wait3A_235] : memref<16384x128xf32, #tpu.memory_space<hbm>> -> memref<64x128xf32, #tpu.memory_space<hbm>>
    %dma_wait3A_237 = arith.constant 0 : i32
    %dma_wait3A_238 = tpu.memref_slice %arg7[%add3A_162, %dma_wait3A_237] : memref<16384x128xf32, #tpu.memory_space<hbm>> -> memref<64x128xf32, #tpu.memory_space<hbm>>
    tpu.wait_dma2 semaphore(%arg28 : memref<!tpu.dma_semaphore, #tpu.memory_space<semaphore_mem>>) src(%arg15 : memref<64x128xf32, #tpu.memory_space<vmem>>) dst(%dma_wait3A_238 : memref<64x128xf32, #tpu.memory_space<hbm>>)
    %dma_wait3A_239 = arith.constant 0 : i32
    %dma_wait3A_240 = tpu.memref_slice %arg7[%add3A_176, %dma_wait3A_239] : memref<16384x128xf32, #tpu.memory_space<hbm>> -> memref<64x128xf32, #tpu.memory_space<hbm>>
    %dma_wait3A_241 = arith.constant 0 : i32
    %dma_wait3A_242 = tpu.memref_slice %arg7[%add3A_176, %dma_wait3A_241] : memref<16384x128xf32, #tpu.memory_space<hbm>> -> memref<64x128xf32, #tpu.memory_space<hbm>>
    tpu.wait_dma2 semaphore(%arg28 : memref<!tpu.dma_semaphore, #tpu.memory_space<semaphore_mem>>) src(%arg16 : memref<64x128xf32, #tpu.memory_space<vmem>>) dst(%dma_wait3A_242 : memref<64x128xf32, #tpu.memory_space<hbm>>)
    %dma_wait3A_243 = arith.constant 0 : i32
    %dma_wait3A_244 = tpu.memref_slice %arg7[%add3A_190, %dma_wait3A_243] : memref<16384x128xf32, #tpu.memory_space<hbm>> -> memref<64x128xf32, #tpu.memory_space<hbm>>
    %dma_wait3A_245 = arith.constant 0 : i32
    %dma_wait3A_246 = tpu.memref_slice %arg7[%add3A_190, %dma_wait3A_245] : memref<16384x128xf32, #tpu.memory_space<hbm>> -> memref<64x128xf32, #tpu.memory_space<hbm>>
    tpu.wait_dma2 semaphore(%arg28 : memref<!tpu.dma_semaphore, #tpu.memory_space<semaphore_mem>>) src(%arg17 : memref<64x128xf32, #tpu.memory_space<vmem>>) dst(%dma_wait3A_246 : memref<64x128xf32, #tpu.memory_space<hbm>>)
    %dma_wait3A_247 = arith.constant 0 : i32
    %dma_wait3A_248 = tpu.memref_slice %arg7[%add3A_204, %dma_wait3A_247] : memref<16384x128xf32, #tpu.memory_space<hbm>> -> memref<64x128xf32, #tpu.memory_space<hbm>>
    %dma_wait3A_249 = arith.constant 0 : i32
    %dma_wait3A_250 = tpu.memref_slice %arg7[%add3A_204, %dma_wait3A_249] : memref<16384x128xf32, #tpu.memory_space<hbm>> -> memref<64x128xf32, #tpu.memory_space<hbm>>
    tpu.wait_dma2 semaphore(%arg28 : memref<!tpu.dma_semaphore, #tpu.memory_space<semaphore_mem>>) src(%arg18 : memref<64x128xf32, #tpu.memory_space<vmem>>) dst(%dma_wait3A_250 : memref<64x128xf32, #tpu.memory_space<hbm>>)
    %dma_wait3A_251 = arith.constant 0 : i32
    %dma_wait3A_252 = tpu.memref_slice %arg7[%add3A_218, %dma_wait3A_251] : memref<16384x128xf32, #tpu.memory_space<hbm>> -> memref<64x128xf32, #tpu.memory_space<hbm>>
    %dma_wait3A_253 = arith.constant 0 : i32
    %dma_wait3A_254 = tpu.memref_slice %arg7[%add3A_218, %dma_wait3A_253] : memref<16384x128xf32, #tpu.memory_space<hbm>> -> memref<64x128xf32, #tpu.memory_space<hbm>>
    tpu.wait_dma2 semaphore(%arg28 : memref<!tpu.dma_semaphore, #tpu.memory_space<semaphore_mem>>) src(%arg19 : memref<64x128xf32, #tpu.memory_space<vmem>>) dst(%dma_wait3A_254 : memref<64x128xf32, #tpu.memory_space<hbm>>)
    return
  }
}

</mosaic_0001>

<sc_bundles>
// kernel: _run.3.cloned.1.call-start
scs
__scs_entry_jumppad:
0x0: {  	(pc) =	sbr.rel $0x88, $3  }
0x1: {  	(tag) =	ssettag $0x0;
	lr =	simm.s32 $0x1  }
0x2: {  	[smem:$0x3F9C] =	sst lr;
	_ =	strace $0xD0000000  }
0x3: {  	_ = 	snop  }
0x4: {  	_ = 	snop  }
0x5: {  	_ = 	snop  }
0x6: {  	_ = 	snop  }
0x7: {  	_ = 	snop  }
__scs_overlays_trampoline_lowered:
0x8: {  	[smem:$0x3FAB] =	sst s0  }
0x9: {  	[smem:$0x3FAC] =	sst s1  }
0xa: {  	[smem:$0x3FAD] =	sst s2  }
0xb: {  	[smem:$0x3FAE] =	sst s3  }
0xc: {  	[smem:$0x3FAF] =	sst s4  }
0xd: {  	[smem:$0x3FB0] =	sst s5  }
0xe: {  	[smem:$0x3FB1] =	sst s6  }
0xf: {  	[smem:$0x3FB2] =	sst s7  }
0x10: {  	[smem:$0x3FB3] =	sst s8  }
0x11: {  	[smem:$0x3FB4] =	sst s9;
	s0 =	simm.s32 @!p0 $0x0  }
0x12: {  	s1 =	sld [smem:$0x3F9A];
	s0 =	simm.s32 @p0 $0x1  }
0x13: {  	[smem:$0x3FB5] =	sst s0;
	s0 =	simm.s32 @!p1 $0x0  }
0x14: {  	s2 =	sld [smem:$0x3F99];
	s0 =	simm.s32 @p1 $0x1  }
0x15: {  	[smem:$0x3FB6] =	sst s0;
	s0 =	simm.s32 @!p2 $0x0  }
0x16: {  	s3 =	sld [smem:$0x3FDB];
	s0 =	simm.s32 @p2 $0x1  }
0x17: {  	s4 =	simm.s32 $0x1BF5;
	[smem:$0x3FB8] =	sst s0  }
0x18: {  	s0 =	sld [smem:$0x3F9B];
	_ =	swait.ge [sflag:s4], $0x0  }
0x19: {  	s7 =	sld [smem:$0x3F9C]  }
0x1a: {  	s8 =	sadd.s32 $0xFFFFE003, lr  }
0x1b: {  	s9 =	sadd.s32 $0xFFFFFEF7, lr;
	s5 =	simm.s32 $0xFFFFFFFF;
	p2 =	slt.u32 s8, $0xFFFFF086  }
0x1c: {  	p1 =	slt.u32 s9, $0xF7A;
	s5 =	simm.s32 @!p2 $0x0  }
0x1d: {  	s5 =	simm.s32 @p1 $0x1;
	p0 =	seq.s32 s7, s2  }
0x1e: {  	s7 =	smul.u32 @!p0 $0xF7A, s2;
	p2 =	seq.s32 @!p0 s5, $0x0  }
0x1f: {  	s9 =	smul.u32 $0xF7A, s1;
	s8 =	simm.s32 @!p0 $0x1BF5;
	p2 =	por !p2, p0  }
0x20: {  	[sflag:s8] =	ssyncset.s32 @!p0 $0xFFFFF086;
	s6 =	sadd.s32 @!p0 s3, s7;
	s7 =	simm.s32 @!p0 $0x108  }
0x21: {  	s3 =	sadd.s32 s3, s9;
	s6 =	sadd.s32 @!p0 $0x88, s6;
	s7 =	simm.s32 @p2 $0x1082  }
0x22: {  	[simem:s7], [sflag:s8] =	dma.local @!p0 [hbm:s6], $0xF7A  }
0x23: {  	s9 =	sor.u32 $0xD0000000, s2;
	s6 =	simm.s32 $0x108;
	_ =	swait.ge @!p0 [sflag:s8], $0x0  }
0x24: {  	s3 =	sadd.s32 $0x88, s3;
	s6 =	simm.s32 @!p1 $0x1082;
	[sflag:s4] =	ssyncset.s32 $0xFFFFF086  }
0x25: {  	[simem:s6], [sflag:s4] =	dma.local [hbm:s3], $0xF7A  }
0x26: {  	[smem:$0x3F9C] =	sst s1;
	(tag) =	ssettag s2;
	_ =	strace s9  }
0x27: {  	s1 =	sld [smem:$0x3FAC]  }
0x28: {  	s2 =	sld [smem:$0x3FAD]  }
0x29: {  	s4 =	sld [smem:$0x3FAF]  }
0x2a: {  	p0 =	seq.s32 s5, $0x0;
	s5 =	sld [smem:$0x3FB0]  }
0x2b: {  	s6 =	sld [smem:$0x3FB1]  }
0x2c: {  	s7 =	sld [smem:$0x3FB2]  }
0x2d: {  	s3 =	simm.s32 $0x108;
	s8 =	sld [smem:$0x3FB3]  }
0x2e: {  	s3 =	simm.s32 @!p0 $0x1082;
	s9 =	sld [smem:$0x3FB4]  }
0x2f: {  	lr =	sadd.s32 s0, s3;
	s0 =	sld [smem:$0x3FAB]  }
0x30: {  	s3 =	sld [smem:$0x3FAE]  }
0x31: {  	[smem:$0x3FB7] =	sst s10  }
0x32: {  	s10 =	sld [smem:$0x3FB5];
	_ =	sdelay $0x3  }
0x33: {  	p0 =	seq.s32 s10, $0x1;
	s10 =	sld [smem:$0x3FB7];
	_ =	sdelay $0x3  }
0x34: {  	[smem:$0x3FB7] =	sst s10  }
0x35: {  	s10 =	sld [smem:$0x3FB6];
	_ =	sdelay $0x3  }
0x36: {  	p1 =	seq.s32 s10, $0x1;
	s10 =	sld [smem:$0x3FB7];
	_ =	sdelay $0x3  }
0x37: {  	[smem:$0x3FB7] =	sst s10  }
0x38: {  	s10 =	sld [smem:$0x3FB8]  }
0x39: {  	_ = 	snop;
	(pc) =	sbr.ind lr, $3  }
0x3a: {  	_ = 	snop  }
0x3b: {  	_ = 	snop  }
0x3c: {  	p2 =	seq.s32 s10, $0x1;
	s10 =	sld [smem:$0x3FB7]  }
0x3d: {  	_ =	shalt  }
0x3e: {  	_ =	shalt  }
0x3f: {  	_ =	shalt  }
0x40: {  	_ =	shalt  }
0x41: {  	_ =	shalt  }
0x42: {  	_ =	shalt  }
0x43: {  	_ =	shalt  }
0x44: {  	_ =	shalt  }
0x45: {  	_ =	shalt  }
0x46: {  	_ =	shalt  }
0x47: {  	_ =	shalt  }
0x48: {  	_ =	shalt  }
0x49: {  	_ =	shalt  }
0x4a: {  	_ =	shalt  }
0x4b: {  	_ =	shalt  }
0x4c: {  	_ =	shalt  }
0x4d: {  	_ =	shalt  }
0x4e: {  	_ =	shalt  }
0x4f: {  	_ =	shalt  }
0x50: {  	_ =	shalt  }
0x51: {  	_ =	shalt  }
0x52: {  	_ =	shalt  }
0x53: {  	_ =	shalt  }
0x54: {  	_ =	shalt  }
0x55: {  	_ =	shalt  }
0x56: {  	_ =	shalt  }
0x57: {  	_ =	shalt  }
0x58: {  	_ =	shalt  }
0x59: {  	_ =	shalt  }
0x5a: {  	_ =	shalt  }
0x5b: {  	_ =	shalt  }
0x5c: {  	_ =	shalt  }
0x5d: {  	_ =	shalt  }
0x5e: {  	_ =	shalt  }
0x5f: {  	_ =	shalt  }
0x60: {  	_ =	shalt  }
0x61: {  	_ =	shalt  }
0x62: {  	_ =	shalt  }
0x63: {  	_ =	shalt  }
0x64: {  	_ =	shalt  }
0x65: {  	_ =	shalt  }
0x66: {  	_ =	shalt  }
0x67: {  	_ =	shalt  }
0x68: {  	_ =	shalt  }
0x69: {  	_ =	shalt  }
0x6a: {  	_ =	shalt  }
0x6b: {  	_ =	shalt  }
0x6c: {  	_ =	shalt  }
0x6d: {  	_ =	shalt  }
0x6e: {  	_ =	shalt  }
0x6f: {  	_ =	shalt  }
0x70: {  	_ =	shalt  }
0x71: {  	_ =	shalt  }
0x72: {  	_ =	shalt  }
0x73: {  	_ =	shalt  }
0x74: {  	_ =	shalt  }
0x75: {  	_ =	shalt  }
0x76: {  	_ =	shalt  }
0x77: {  	_ =	shalt  }
0x78: {  	_ =	shalt  }
0x79: {  	_ =	shalt  }
0x7a: {  	_ =	shalt  }
0x7b: {  	_ =	shalt  }
0x7c: {  	_ =	shalt  }
0x7d: {  	_ =	shalt  }
0x7e: {  	_ =	shalt  }
0x7f: {  	_ =	shalt  }
0x80: {  	_ =	shalt  }
0x81: {  	_ =	shalt  }
0x82: {  	_ =	shalt  }
0x83: {  	_ =	shalt  }
0x84: {  	_ =	shalt  }
0x85: {  	_ =	shalt  }
0x86: {  	_ =	shalt  }
0x87: {  	_ =	shalt  }
.Lfunc_end0:
.L_simem_size_0:
called_computation_lowered:
.L_overlay_start_0:
0x88: {  	s2 =	sld [smem:$0x3FD9]  }
0x89: {  	s3 =	sld [smem:$0x3FFE];
	_ =	sdelay $0x1  }
0x8a: {  	s1 =	srdreg.scid  }
0x8b: {  	s0 =	sand.u32 $0x1, s1  }
0x8c: {  	s18 =	sshll.u32 s0, $0xA;
	s2 =	sadd.s32 s3, s2  }
0x8d: {  	s2 =	sadd.s32 s2, s18  }
0x8e: {  	[smem:$0x3FC3] =	sst s2  }
0x8f: {  	_ = 	snop  }
0x90: {  	s2 =	sld [smem:$0x3FC9]  }
0x91: {  	s19 =	sld [smem:$0x3FC8]  }
0x92: {  	s4 =	sld [smem:$0x3FC7]  }
0x93: {  	s5 =	sld [smem:$0x3FC6]  }
0x94: {  	s6 =	sld [smem:$0x3FC5]  }
0x95: {  	s7 =	sld [smem:$0x3FD0];
	(tm) =	ssettm $0x1  }
0x96: {  	s8 =	sld [smem:$0x3FFB];
	_ =	sdelay $0x3  }
0x97: {  	_ =	strace s8  }
0x98: {  	s8 =	sld [smem:$0x3FFC];
	_ =	sdelay $0x3  }
0x99: {  	_ =	strace s8  }
0x9a: {  	s8 =	sld [smem:$0x3FFD];
	_ =	sdelay $0x3  }
0x9b: {  	_ =	strace s8  }
0x9c: {  	_ =	strace $0x8FFFFFFF  }
0x9d: {  	s20 =	sld [smem:$0x3FDB];
	_ =	sdelay $0x1  }
0x9e: {  	s9 =	simm.s32 $_scs_section_size  }
0x9f: {  	s10 =	simm.s32 $_size__tile_overlayer_lowered;
	s11 =	simm.s32 $_tile_overlayer_lowered  }
0xa0: {  	s23 =	simm.s32 $0x1BFF;
	s22 =	sshll.u32 s11, $0x1;
	s8 =	sadd.s32 s9, s20  }
0xa1: {  	s12 =	simm.s32 $0x0;
	s21 =	sshll.u32 s10, $0x1;
	s10 =	sadd.s32 s22, s8  }
0xa2: {  	[timem:s12], [sflag:s23] =	dma.local [hbm:s10], s21  }
0xa3: {  	_ =	swait.ge [sflag:s23], s21  }
0xa4: {  	s9 =	ssub.s32 $0x0, s21;
	[sflag:s23] =	ssyncset.done $0x0  }
0xa5: {  	[sflag:s23] =	ssyncadd.s32 s9;
	_ =	sdelay $0x1  }
0xa6: {  	s24 =	simm.s32 $0x1B8B  }
0xa7: {  	_ =	swait.ge [sflag:s24], $0x1  }
0xa8: {  	[sflag:s24] =	ssyncset.done $0x0  }
0xa9: {  	s25 =	simm.s32 $0x1B8E;
	[sflag:s24] =	ssyncadd.s32 $0xFFFFFFFF  }
0xaa: {  	s26 =	simm.s32 $execute0_lowered;
	[smem:$0x3FD2] =	sst s25  }
0xab: {  	s9 =	sshll.u32 s26, $0x1;
	_ =	strace $0x80000046;
	[dreg:$0x1] =	wrdreg $0xFFFFFFFF  }
0xac: {  	s28 =	simm.s32 $_size_execute0_lowered;
	s8 =	sadd.s32 s8, s9;
	[dreg:$0x0] =	wrdreg $0x0  }
0xad: {  	s9 =	sshll.u32 s28, $0x1;
	[dreg:$0x2] =	wrdreg s8  }
0xae: {  	[dreg:$0x3] =	wrdreg s9  }
0xaf: {  	[dreg:$0x4] =	wrdreg $0xC0  }
0xb0: {  	_ =	task [dreg:s12], $0x5FFFF  }
0xb1: {  	[dreg:$0x1] =	wrdreg $0xFFFFFFFF  }
0xb2: {  	[dreg:$0x0] =	wrdreg $0x60  }
0xb3: {  	[dreg:$0x2] =	wrdreg s2  }
0xb4: {  	[dreg:$0x3] =	wrdreg s19  }
0xb5: {  	[dreg:$0x4] =	wrdreg s4  }
0xb6: {  	[dreg:$0x5] =	wrdreg s5  }
0xb7: {  	[dreg:$0x6] =	wrdreg s6  }
0xb8: {  	[dreg:$0x7] =	wrdreg s7  }
0xb9: {  	[dreg:$0x8] =	wrdreg $0x9  }
0xba: {  	_ =	task.clear_ibuf [dreg:s12], $0x9FFFF;
	_ =	strace $0x90000046  }
0xbb: {  	s29 =	simm.s32 $0x9;
	_ =	strace $0x80000048  }
0xbc: {  	_ =	swait.ge [sflag:s29], $0x1  }
0xbd: {  	[sflag:s29] =	ssyncadd.s32 $0xFFFFFFFF  }
0xbe: {  	_ =	strace $0x90000048  }
0xbf: {  	_ =	sfence  }
0xc0: {  	s30 =	sld [smem:$0x0];
	_ =	sdelay $0x2  }
0xc1: {  	s31 =	sshll.u32 s1, $0xD;
	s1 =	sshrl.u32 s1, $0x2  }
0xc2: {  	s3 =	sand.u32 $0x4000, s31;
	s1 =	sadd.s32 s1, s30  }
0xc3: {  	s0 =	sor.u32 s3, s0;
	s1 =	sshll.u32 s1, $0x11  }
0xc4: {  	s0 =	sor.u32 s1, s0  }
0xc5: {  	s0 =	sadd.s32 $0x8F2B, s0  }
0xc6: {  	[sflag:s0] =	ssyncadd.remote.s32 $0x1  }
0xc7: {  	_ =	sfence.sel $0xFFFF  }
0xc8: {  	[dreg:$0x0] =	wrdreg $0xFFFFFFFF;
	(pc) =	sbr.abs _section_cstart, $3  }
0xc9: {  	[dreg:$0x1] =	wrdreg $0xFFFFFFFF  }
0xca: {  	_ =	task.clear_ibuf [dreg:s12], $0x2FFFF;
	_ =	strace $0x9FFFFFFF  }
0xcb: {  	(tm) =	ssettm $0x7FFFFFFF  }
tec
execute0_lowered:
.L_overlay_start_1:
0x0: {  	(tag) =	ssettag $0x1  }
0x1: {  	s0 =	rddreg [dreg:$0x0]  }
0x2: {  	s1 =	rddreg [dreg:$0x1]  }
0x3: {  	s2 =	rddreg [dreg:$0x2]  }
0x4: {  	s3 =	rddreg [dreg:$0x5]  }
0x5: {  	s4 =	srdreg.scid;
	s6 =	stileid.u32;
	s5 =	simm.s32 $0x0  }
0x6: {  	s17 =	simm.s32 $0xA;
	s18 =	simm.s32 $0x40;
	s31 =	simm.s32 $0xC580  }
0x7: {  	s23 =	simm.s32 $0x1;
	s25 =	simm.s32 $0x2;
	s28 =	simm.s32 $0x3  }
0x8: {  	s30 =	simm.s32 $0x4;
	s21 =	simm.s32 $0x8;
	s19 =	simm.s32 $0x9  }
0x9: {  	s20 =	simm.s32 $0x0;
	s4 =	sand.u32 $0x1, s4;
	s6 =	sshll.u32 s6, $0xA  }
0xa: {  	[smem:$0x7FF] =	sst s5;
	s7 =	sshll.u32 s4, $0x9;
	s4 =	ssub.s32 $0x2, s4  }
0xb: {  	_ =	strace $0x80000047;
	s6 =	sor.u32 s7, s6;
	s29 =	sshrl.u32 s4, $0x1  }
0xc: {  	s8 =	sshll.u32 s6, $0x4;
	s4 =	ssub.s32 s4, s29;
	s9 =	sshrl.u32 s6, $0x3  }
0xd: {  	s6 =	sadd.s32 s3, s8;
	s7 =	sadd.s32 s1, s9;
	s8 =	sadd.s32 s2, s9  }
0xe: {  	s16 =	smax.u32 s4, $0x1;
	s3 =	simm.s32 $0xE580;
	s1 =	simm.s32 $0x5  }
0xf: {  	s2 =	simm.s32 $0x6;
	s4 =	simm.s32 $0x7;
	s9 =	sadd.s32 $0x400, s6  }
0x10: {  	s10 =	sadd.s32 $0x800, s6;
	s11 =	sadd.s32 $0xC00, s6;
	s12 =	sadd.s32 $0x1000, s6  }
0x11: {  	s13 =	sadd.s32 $0x1400, s6;
	s14 =	sadd.s32 $0x1800, s6;
	s15 =	sadd.s32 $0x1C00, s6  }
.LBB2_1:
0x12: {  	[tilespmem:s5], [sflag:$0xA] =	stream.linear.gather [hbm4b:s7+s5], $0x200, $0x38;
	[tilespmem:$0x10580] =	vst v63  }
0x13: {  	_ =	swait.ge [sflag:s17], $0x200  }
0x14: {  	[sflag:s17] =	ssyncset.done $0x0  }
0x15: {  	s22 =	simm.s32 $0x580;
	[sflag:s17] =	ssyncadd.s32 $0xFFFFFE00  }
0x16: {  	[tilespmem:s22], [sflag:$0x1] =	stream.indirect.gather [hbm4b:s0+s18], $0x80, s5, s18, $0xb8;
	[tilespmem:$0x10580] =	vst v63  }
0x17: {  	s24 =	simm.s32 $0x2580  }
0x18: {  	[tilespmem:s24], [sflag:$0x2] =	stream.indirect.gather [hbm4b:s0+s18], $0x80, s18, s18, $0xb8;
	[tilespmem:$0x10580] =	vst v63  }
0x19: {  	s26 =	simm.s32 $0x80;
	s24 =	simm.s32 $0x4580  }
0x1a: {  	[tilespmem:s24], [sflag:$0x3] =	stream.indirect.gather [hbm4b:s0+s18], $0x80, s26, s18, $0xb8;
	[tilespmem:$0x10580] =	vst v63  }
0x1b: {  	s24 =	simm.s32 $0xC0;
	s26 =	simm.s32 $0x6580  }
0x1c: {  	[tilespmem:s26], [sflag:$0x4] =	stream.indirect.gather [hbm4b:s0+s18], $0x80, s24, s18, $0xb8;
	[tilespmem:$0x10580] =	vst v63  }
0x1d: {  	s24 =	simm.s32 $0x100;
	s26 =	simm.s32 $0x8580  }
0x1e: {  	[tilespmem:s26], [sflag:$0x5] =	stream.indirect.gather [hbm4b:s0+s18], $0x80, s24, s18, $0xb8;
	[tilespmem:$0x10580] =	vst v63  }
0x1f: {  	s24 =	simm.s32 $0x140;
	s26 =	simm.s32 $0xA580  }
0x20: {  	[tilespmem:s26], [sflag:$0x6] =	stream.indirect.gather [hbm4b:s0+s18], $0x80, s24, s18, $0xb8;
	[tilespmem:$0x10580] =	vst v63  }
0x21: {  	s26 =	simm.s32 $0x180  }
0x22: {  	[tilespmem:s31], [sflag:$0x7] =	stream.indirect.gather [hbm4b:s0+s18], $0x80, s26, s18, $0xb8;
	[tilespmem:$0x10580] =	vst v63  }
0x23: {  	s24 =	simm.s32 $0x1C0  }
0x24: {  	[tilespmem:s3], [sflag:$0x8] =	stream.indirect.gather [hbm4b:s0+s18], $0x80, s24, s18, $0xb8;
	[tilespmem:$0x10580] =	vst v63  }
0x25: {  	s26 =	simm.s32 $0x200  }
0x26: {  	[tilespmem:s26], [sflag:$0xA] =	stream.linear.gather [hbm4b:s8+s5], $0x200, $0x38;
	[tilespmem:$0x10580] =	vst v63  }
0x27: {  	_ =	swait.ge [sflag:s17], $0x200  }
0x28: {  	[sflag:s17] =	ssyncset.done $0x0  }
0x29: {  	[sflag:s17] =	ssyncadd.s32 $0xFFFFFE00  }
0x2a: {  	s26 =	simm.s32 $0x480;
	s24 =	rddreg [dreg:$0x3]  }
0x2b: {  	[tilespmem:s26], [sflag:$0xA] =	stream.linear.gather [hbm4b:s24+s5], $0x80, $0x38;
	[tilespmem:$0x10580] =	vst v63  }
0x2c: {  	_ =	swait.ge [sflag:s17], $0x80  }
0x2d: {  	[sflag:s17] =	ssyncset.done $0x0  }
0x2e: {  	[sflag:s17] =	ssyncadd.s32 $0xFFFFFF80  }
0x2f: {  	s26 =	simm.s32 $0x500;
	s24 =	rddreg [dreg:$0x4]  }
0x30: {  	[tilespmem:s26], [sflag:$0xA] =	stream.linear.gather [hbm4b:s24+s5], $0x80, $0x38;
	[tilespmem:$0x10580] =	vst v63  }
0x31: {  	_ =	swait.ge [sflag:s17], $0x80  }
0x32: {  	[sflag:s17] =	ssyncset.done $0x0  }
0x33: {  	[sflag:s17] =	ssyncadd.s32 $0xFFFFFF80  }
0x34: {  	v15 =	vld [tilespmem:$0x480]  }
0x35: {  	v1 =	vld [tilespmem:$0x490]  }
0x36: {  	v3 =	vld [tilespmem:$0x4A0]  }
0x37: {  	v0 =	vld [tilespmem:$0x4B0]  }
0x38: {  	v9 =	vld [tilespmem:$0x4C0]  }
0x39: {  	v12 =	vld [tilespmem:$0x4D0]  }
0x3a: {  	v2 =	vld [tilespmem:$0x4E0]  }
0x3b: {  	v6 =	vld [tilespmem:$0x4F0]  }
0x3c: {  	v4 =	vld [tilespmem:$0x500]  }
0x3d: {  	v5 =	vld [tilespmem:$0x510]  }
0x3e: {  	v7 =	vld [tilespmem:$0x520]  }
0x3f: {  	v8 =	vld [tilespmem:$0x530]  }
0x40: {  	v10 =	vld [tilespmem:$0x540]  }
0x41: {  	v14 =	vld [tilespmem:$0x550]  }
0x42: {  	v21 =	vld [tilespmem:$0x560]  }
0x43: {  	v22 =	vld [tilespmem:$0x570];
	_ =	swait.ge [sflag:s23], $0x2000  }
0x44: {  	[sflag:s23] =	ssyncset.done $0x0  }
0x45: {  	s22 =	simm.s32 $0x680;
	[sflag:s23] =	ssyncadd.s32 $0xFFFFE000  }
0x46: {  	v17 =	vld [tilespmem:s22+$0x70]  }
0x47: {  	s24 =	simm.s32 $0x202;
	v20 =	vld [tilespmem:s22+$0xF0]  }
0x48: {  	v16 =	vld.msk [tilespmem:s24+$0x1 ss:$0x0], $0xffff  }
0x49: {  	v19 =	vld.msk [tilespmem:s24+$0x0 ss:$0x0], $0xffff  }
0x4a: {  	v24 =	vld.msk [tilespmem:s24+$0xFFFFFFFF ss:$0x0], $0xffff  }
0x4b: {  	v23 =	vld.msk [tilespmem:s24+$0xFFFFFFFE ss:$0x0], $0xffff;
	v13 =	vadd.f32 $1.000000000e+00, v4  }
0x4c: {  	v18 =	vld [tilespmem:s22+$0xA0];
	v5 =	vadd.f32 $1.000000000e+00, v5;
	v7 =	vadd.f32 $1.000000000e+00, v7  }
0x4d: {  	v25 =	vld [tilespmem:s22+$0xD0];
	v4 =	vadd.f32 $1.000000000e+00, v8;
	v11 =	vadd.f32 $1.000000000e+00, v10;
	v26 =	vmul.f32 v16, v15  }
0x4e: {  	v31 =	vld [tilespmem:s22+$0xFFFFFF00];
	v14 =	vadd.f32 $1.000000000e+00, v14;
	v27 =	vmul.f32 v16, v1;
	v28 =	vmul.f32 v19, v15  }
0x4f: {  	v34 =	vld [tilespmem:s22+$0xFFFFFF30];
	v8 =	vadd.f32 $1.000000000e+00, v21;
	v29 =	vmul.f32 v16, v12;
	v32 =	vmul.f32 v24, v15  }
0x50: {  	v44 =	vld [tilespmem:s22+$0x90];
	v10 =	vadd.f32 $1.000000000e+00, v22;
	v33 =	vmul.f32 v23, v0;
	v35 =	vmul.f32 v23, v15  }
0x51: {  	v38 =	vld [tilespmem:s22+$0xFFFFFF10];
	v30 =	vmul.f32 v16, v6;
	v45 =	vmul.f32 v23, v6;
	v22 =	vadd.f32 v26, v13  }
0x52: {  	v36 =	vld [tilespmem:s22+$0xFFFFFF70];
	v40 =	vmul.f32 v19, v3;
	v37 =	vadd.f32 v27, v5;
	v26 =	vadd.f32 v28, v13  }
0x53: {  	v21 =	vld [tilespmem:s22+$0x80];
	v27 =	vadd.f32 v29, v14;
	v29 =	vmul.f32 v23, v1;
	v39 =	vadd.f32 v33, v4  }
0x54: {  	v28 =	vmul.f32 v16, v9;
	v33 =	vmul.f32 v16, v2;
	v41 =	vadd.f32 v35, v13;
	v35 =	vld [tilespmem:s22+$0x20]  }
0x55: {  	v43 =	vadd.f32 v29, v5;
	v42 =	vmul.f32 v34, v39;
	v29 =	vld [tilespmem:s22+$0x0];
	v34 =	vmul.f32 v19, v12  }
0x56: {  	s29 =	simm.s32 $0x680;
	s26 =	simm.s32 $0x0;
	v39 =	vmul.f32 v41, v31;
	v41 =	vadd.f32 v45, v10;
	v31 =	vld [tilespmem:s22+$0xFFFFFFD0];
	v37 =	vmul.f32 v37, v44  }
.LBB2_2:
0x57: {  	s26 =	sadd.s32 $0x4, s26;
	v38 =	vmul.f32 v43, v38;
	v43 =	vmul.f32 v19, v1;
	v40 =	vadd.f32 v40, v7;
	v44 =	vld [tilespmem:s22+$0x50];
	s29 =	sadd.s32 $0x200, s29;
	s24 =	sadd.s32 $0x4, s24  }
0x58: {  	v30 =	vadd.f32 v30, v10;
	p0 =	slt.u32 s26, $0x3C;
	[tilespmem:s22+$0xFFFFFF30] =	vst v42;
	v42 =	vld [tilespmem:s22+$0xFFFFFF50];
	v36 =	vmul.f32 v36, v41;
	v41 =	vmul.f32 v19, v6  }
0x59: {  	v45 =	vmul.f32 v24, v2;
	v33 =	vadd.f32 v33, v8;
	[tilespmem:s22+$0xFFFFFF10] =	vst v38;
	v38 =	vld [tilespmem:s22+$0xFFFFFFE0];
	v35 =	vmul.f32 v35, v40  }
0x5a: {  	v34 =	vadd.f32 v34, v14;
	v40 =	vmul.f32 v23, v9;
	[tilespmem:s22+$0xFFFFFF00] =	vst v39;
	v39 =	vmul.f32 v23, v3;
	v46 =	vld [tilespmem:s22+$0xFFFFFFA0]  }
0x5b: {  	v32 =	vadd.f32 v32, v13;
	v48 =	vmul.f32 v24, v3;
	v49 =	vmul.f32 v24, v6;
	v47 =	vld [tilespmem:s22+$0xFFFFFF20];
	[tilespmem:s22+$0x90] =	vst v37  }
0x5c: {  	v50 =	vmul.f32 v24, v12;
	v45 =	vadd.f32 v45, v8;
	v37 =	vmul.f32 v23, v12;
	[tilespmem:s22+$0xFFFFFF70] =	vst v36;
	v36 =	vld [tilespmem:s22+$0xFFFFFF80]  }
0x5d: {  	v51 =	vmul.f32 v19, v9;
	v48 =	vadd.f32 v48, v7;
	v39 =	vadd.f32 v39, v7;
	[tilespmem:s22+$0x20] =	vst v35;
	v35 =	vld [tilespmem:s22+$0x40]  }
0x5e: {  	v53 =	vmul.f32 v24, v9;
	v37 =	vadd.f32 v37, v14;
	v52 =	vld [tilespmem:s22+$0xFFFFFF90];
	v38 =	vmul.f32 v38, v45  }
0x5f: {  	v50 =	vadd.f32 v50, v14;
	v45 =	vmul.f32 v24, v1;
	v46 =	vmul.f32 v46, v48;
	v48 =	vld [tilespmem:s22+$0xFFFFFFC0]  }
0x60: {  	v37 =	vmul.f32 v42, v37;
	v39 =	vmul.f32 v47, v39;
	v42 =	vld [tilespmem:s22+$0xFFFFFFB0];
	v47 =	vadd.f32 v51, v11  }
0x61: {  	v24 =	vmul.f32 v24, v0;
	v32 =	vmul.f32 v32, v36;
	v36 =	vadd.f32 v45, v5;
	[tilespmem:s22+$0xFFFFFFA0] =	vst v46;
	v45 =	vld [tilespmem:s22+$0xC0]  }
0x62: {  	v34 =	vmul.f32 v44, v34;
	[tilespmem:s22+$0xFFFFFF50] =	vst v37;
	v37 =	vadd.f32 v53, v11;
	v46 =	vld [tilespmem:s22+$0x10];
	v35 =	vmul.f32 v35, v47  }
0x63: {  	v24 =	vadd.f32 v24, v4;
	[tilespmem:s22+$0xFFFFFF20] =	vst v39;
	v36 =	vmul.f32 v36, v52;
	v39 =	vmul.f32 v19, v2;
	v44 =	vld [tilespmem:s22+$0xE0]  }
0x64: {  	v28 =	vadd.f32 v28, v11;
	v31 =	vmul.f32 v31, v50;
	v37 =	vmul.f32 v48, v37;
	[tilespmem:s22+$0x50] =	vst v34;
	v34 =	vld [tilespmem:s22+$0x60]  }
0x65: {  	v47 =	vld [tilespmem:s22+$0xFFFFFF60];
	[tilespmem:s22+$0xFFFFFF80] =	vst v32;
	v42 =	vmul.f32 v42, v24;
	v24 =	vmul.f32 v26, v29;
	v26 =	vadd.f32 v43, v5  }
0x66: {  	v23 =	vmul.f32 v23, v2;
	v29 =	vld [tilespmem:s22+$0xFFFFFF40];
	[tilespmem:s22+$0xFFFFFFD0] =	vst v31;
	v31 =	vadd.f32 v41, v10;
	v28 =	vmul.f32 v45, v28  }
0x67: {  	v25 =	vmul.f32 v25, v27;
	v32 =	vadd.f32 v39, v8;
	[tilespmem:s22+$0xFFFFFFE0] =	vst v38;
	v41 =	vmul.f32 v26, v46;
	v26 =	vld [tilespmem:s22+$0x30]  }
0x68: {  	v27 =	vmul.f32 v16, v3;
	v23 =	vadd.f32 v23, v8;
	v19 =	vmul.f32 v19, v0;
	v38 =	vld [tilespmem:s22+$0xB0];
	[tilespmem:s22+$0xC0] =	vst v28  }
0x69: {  	v16 =	vmul.f32 v16, v0;
	v28 =	vadd.f32 v40, v11;
	[tilespmem:s22+$0xFFFFFFC0] =	vst v37;
	v37 =	vld [tilespmem:s22+$0xFFFFFFF0];
	v34 =	vmul.f32 v34, v32  }
0x6a: {  	v19 =	vadd.f32 v19, v4;
	v32 =	vld [tilespmem:s29+$0x70];
	v39 =	vmul.f32 v47, v23;
	v23 =	vadd.f32 v27, v7;
	[tilespmem:s22+$0xD0] =	vst v25  }
0x6b: {  	v25 =	vld [tilespmem:s29+$0xF0];
	v27 =	vmul.f32 v29, v28;
	[tilespmem:s22+$0x40] =	vst v35;
	v28 =	vadd.f32 v16, v4;
	v29 =	vmul.f32 v44, v33  }
0x6c: {  	v33 =	vadd.f32 v49, v10;
	v16 =	vld.msk [tilespmem:s24+$0x1 ss:$0x0], $0xffff;
	[tilespmem:s22+$0x0] =	vst v24;
	v44 =	vmul.f32 v26, v19;
	v35 =	vmul.f32 v18, v23  }
0x6d: {  	v18 =	vmul.f32 v20, v30;
	v19 =	vld.msk [tilespmem:s24+$0x0 ss:$0x0], $0xffff;
	v45 =	vmul.f32 v38, v28;
	[tilespmem:s22+$0xE0] =	vst v29  }
0x6e: {  	v24 =	vld.msk [tilespmem:s24+$0xFFFFFFFF ss:$0x0], $0xffff;
	[tilespmem:s22+$0xFFFFFF40] =	vst v27;
	v26 =	vmul.f32 v37, v33;
	v27 =	vmul.f32 v17, v31  }
0x6f: {  	v21 =	vmul.f32 v22, v21;
	v23 =	vld.msk [tilespmem:s24+$0xFFFFFFFE ss:$0x0], $0xffff;
	[tilespmem:s22+$0xF0] =	vst v18;
	v17 =	vmov v32  }
0x70: {  	v18 =	vld [tilespmem:s29+$0xA0];
	[tilespmem:s22+$0x70] =	vst v27;
	v20 =	vmov v25  }
0x71: {  	v25 =	vld [tilespmem:s29+$0xD0];
	[tilespmem:s22+$0x80] =	vst v21  }
0x72: {  	v22 =	vmul.f32 v16, v15;
	v27 =	vmul.f32 v16, v1;
	v21 =	vld [tilespmem:s29+$0x80];
	[tilespmem:s22+$0xFFFFFFF0] =	vst v26  }
0x73: {  	v29 =	vmul.f32 v16, v12;
	v26 =	vmul.f32 v19, v15;
	v31 =	vld [tilespmem:s29+$0xFFFFFF00];
	[tilespmem:s22+$0xFFFFFF60] =	vst v39  }
0x74: {  	v32 =	vmul.f32 v24, v15;
	v22 =	vadd.f32 v22, v13;
	v46 =	vadd.f32 v27, v5;
	v37 =	vld [tilespmem:s29+$0xFFFFFF30];
	[tilespmem:s22+$0xFFFFFF90] =	vst v36  }
0x75: {  	v28 =	vmul.f32 v16, v9;
	v33 =	vmul.f32 v23, v0;
	v26 =	vadd.f32 v26, v13;
	v47 =	vld [tilespmem:s29+$0x90];
	[tilespmem:s22+$0xA0] =	vst v35  }
.Ltmp0:
0x76: {  	v30 =	vmul.f32 v16, v6;
	v27 =	vadd.f32 v29, v14;
	v35 =	vmul.f32 v23, v15;
	v38 =	vld [tilespmem:s29+$0xFFFFFF10];
	[tilespmem:s22+$0xFFFFFFB0] =	vst v42;
	(pc) =	sbr.rel @p0 .LBB2_2-.Ltmp0, $4  }
0x77: {  	v29 =	vmul.f32 v23, v1;
	v39 =	vadd.f32 v33, v4;
	v33 =	vmul.f32 v16, v2;
	v36 =	vld [tilespmem:s29+$0xFFFFFF70];
	[tilespmem:s22+$0x60] =	vst v34  }
0x78: {  	v40 =	vmul.f32 v19, v3;
	v49 =	vmul.f32 v23, v6;
	v48 =	vadd.f32 v35, v13;
	v35 =	vld [tilespmem:s29+$0x20];
	[tilespmem:s22+$0x10] =	vst v41  }
0x79: {  	v43 =	vadd.f32 v29, v5;
	v34 =	vmul.f32 v19, v12;
	v42 =	vmul.f32 v37, v39;
	v29 =	vld [tilespmem:s29+$0x0];
	[tilespmem:s22+$0x30] =	vst v44  }
0x7a: {  	v41 =	vadd.f32 v49, v10;
	v39 =	vmul.f32 v48, v31;
	v31 =	vld [tilespmem:s29+$0xFFFFFFD0];
	v37 =	vmul.f32 v46, v47;
	[tilespmem:s22+$0xB0] =	vst v45;
	s22 =	smov.u32 s29  }
0x7b: {  	[tilespmem:s22+$0xFFFFFF30] =	vst v42  }
0x7c: {  	v38 =	vmul.f32 v43, v38;
	[tilespmem:s22+$0xFFFFFF00] =	vst v39  }
0x7d: {  	v25 =	vmul.f32 v25, v27;
	[tilespmem:s22+$0x90] =	vst v37  }
0x7e: {  	v40 =	vadd.f32 v40, v7;
	v55 =	vmul.f32 v24, v12;
	v21 =	vmul.f32 v22, v21;
	[tilespmem:s22+$0xFFFFFF10] =	vst v38  }
0x7f: {  	v49 =	vld [tilespmem:s22+$0xFFFFFFA0];
	v36 =	vmul.f32 v36, v41;
	[tilespmem:s22+$0xD0] =	vst v25  }
0x80: {  	v48 =	vld [tilespmem:s22+$0xFFFFFF50];
	v50 =	vmul.f32 v24, v3;
	v35 =	vmul.f32 v35, v40;
	v41 =	vadd.f32 v55, v14;
	[tilespmem:s22+$0x80] =	vst v21  }
0x81: {  	v45 =	vld [tilespmem:s22+$0xFFFFFF20];
	v46 =	vmul.f32 v23, v12;
	v25 =	vadd.f32 v30, v10;
	[tilespmem:s22+$0xFFFFFF70] =	vst v36;
	v26 =	vmul.f32 v26, v29  }
0x82: {  	v63 =	vld [tilespmem:s22+$0x50];
	v51 =	vmul.f32 v23, v3;
	v39 =	vadd.f32 v50, v7;
	[tilespmem:s22+$0x20] =	vst v35;
	v31 =	vmul.f32 v31, v41  }
0x83: {  	v47 =	vld [tilespmem:s22+$0xFFFFFF80];
	v52 =	vadd.f32 v46, v14;
	v20 =	vmul.f32 v20, v25;
	[tilespmem:s22+$0x0] =	vst v26  }
0x84: {  	v44 =	vld [tilespmem:s22+$0xFFFFFFE0];
	v53 =	vadd.f32 v51, v7;
	v38 =	vmul.f32 v49, v39;
	[tilespmem:s22+$0xFFFFFFD0] =	vst v31  }
0x85: {  	v34 =	vadd.f32 v34, v14;
	v58 =	vmul.f32 v24, v2;
	v59 =	vld [tilespmem:s22+$0xC0];
	v56 =	vmul.f32 v48, v52;
	[tilespmem:s22+$0xF0] =	vst v20  }
0x86: {  	v57 =	vld [tilespmem:s22+$0xFFFFFFB0];
	v32 =	vadd.f32 v32, v13;
	v62 =	vmul.f32 v24, v9;
	v36 =	vmul.f32 v45, v53;
	[tilespmem:s22+$0xFFFFFFA0] =	vst v38  }
0x87: {  	v54 =	vld [tilespmem:s22+$0xFFFFFFC0];
	v22 =	vmul.f32 v24, v0;
	v61 =	vadd.f32 v58, v8;
	v34 =	vmul.f32 v63, v34;
	[tilespmem:s22+$0xFFFFFF50] =	vst v56  }
0x88: {  	v60 =	vld [tilespmem:s22+$0x40];
	v28 =	vadd.f32 v28, v11;
	v27 =	vadd.f32 v33, v8;
	v32 =	vmul.f32 v32, v47;
	[tilespmem:s22+$0xFFFFFF20] =	vst v36  }
0x89: {  	v46 =	vmul.f32 v19, v9;
	v22 =	vadd.f32 v22, v4;
	v35 =	vmul.f32 v44, v61;
	[tilespmem:s22+$0x50] =	vst v34  }
0x8a: {  	v40 =	vld [tilespmem:s22+$0xFFFFFF90];
	v47 =	vadd.f32 v62, v11;
	v28 =	vmul.f32 v59, v28;
	v53 =	vmul.f32 v19, v6;
	[tilespmem:s22+$0xFFFFFF80] =	vst v32  }
0x8b: {  	v25 =	vmul.f32 v24, v1;
	v48 =	vld [tilespmem:s22+$0xE0];
	v22 =	vmul.f32 v57, v22;
	v31 =	vadd.f32 v46, v11;
	[tilespmem:s22+$0xFFFFFFE0] =	vst v35  }
0x8c: {  	v55 =	vld [tilespmem:s22+$0xFFFFFF60];
	v52 =	vmul.f32 v23, v9;
	v50 =	vmul.f32 v54, v47;
	[tilespmem:s22+$0xC0] =	vst v28;
	v33 =	vadd.f32 v53, v10  }
0x8d: {  	v49 =	vld [tilespmem:s22+$0xFFFFFF40];
	v23 =	vmul.f32 v23, v2;
	v20 =	vadd.f32 v25, v5;
	[tilespmem:s22+$0xFFFFFFB0] =	vst v22;
	v28 =	vmul.f32 v60, v31  }
0x8e: {  	v30 =	vld [tilespmem:s22+$0xFFFFFFF0];
	v21 =	vmul.f32 v19, v1;
	[tilespmem:s22+$0xFFFFFFC0] =	vst v50;
	v17 =	vmul.f32 v17, v33  }
0x8f: {  	v23 =	vadd.f32 v23, v8;
	v31 =	vld [tilespmem:s22+$0x60];
	v20 =	vmul.f32 v20, v40;
	[tilespmem:s22+$0x40] =	vst v28;
	v28 =	vmul.f32 v24, v6  }
0x90: {  	v29 =	vld [tilespmem:s22+$0x30];
	v54 =	vadd.f32 v52, v11;
	v27 =	vmul.f32 v48, v27;
	[tilespmem:s22+$0x70] =	vst v17;
	v17 =	vmul.f32 v19, v2  }
0x91: {  	v23 =	vmul.f32 v55, v23;
	[tilespmem:s22+$0xFFFFFF90] =	vst v20;
	v19 =	vmul.f32 v19, v0;
	v26 =	vadd.f32 v28, v10  }
0x92: {  	v51 =	vld [tilespmem:s22+$0xB0];
	v32 =	vmul.f32 v49, v54;
	[tilespmem:s22+$0xE0] =	vst v27;
	v27 =	vmul.f32 v16, v3;
	v17 =	vadd.f32 v17, v8  }
0x93: {  	v63 =	vld [tilespmem:s22+$0x10];
	[tilespmem:s22+$0xFFFFFF60] =	vst v23;
	v16 =	vmul.f32 v16, v0;
	v19 =	vadd.f32 v19, v4;
	v24 =	vmul.f32 v30, v26  }
0x94: {  	[tilespmem:s22+$0xFFFFFF40] =	vst v32;
	v25 =	vadd.f32 v27, v7;
	v17 =	vmul.f32 v31, v17  }
0x95: {  	v16 =	vadd.f32 v16, v4;
	v19 =	vmul.f32 v29, v19;
	[tilespmem:s22+$0xFFFFFFF0] =	vst v24  }
0x96: {  	v21 =	vadd.f32 v21, v5;
	v18 =	vmul.f32 v18, v25;
	[tilespmem:s22+$0x60] =	vst v17  }
0x97: {  	v16 =	vmul.f32 v51, v16;
	[tilespmem:s22+$0x30] =	vst v19  }
0x98: {  	[tilespmem:s22+$0xA0] =	vst v18;
	v18 =	vmul.f32 v21, v63  }
0x99: {  	[tilespmem:s22+$0xB0] =	vst v16  }
0x9a: {  	s26 =	simm.s32 $0x580;
	[tilespmem:s22+$0x10] =	vst v18  }
0x9b: {  	[hbm4b:s6+s5] =	stream.linear.scatter [tilespmem:s26], [sflag:$0x9], $0x2000, $0x38;
	[tilespmem:$0x10580] =	vst v63  }
0x9c: {  	_ =	swait.ge [sflag:s25], $0x2000  }
0x9d: {  	[sflag:s25] =	ssyncset.done $0x0  }
0x9e: {  	s22 =	simm.s32 $0x2680;
	[sflag:s25] =	ssyncadd.s32 $0xFFFFE000  }
0x9f: {  	s24 =	simm.s32 $0x243;
	v17 =	vld [tilespmem:s22+$0x70]  }
0xa0: {  	v16 =	vld.msk [tilespmem:s24+$0x0 ss:$0x0], $0xffff  }
0xa1: {  	v19 =	vld.msk [tilespmem:s24+$0xFFFFFFFF ss:$0x0], $0xffff  }
0xa2: {  	v24 =	vld.msk [tilespmem:s24+$0xFFFFFFFE ss:$0x0], $0xffff  }
0xa3: {  	v23 =	vld.msk [tilespmem:s24+$0xFFFFFFFD ss:$0x0], $0xffff  }
0xa4: {  	v21 =	vld [tilespmem:s22+$0xF0]  }
0xa5: {  	v18 =	vld [tilespmem:s22+$0xA0]  }
0xa6: {  	v25 =	vld [tilespmem:s22+$0xD0];
	v22 =	vmul.f32 v16, v15;
	v26 =	vmul.f32 v16, v1  }
0xa7: {  	v20 =	vld [tilespmem:s22+$0x80];
	v27 =	vmul.f32 v19, v15;
	v29 =	vmul.f32 v16, v12  }
0xa8: {  	v31 =	vld [tilespmem:s22+$0xFFFFFF00];
	v32 =	vmul.f32 v24, v15;
	v58 =	vmul.f32 v23, v0  }
0xa9: {  	v56 =	vld [tilespmem:s22+$0xFFFFFF30];
	v28 =	vmul.f32 v16, v9;
	v60 =	vmul.f32 v23, v15  }
0xaa: {  	v59 =	vld [tilespmem:s22+$0x90];
	v30 =	vmul.f32 v16, v6;
	v33 =	vmul.f32 v16, v2  }
0xab: {  	v38 =	vld [tilespmem:s22+$0xFFFFFF10];
	v63 =	vmul.f32 v23, v6;
	v57 =	vadd.f32 v26, v5;
	v26 =	vadd.f32 v27, v13  }
0xac: {  	v36 =	vld [tilespmem:s22+$0xFFFFFF70];
	v27 =	vadd.f32 v29, v14;
	v29 =	vmul.f32 v23, v1;
	v61 =	vadd.f32 v58, v4  }
0xad: {  	v35 =	vld [tilespmem:s22+$0x20];
	v40 =	vmul.f32 v19, v3;
	v34 =	vmul.f32 v19, v12;
	v62 =	vadd.f32 v60, v13  }
0xae: {  	v22 =	vadd.f32 v22, v13;
	v43 =	vadd.f32 v29, v5;
	v42 =	vmul.f32 v56, v61;
	v29 =	vld [tilespmem:s22+$0x0]  }
0xaf: {  	s29 =	simm.s32 $0x2680;
	s26 =	simm.s32 $0x0;
	v41 =	vadd.f32 v63, v10;
	v39 =	vmul.f32 v62, v31;
	v31 =	vld [tilespmem:s22+$0xFFFFFFD0];
	v37 =	vmul.f32 v57, v59  }
.LBB2_4:
0xb0: {  	s26 =	sadd.s32 $0x4, s26;
	v38 =	vmul.f32 v43, v38;
	v43 =	vmul.f32 v19, v1;
	v40 =	vadd.f32 v40, v7;
	v44 =	vld [tilespmem:s22+$0x50];
	s29 =	sadd.s32 $0x200, s29;
	s24 =	sadd.s32 $0x4, s24  }
0xb1: {  	v30 =	vadd.f32 v30, v10;
	p0 =	slt.u32 s26, $0x3C;
	[tilespmem:s22+$0xFFFFFF30] =	vst v42;
	v42 =	vld [tilespmem:s22+$0xFFFFFF50];
	v36 =	vmul.f32 v36, v41;
	v41 =	vmul.f32 v19, v6  }
0xb2: {  	v45 =	vmul.f32 v24, v2;
	v33 =	vadd.f32 v33, v8;
	[tilespmem:s22+$0xFFFFFF10] =	vst v38;
	v38 =	vld [tilespmem:s22+$0xFFFFFFE0];
	v35 =	vmul.f32 v35, v40  }
0xb3: {  	v34 =	vadd.f32 v34, v14;
	v40 =	vmul.f32 v23, v9;
	[tilespmem:s22+$0xFFFFFF00] =	vst v39;
	v39 =	vmul.f32 v23, v3;
	v46 =	vld [tilespmem:s22+$0xFFFFFFA0]  }
0xb4: {  	v32 =	vadd.f32 v32, v13;
	v48 =	vmul.f32 v24, v3;
	v49 =	vmul.f32 v24, v6;
	v47 =	vld [tilespmem:s22+$0xFFFFFF20];
	[tilespmem:s22+$0x90] =	vst v37  }
0xb5: {  	v50 =	vmul.f32 v24, v12;
	v45 =	vadd.f32 v45, v8;
	v37 =	vmul.f32 v23, v12;
	[tilespmem:s22+$0xFFFFFF70] =	vst v36;
	v36 =	vld [tilespmem:s22+$0xFFFFFF80]  }
0xb6: {  	v51 =	vmul.f32 v19, v9;
	v48 =	vadd.f32 v48, v7;
	v39 =	vadd.f32 v39, v7;
	[tilespmem:s22+$0x20] =	vst v35;
	v35 =	vld [tilespmem:s22+$0x40]  }
0xb7: {  	v53 =	vmul.f32 v24, v9;
	v37 =	vadd.f32 v37, v14;
	v52 =	vld [tilespmem:s22+$0xFFFFFF90];
	v38 =	vmul.f32 v38, v45  }
0xb8: {  	v50 =	vadd.f32 v50, v14;
	v45 =	vmul.f32 v24, v1;
	v46 =	vmul.f32 v46, v48;
	v48 =	vld [tilespmem:s22+$0xFFFFFFC0]  }
0xb9: {  	v37 =	vmul.f32 v42, v37;
	v39 =	vmul.f32 v47, v39;
	v42 =	vld [tilespmem:s22+$0xFFFFFFB0];
	v47 =	vadd.f32 v51, v11  }
0xba: {  	v24 =	vmul.f32 v24, v0;
	v32 =	vmul.f32 v32, v36;
	v36 =	vadd.f32 v45, v5;
	[tilespmem:s22+$0xFFFFFFA0] =	vst v46;
	v45 =	vld [tilespmem:s22+$0xC0]  }
0xbb: {  	v34 =	vmul.f32 v44, v34;
	[tilespmem:s22+$0xFFFFFF50] =	vst v37;
	v37 =	vadd.f32 v53, v11;
	v46 =	vld [tilespmem:s22+$0x10];
	v35 =	vmul.f32 v35, v47  }
0xbc: {  	v24 =	vadd.f32 v24, v4;
	[tilespmem:s22+$0xFFFFFF20] =	vst v39;
	v36 =	vmul.f32 v36, v52;
	v39 =	vmul.f32 v19, v2;
	v44 =	vld [tilespmem:s22+$0xE0]  }
0xbd: {  	v28 =	vadd.f32 v28, v11;
	v31 =	vmul.f32 v31, v50;
	v37 =	vmul.f32 v48, v37;
	[tilespmem:s22+$0x50] =	vst v34;
	v34 =	vld [tilespmem:s22+$0x60]  }
0xbe: {  	v47 =	vld [tilespmem:s22+$0xFFFFFF60];
	[tilespmem:s22+$0xFFFFFF80] =	vst v32;
	v42 =	vmul.f32 v42, v24;
	v24 =	vmul.f32 v26, v29;
	v26 =	vadd.f32 v43, v5  }
0xbf: {  	v23 =	vmul.f32 v23, v2;
	v29 =	vld [tilespmem:s22+$0xFFFFFF40];
	[tilespmem:s22+$0xFFFFFFD0] =	vst v31;
	v31 =	vadd.f32 v41, v10;
	v28 =	vmul.f32 v45, v28  }
0xc0: {  	v25 =	vmul.f32 v25, v27;
	v32 =	vadd.f32 v39, v8;
	[tilespmem:s22+$0xFFFFFFE0] =	vst v38;
	v41 =	vmul.f32 v26, v46;
	v26 =	vld [tilespmem:s22+$0x30]  }
0xc1: {  	v27 =	vmul.f32 v16, v3;
	v23 =	vadd.f32 v23, v8;
	v19 =	vmul.f32 v19, v0;
	v38 =	vld [tilespmem:s22+$0xB0];
	[tilespmem:s22+$0xC0] =	vst v28  }
0xc2: {  	v16 =	vmul.f32 v16, v0;
	v28 =	vadd.f32 v40, v11;
	[tilespmem:s22+$0xFFFFFFC0] =	vst v37;
	v37 =	vld [tilespmem:s22+$0xFFFFFFF0];
	v34 =	vmul.f32 v34, v32  }
0xc3: {  	v19 =	vadd.f32 v19, v4;
	v32 =	vld [tilespmem:s29+$0x70];
	v39 =	vmul.f32 v47, v23;
	v23 =	vadd.f32 v27, v7;
	[tilespmem:s22+$0xD0] =	vst v25  }
0xc4: {  	v25 =	vld [tilespmem:s29+$0xF0];
	v27 =	vmul.f32 v29, v28;
	[tilespmem:s22+$0x40] =	vst v35;
	v28 =	vadd.f32 v16, v4;
	v29 =	vmul.f32 v44, v33  }
0xc5: {  	v33 =	vadd.f32 v49, v10;
	v16 =	vld.msk [tilespmem:s24+$0x0 ss:$0x0], $0xffff;
	[tilespmem:s22+$0x0] =	vst v24;
	v44 =	vmul.f32 v26, v19;
	v35 =	vmul.f32 v18, v23  }
0xc6: {  	v18 =	vmul.f32 v21, v30;
	v19 =	vld.msk [tilespmem:s24+$0xFFFFFFFF ss:$0x0], $0xffff;
	v45 =	vmul.f32 v38, v28;
	[tilespmem:s22+$0xE0] =	vst v29  }
0xc7: {  	v24 =	vld.msk [tilespmem:s24+$0xFFFFFFFE ss:$0x0], $0xffff;
	[tilespmem:s22+$0xFFFFFF40] =	vst v27;
	v26 =	vmul.f32 v37, v33;
	v27 =	vmul.f32 v17, v31  }
0xc8: {  	v20 =	vmul.f32 v22, v20;
	v23 =	vld.msk [tilespmem:s24+$0xFFFFFFFD ss:$0x0], $0xffff;
	[tilespmem:s22+$0xF0] =	vst v18;
	v17 =	vmov v32  }
0xc9: {  	v18 =	vld [tilespmem:s29+$0xA0];
	[tilespmem:s22+$0x70] =	vst v27;
	v21 =	vmov v25  }
0xca: {  	v25 =	vld [tilespmem:s29+$0xD0];
	[tilespmem:s22+$0x80] =	vst v20  }
0xcb: {  	v22 =	vmul.f32 v16, v15;
	v27 =	vmul.f32 v16, v1;
	v20 =	vld [tilespmem:s29+$0x80];
	[tilespmem:s22+$0xFFFFFFF0] =	vst v26  }
0xcc: {  	v29 =	vmul.f32 v16, v12;
	v26 =	vmul.f32 v19, v15;
	v31 =	vld [tilespmem:s29+$0xFFFFFF00];
	[tilespmem:s22+$0xFFFFFF60] =	vst v39  }
0xcd: {  	v32 =	vmul.f32 v24, v15;
	v22 =	vadd.f32 v22, v13;
	v46 =	vadd.f32 v27, v5;
	v37 =	vld [tilespmem:s29+$0xFFFFFF30];
	[tilespmem:s22+$0xFFFFFF90] =	vst v36  }
0xce: {  	v28 =	vmul.f32 v16, v9;
	v33 =	vmul.f32 v23, v0;
	v26 =	vadd.f32 v26, v13;
	v47 =	vld [tilespmem:s29+$0x90];
	[tilespmem:s22+$0xA0] =	vst v35  }
.Ltmp1:
0xcf: {  	v30 =	vmul.f32 v16, v6;
	v27 =	vadd.f32 v29, v14;
	v35 =	vmul.f32 v23, v15;
	v38 =	vld [tilespmem:s29+$0xFFFFFF10];
	[tilespmem:s22+$0xFFFFFFB0] =	vst v42;
	(pc) =	sbr.rel @p0 .LBB2_4-.Ltmp1, $4  }
0xd0: {  	v29 =	vmul.f32 v23, v1;
	v39 =	vadd.f32 v33, v4;
	v33 =	vmul.f32 v16, v2;
	v36 =	vld [tilespmem:s29+$0xFFFFFF70];
	[tilespmem:s22+$0x60] =	vst v34  }
0xd1: {  	v40 =	vmul.f32 v19, v3;
	v49 =	vmul.f32 v23, v6;
	v48 =	vadd.f32 v35, v13;
	v35 =	vld [tilespmem:s29+$0x20];
	[tilespmem:s22+$0x10] =	vst v41  }
0xd2: {  	v43 =	vadd.f32 v29, v5;
	v34 =	vmul.f32 v19, v12;
	v42 =	vmul.f32 v37, v39;
	v29 =	vld [tilespmem:s29+$0x0];
	[tilespmem:s22+$0x30] =	vst v44  }
0xd3: {  	v41 =	vadd.f32 v49, v10;
	v39 =	vmul.f32 v48, v31;
	v31 =	vld [tilespmem:s29+$0xFFFFFFD0];
	v37 =	vmul.f32 v46, v47;
	[tilespmem:s22+$0xB0] =	vst v45;
	s22 =	smov.u32 s29  }
0xd4: {  	[tilespmem:s22+$0xFFFFFF30] =	vst v42  }
0xd5: {  	v38 =	vmul.f32 v43, v38;
	[tilespmem:s22+$0xFFFFFF00] =	vst v39  }
0xd6: {  	v25 =	vmul.f32 v25, v27;
	[tilespmem:s22+$0x90] =	vst v37  }
0xd7: {  	v40 =	vadd.f32 v40, v7;
	v55 =	vmul.f32 v24, v12;
	v20 =	vmul.f32 v22, v20;
	[tilespmem:s22+$0xFFFFFF10] =	vst v38  }
0xd8: {  	v49 =	vld [tilespmem:s22+$0xFFFFFFA0];
	v36 =	vmul.f32 v36, v41;
	[tilespmem:s22+$0xD0] =	vst v25  }
0xd9: {  	v48 =	vld [tilespmem:s22+$0xFFFFFF50];
	v50 =	vmul.f32 v24, v3;
	v35 =	vmul.f32 v35, v40;
	v41 =	vadd.f32 v55, v14;
	[tilespmem:s22+$0x80] =	vst v20  }
0xda: {  	v45 =	vld [tilespmem:s22+$0xFFFFFF20];
	v46 =	vmul.f32 v23, v12;
	v25 =	vadd.f32 v30, v10;
	[tilespmem:s22+$0xFFFFFF70] =	vst v36;
	v26 =	vmul.f32 v26, v29  }
0xdb: {  	v63 =	vld [tilespmem:s22+$0x50];
	v51 =	vmul.f32 v23, v3;
	v39 =	vadd.f32 v50, v7;
	[tilespmem:s22+$0x20] =	vst v35;
	v31 =	vmul.f32 v31, v41  }
0xdc: {  	v47 =	vld [tilespmem:s22+$0xFFFFFF80];
	v52 =	vadd.f32 v46, v14;
	v21 =	vmul.f32 v21, v25;
	[tilespmem:s22+$0x0] =	vst v26  }
0xdd: {  	v44 =	vld [tilespmem:s22+$0xFFFFFFE0];
	v53 =	vadd.f32 v51, v7;
	v38 =	vmul.f32 v49, v39;
	[tilespmem:s22+$0xFFFFFFD0] =	vst v31  }
0xde: {  	v34 =	vadd.f32 v34, v14;
	v58 =	vmul.f32 v24, v2;
	v59 =	vld [tilespmem:s22+$0xC0];
	v56 =	vmul.f32 v48, v52;
	[tilespmem:s22+$0xF0] =	vst v21  }
0xdf: {  	v57 =	vld [tilespmem:s22+$0xFFFFFFB0];
	v32 =	vadd.f32 v32, v13;
	v62 =	vmul.f32 v24, v9;
	v36 =	vmul.f32 v45, v53;
	[tilespmem:s22+$0xFFFFFFA0] =	vst v38  }
0xe0: {  	v54 =	vld [tilespmem:s22+$0xFFFFFFC0];
	v22 =	vmul.f32 v24, v0;
	v61 =	vadd.f32 v58, v8;
	v34 =	vmul.f32 v63, v34;
	[tilespmem:s22+$0xFFFFFF50] =	vst v56  }
0xe1: {  	v60 =	vld [tilespmem:s22+$0x40];
	v28 =	vadd.f32 v28, v11;
	v27 =	vadd.f32 v33, v8;
	v32 =	vmul.f32 v32, v47;
	[tilespmem:s22+$0xFFFFFF20] =	vst v36  }
0xe2: {  	v46 =	vmul.f32 v19, v9;
	v22 =	vadd.f32 v22, v4;
	v35 =	vmul.f32 v44, v61;
	[tilespmem:s22+$0x50] =	vst v34  }
0xe3: {  	v40 =	vld [tilespmem:s22+$0xFFFFFF90];
	v47 =	vadd.f32 v62, v11;
	v28 =	vmul.f32 v59, v28;
	v53 =	vmul.f32 v19, v6;
	[tilespmem:s22+$0xFFFFFF80] =	vst v32  }
0xe4: {  	v25 =	vmul.f32 v24, v1;
	v48 =	vld [tilespmem:s22+$0xE0];
	v22 =	vmul.f32 v57, v22;
	v31 =	vadd.f32 v46, v11;
	[tilespmem:s22+$0xFFFFFFE0] =	vst v35  }
0xe5: {  	v55 =	vld [tilespmem:s22+$0xFFFFFF60];
	v52 =	vmul.f32 v23, v9;
	v50 =	vmul.f32 v54, v47;
	[tilespmem:s22+$0xC0] =	vst v28;
	v33 =	vadd.f32 v53, v10  }
0xe6: {  	v49 =	vld [tilespmem:s22+$0xFFFFFF40];
	v23 =	vmul.f32 v23, v2;
	v21 =	vadd.f32 v25, v5;
	[tilespmem:s22+$0xFFFFFFB0] =	vst v22;
	v28 =	vmul.f32 v60, v31  }
0xe7: {  	v30 =	vld [tilespmem:s22+$0xFFFFFFF0];
	v20 =	vmul.f32 v19, v1;
	[tilespmem:s22+$0xFFFFFFC0] =	vst v50;
	v17 =	vmul.f32 v17, v33  }
0xe8: {  	v23 =	vadd.f32 v23, v8;
	v31 =	vld [tilespmem:s22+$0x60];
	v21 =	vmul.f32 v21, v40;
	[tilespmem:s22+$0x40] =	vst v28;
	v28 =	vmul.f32 v24, v6  }
0xe9: {  	v29 =	vld [tilespmem:s22+$0x30];
	v54 =	vadd.f32 v52, v11;
	v27 =	vmul.f32 v48, v27;
	[tilespmem:s22+$0x70] =	vst v17;
	v17 =	vmul.f32 v19, v2  }
0xea: {  	v23 =	vmul.f32 v55, v23;
	[tilespmem:s22+$0xFFFFFF90] =	vst v21;
	v19 =	vmul.f32 v19, v0;
	v26 =	vadd.f32 v28, v10  }
0xeb: {  	v51 =	vld [tilespmem:s22+$0xB0];
	v32 =	vmul.f32 v49, v54;
	[tilespmem:s22+$0xE0] =	vst v27;
	v27 =	vmul.f32 v16, v3;
	v17 =	vadd.f32 v17, v8  }
0xec: {  	v63 =	vld [tilespmem:s22+$0x10];
	[tilespmem:s22+$0xFFFFFF60] =	vst v23;
	v16 =	vmul.f32 v16, v0;
	v19 =	vadd.f32 v19, v4;
	v24 =	vmul.f32 v30, v26  }
0xed: {  	[tilespmem:s22+$0xFFFFFF40] =	vst v32;
	v25 =	vadd.f32 v27, v7;
	v17 =	vmul.f32 v31, v17  }
0xee: {  	v16 =	vadd.f32 v16, v4;
	v19 =	vmul.f32 v29, v19;
	[tilespmem:s22+$0xFFFFFFF0] =	vst v24  }
0xef: {  	v20 =	vadd.f32 v20, v5;
	v18 =	vmul.f32 v18, v25;
	[tilespmem:s22+$0x60] =	vst v17  }
0xf0: {  	v16 =	vmul.f32 v51, v16;
	[tilespmem:s22+$0x30] =	vst v19  }
0xf1: {  	[tilespmem:s22+$0xA0] =	vst v18;
	v18 =	vmul.f32 v20, v63  }
0xf2: {  	[tilespmem:s22+$0xB0] =	vst v16  }
0xf3: {  	s26 =	simm.s32 $0x2580;
	[tilespmem:s22+$0x10] =	vst v18  }
0xf4: {  	[hbm4b:s9+s5] =	stream.linear.scatter [tilespmem:s26], [sflag:$0x9], $0x2000, $0x38;
	[tilespmem:$0x10580] =	vst v63  }
0xf5: {  	_ =	swait.ge [sflag:s28], $0x2000  }
0xf6: {  	[sflag:s28] =	ssyncset.done $0x0  }
0xf7: {  	s22 =	simm.s32 $0x4680;
	[sflag:s28] =	ssyncadd.s32 $0xFFFFE000  }
0xf8: {  	s24 =	simm.s32 $0x283;
	v17 =	vld [tilespmem:s22+$0x70]  }
0xf9: {  	v16 =	vld.msk [tilespmem:s24+$0x0 ss:$0x0], $0xffff  }
0xfa: {  	v19 =	vld.msk [tilespmem:s24+$0xFFFFFFFF ss:$0x0], $0xffff  }
0xfb: {  	v24 =	vld.msk [tilespmem:s24+$0xFFFFFFFE ss:$0x0], $0xffff  }
0xfc: {  	v23 =	vld.msk [tilespmem:s24+$0xFFFFFFFD ss:$0x0], $0xffff  }
0xfd: {  	v21 =	vld [tilespmem:s22+$0xF0]  }
0xfe: {  	v18 =	vld [tilespmem:s22+$0xA0]  }
0xff: {  	v25 =	vld [tilespmem:s22+$0xD0];
	v22 =	vmul.f32 v16, v15;
	v26 =	vmul.f32 v16, v1  }
0x100: {  	v20 =	vld [tilespmem:s22+$0x80];
	v27 =	vmul.f32 v19, v15;
	v29 =	vmul.f32 v16, v12  }
0x101: {  	v31 =	vld [tilespmem:s22+$0xFFFFFF00];
	v32 =	vmul.f32 v24, v15;
	v58 =	vmul.f32 v23, v0  }
0x102: {  	v56 =	vld [tilespmem:s22+$0xFFFFFF30];
	v28 =	vmul.f32 v16, v9;
	v60 =	vmul.f32 v23, v15  }
0x103: {  	v59 =	vld [tilespmem:s22+$0x90];
	v30 =	vmul.f32 v16, v6;
	v33 =	vmul.f32 v16, v2  }
0x104: {  	v38 =	vld [tilespmem:s22+$0xFFFFFF10];
	v63 =	vmul.f32 v23, v6;
	v57 =	vadd.f32 v26, v5;
	v26 =	vadd.f32 v27, v13  }
0x105: {  	v36 =	vld [tilespmem:s22+$0xFFFFFF70];
	v27 =	vadd.f32 v29, v14;
	v29 =	vmul.f32 v23, v1;
	v61 =	vadd.f32 v58, v4  }
0x106: {  	v35 =	vld [tilespmem:s22+$0x20];
	v40 =	vmul.f32 v19, v3;
	v34 =	vmul.f32 v19, v12;
	v62 =	vadd.f32 v60, v13  }
0x107: {  	v22 =	vadd.f32 v22, v13;
	v43 =	vadd.f32 v29, v5;
	v42 =	vmul.f32 v56, v61;
	v29 =	vld [tilespmem:s22+$0x0]  }
0x108: {  	s29 =	simm.s32 $0x4680;
	s26 =	simm.s32 $0x0;
	v41 =	vadd.f32 v63, v10;
	v39 =	vmul.f32 v62, v31;
	v31 =	vld [tilespmem:s22+$0xFFFFFFD0];
	v37 =	vmul.f32 v57, v59  }
.LBB2_6:
0x109: {  	s26 =	sadd.s32 $0x4, s26;
	v38 =	vmul.f32 v43, v38;
	v43 =	vmul.f32 v19, v1;
	v40 =	vadd.f32 v40, v7;
	v44 =	vld [tilespmem:s22+$0x50];
	s29 =	sadd.s32 $0x200, s29;
	s24 =	sadd.s32 $0x4, s24  }
0x10a: {  	v30 =	vadd.f32 v30, v10;
	p0 =	slt.u32 s26, $0x3C;
	[tilespmem:s22+$0xFFFFFF30] =	vst v42;
	v42 =	vld [tilespmem:s22+$0xFFFFFF50];
	v36 =	vmul.f32 v36, v41;
	v41 =	vmul.f32 v19, v6  }
0x10b: {  	v45 =	vmul.f32 v24, v2;
	v33 =	vadd.f32 v33, v8;
	[tilespmem:s22+$0xFFFFFF10] =	vst v38;
	v38 =	vld [tilespmem:s22+$0xFFFFFFE0];
	v35 =	vmul.f32 v35, v40  }
0x10c: {  	v34 =	vadd.f32 v34, v14;
	v40 =	vmul.f32 v23, v9;
	[tilespmem:s22+$0xFFFFFF00] =	vst v39;
	v39 =	vmul.f32 v23, v3;
	v46 =	vld [tilespmem:s22+$0xFFFFFFA0]  }
0x10d: {  	v32 =	vadd.f32 v32, v13;
	v48 =	vmul.f32 v24, v3;
	v49 =	vmul.f32 v24, v6;
	v47 =	vld [tilespmem:s22+$0xFFFFFF20];
	[tilespmem:s22+$0x90] =	vst v37  }
0x10e: {  	v50 =	vmul.f32 v24, v12;
	v45 =	vadd.f32 v45, v8;
	v37 =	vmul.f32 v23, v12;
	[tilespmem:s22+$0xFFFFFF70] =	vst v36;
	v36 =	vld [tilespmem:s22+$0xFFFFFF80]  }
0x10f: {  	v51 =	vmul.f32 v19, v9;
	v48 =	vadd.f32 v48, v7;
	v39 =	vadd.f32 v39, v7;
	[tilespmem:s22+$0x20] =	vst v35;
	v35 =	vld [tilespmem:s22+$0x40]  }
0x110: {  	v53 =	vmul.f32 v24, v9;
	v37 =	vadd.f32 v37, v14;
	v52 =	vld [tilespmem:s22+$0xFFFFFF90];
	v38 =	vmul.f32 v38, v45  }
0x111: {  	v50 =	vadd.f32 v50, v14;
	v45 =	vmul.f32 v24, v1;
	v46 =	vmul.f32 v46, v48;
	v48 =	vld [tilespmem:s22+$0xFFFFFFC0]  }
0x112: {  	v37 =	vmul.f32 v42, v37;
	v39 =	vmul.f32 v47, v39;
	v42 =	vld [tilespmem:s22+$0xFFFFFFB0];
	v47 =	vadd.f32 v51, v11  }
0x113: {  	v24 =	vmul.f32 v24, v0;
	v32 =	vmul.f32 v32, v36;
	v36 =	vadd.f32 v45, v5;
	[tilespmem:s22+$0xFFFFFFA0] =	vst v46;
	v45 =	vld [tilespmem:s22+$0xC0]  }
0x114: {  	v34 =	vmul.f32 v44, v34;
	[tilespmem:s22+$0xFFFFFF50] =	vst v37;
	v37 =	vadd.f32 v53, v11;
	v46 =	vld [tilespmem:s22+$0x10];
	v35 =	vmul.f32 v35, v47  }
0x115: {  	v24 =	vadd.f32 v24, v4;
	[tilespmem:s22+$0xFFFFFF20] =	vst v39;
	v36 =	vmul.f32 v36, v52;
	v39 =	vmul.f32 v19, v2;
	v44 =	vld [tilespmem:s22+$0xE0]  }
0x116: {  	v28 =	vadd.f32 v28, v11;
	v31 =	vmul.f32 v31, v50;
	v37 =	vmul.f32 v48, v37;
	[tilespmem:s22+$0x50] =	vst v34;
	v34 =	vld [tilespmem:s22+$0x60]  }
0x117: {  	v47 =	vld [tilespmem:s22+$0xFFFFFF60];
	[tilespmem:s22+$0xFFFFFF80] =	vst v32;
	v42 =	vmul.f32 v42, v24;
	v24 =	vmul.f32 v26, v29;
	v26 =	vadd.f32 v43, v5  }
0x118: {  	v23 =	vmul.f32 v23, v2;
	v29 =	vld [tilespmem:s22+$0xFFFFFF40];
	[tilespmem:s22+$0xFFFFFFD0] =	vst v31;
	v31 =	vadd.f32 v41, v10;
	v28 =	vmul.f32 v45, v28  }
0x119: {  	v25 =	vmul.f32 v25, v27;
	v32 =	vadd.f32 v39, v8;
	[tilespmem:s22+$0xFFFFFFE0] =	vst v38;
	v41 =	vmul.f32 v26, v46;
	v26 =	vld [tilespmem:s22+$0x30]  }
0x11a: {  	v27 =	vmul.f32 v16, v3;
	v23 =	vadd.f32 v23, v8;
	v19 =	vmul.f32 v19, v0;
	v38 =	vld [tilespmem:s22+$0xB0];
	[tilespmem:s22+$0xC0] =	vst v28  }
0x11b: {  	v16 =	vmul.f32 v16, v0;
	v28 =	vadd.f32 v40, v11;
	[tilespmem:s22+$0xFFFFFFC0] =	vst v37;
	v37 =	vld [tilespmem:s22+$0xFFFFFFF0];
	v34 =	vmul.f32 v34, v32  }
0x11c: {  	v19 =	vadd.f32 v19, v4;
	v32 =	vld [tilespmem:s29+$0x70];
	v39 =	vmul.f32 v47, v23;
	v23 =	vadd.f32 v27, v7;
	[tilespmem:s22+$0xD0] =	vst v25  }
0x11d: {  	v25 =	vld [tilespmem:s29+$0xF0];
	v27 =	vmul.f32 v29, v28;
	[tilespmem:s22+$0x40] =	vst v35;
	v28 =	vadd.f32 v16, v4;
	v29 =	vmul.f32 v44, v33  }
0x11e: {  	v33 =	vadd.f32 v49, v10;
	v16 =	vld.msk [tilespmem:s24+$0x0 ss:$0x0], $0xffff;
	[tilespmem:s22+$0x0] =	vst v24;
	v44 =	vmul.f32 v26, v19;
	v35 =	vmul.f32 v18, v23  }
0x11f: {  	v18 =	vmul.f32 v21, v30;
	v19 =	vld.msk [tilespmem:s24+$0xFFFFFFFF ss:$0x0], $0xffff;
	v45 =	vmul.f32 v38, v28;
	[tilespmem:s22+$0xE0] =	vst v29  }
0x120: {  	v24 =	vld.msk [tilespmem:s24+$0xFFFFFFFE ss:$0x0], $0xffff;
	[tilespmem:s22+$0xFFFFFF40] =	vst v27;
	v26 =	vmul.f32 v37, v33;
	v27 =	vmul.f32 v17, v31  }
0x121: {  	v20 =	vmul.f32 v22, v20;
	v23 =	vld.msk [tilespmem:s24+$0xFFFFFFFD ss:$0x0], $0xffff;
	[tilespmem:s22+$0xF0] =	vst v18;
	v17 =	vmov v32  }
0x122: {  	v18 =	vld [tilespmem:s29+$0xA0];
	[tilespmem:s22+$0x70] =	vst v27;
	v21 =	vmov v25  }
0x123: {  	v25 =	vld [tilespmem:s29+$0xD0];
	[tilespmem:s22+$0x80] =	vst v20  }
0x124: {  	v22 =	vmul.f32 v16, v15;
	v27 =	vmul.f32 v16, v1;
	v20 =	vld [tilespmem:s29+$0x80];
	[tilespmem:s22+$0xFFFFFFF0] =	vst v26  }
0x125: {  	v29 =	vmul.f32 v16, v12;
	v26 =	vmul.f32 v19, v15;
	v31 =	vld [tilespmem:s29+$0xFFFFFF00];
	[tilespmem:s22+$0xFFFFFF60] =	vst v39  }
0x126: {  	v32 =	vmul.f32 v24, v15;
	v22 =	vadd.f32 v22, v13;
	v46 =	vadd.f32 v27, v5;
	v37 =	vld [tilespmem:s29+$0xFFFFFF30];
	[tilespmem:s22+$0xFFFFFF90] =	vst v36  }
0x127: {  	v28 =	vmul.f32 v16, v9;
	v33 =	vmul.f32 v23, v0;
	v26 =	vadd.f32 v26, v13;
	v47 =	vld [tilespmem:s29+$0x90];
	[tilespmem:s22+$0xA0] =	vst v35  }
.Ltmp2:
0x128: {  	v30 =	vmul.f32 v16, v6;
	v27 =	vadd.f32 v29, v14;
	v35 =	vmul.f32 v23, v15;
	v38 =	vld [tilespmem:s29+$0xFFFFFF10];
	[tilespmem:s22+$0xFFFFFFB0] =	vst v42;
	(pc) =	sbr.rel @p0 .LBB2_6-.Ltmp2, $4  }
0x129: {  	v29 =	vmul.f32 v23, v1;
	v39 =	vadd.f32 v33, v4;
	v33 =	vmul.f32 v16, v2;
	v36 =	vld [tilespmem:s29+$0xFFFFFF70];
	[tilespmem:s22+$0x60] =	vst v34  }
0x12a: {  	v40 =	vmul.f32 v19, v3;
	v49 =	vmul.f32 v23, v6;
	v48 =	vadd.f32 v35, v13;
	v35 =	vld [tilespmem:s29+$0x20];
	[tilespmem:s22+$0x10] =	vst v41  }
0x12b: {  	v43 =	vadd.f32 v29, v5;
	v34 =	vmul.f32 v19, v12;
	v42 =	vmul.f32 v37, v39;
	v29 =	vld [tilespmem:s29+$0x0];
	[tilespmem:s22+$0x30] =	vst v44  }
0x12c: {  	v41 =	vadd.f32 v49, v10;
	v39 =	vmul.f32 v48, v31;
	v31 =	vld [tilespmem:s29+$0xFFFFFFD0];
	v37 =	vmul.f32 v46, v47;
	[tilespmem:s22+$0xB0] =	vst v45;
	s22 =	smov.u32 s29  }
0x12d: {  	[tilespmem:s22+$0xFFFFFF30] =	vst v42  }
0x12e: {  	v38 =	vmul.f32 v43, v38;
	[tilespmem:s22+$0xFFFFFF00] =	vst v39  }
0x12f: {  	v25 =	vmul.f32 v25, v27;
	[tilespmem:s22+$0x90] =	vst v37  }
0x130: {  	v40 =	vadd.f32 v40, v7;
	v55 =	vmul.f32 v24, v12;
	v20 =	vmul.f32 v22, v20;
	[tilespmem:s22+$0xFFFFFF10] =	vst v38  }
0x131: {  	v49 =	vld [tilespmem:s22+$0xFFFFFFA0];
	v36 =	vmul.f32 v36, v41;
	[tilespmem:s22+$0xD0] =	vst v25  }
0x132: {  	v48 =	vld [tilespmem:s22+$0xFFFFFF50];
	v50 =	vmul.f32 v24, v3;
	v35 =	vmul.f32 v35, v40;
	v41 =	vadd.f32 v55, v14;
	[tilespmem:s22+$0x80] =	vst v20  }
0x133: {  	v45 =	vld [tilespmem:s22+$0xFFFFFF20];
	v46 =	vmul.f32 v23, v12;
	v25 =	vadd.f32 v30, v10;
	[tilespmem:s22+$0xFFFFFF70] =	vst v36;
	v26 =	vmul.f32 v26, v29  }
0x134: {  	v63 =	vld [tilespmem:s22+$0x50];
	v51 =	vmul.f32 v23, v3;
	v39 =	vadd.f32 v50, v7;
	[tilespmem:s22+$0x20] =	vst v35;
	v31 =	vmul.f32 v31, v41  }
0x135: {  	v47 =	vld [tilespmem:s22+$0xFFFFFF80];
	v52 =	vadd.f32 v46, v14;
	v21 =	vmul.f32 v21, v25;
	[tilespmem:s22+$0x0] =	vst v26  }
0x136: {  	v44 =	vld [tilespmem:s22+$0xFFFFFFE0];
	v53 =	vadd.f32 v51, v7;
	v38 =	vmul.f32 v49, v39;
	[tilespmem:s22+$0xFFFFFFD0] =	vst v31  }
0x137: {  	v34 =	vadd.f32 v34, v14;
	v58 =	vmul.f32 v24, v2;
	v59 =	vld [tilespmem:s22+$0xC0];
	v56 =	vmul.f32 v48, v52;
	[tilespmem:s22+$0xF0] =	vst v21  }
0x138: {  	v57 =	vld [tilespmem:s22+$0xFFFFFFB0];
	v32 =	vadd.f32 v32, v13;
	v62 =	vmul.f32 v24, v9;
	v36 =	vmul.f32 v45, v53;
	[tilespmem:s22+$0xFFFFFFA0] =	vst v38  }
0x139: {  	v54 =	vld [tilespmem:s22+$0xFFFFFFC0];
	v22 =	vmul.f32 v24, v0;
	v61 =	vadd.f32 v58, v8;
	v34 =	vmul.f32 v63, v34;
	[tilespmem:s22+$0xFFFFFF50] =	vst v56  }
0x13a: {  	v60 =	vld [tilespmem:s22+$0x40];
	v28 =	vadd.f32 v28, v11;
	v27 =	vadd.f32 v33, v8;
	v32 =	vmul.f32 v32, v47;
	[tilespmem:s22+$0xFFFFFF20] =	vst v36  }
0x13b: {  	v46 =	vmul.f32 v19, v9;
	v22 =	vadd.f32 v22, v4;
	v35 =	vmul.f32 v44, v61;
	[tilespmem:s22+$0x50] =	vst v34  }
0x13c: {  	v40 =	vld [tilespmem:s22+$0xFFFFFF90];
	v47 =	vadd.f32 v62, v11;
	v28 =	vmul.f32 v59, v28;
	v53 =	vmul.f32 v19, v6;
	[tilespmem:s22+$0xFFFFFF80] =	vst v32  }
0x13d: {  	v25 =	vmul.f32 v24, v1;
	v48 =	vld [tilespmem:s22+$0xE0];
	v22 =	vmul.f32 v57, v22;
	v31 =	vadd.f32 v46, v11;
	[tilespmem:s22+$0xFFFFFFE0] =	vst v35  }
0x13e: {  	v55 =	vld [tilespmem:s22+$0xFFFFFF60];
	v52 =	vmul.f32 v23, v9;
	v50 =	vmul.f32 v54, v47;
	[tilespmem:s22+$0xC0] =	vst v28;
	v33 =	vadd.f32 v53, v10  }
0x13f: {  	v49 =	vld [tilespmem:s22+$0xFFFFFF40];
	v23 =	vmul.f32 v23, v2;
	v21 =	vadd.f32 v25, v5;
	[tilespmem:s22+$0xFFFFFFB0] =	vst v22;
	v28 =	vmul.f32 v60, v31  }
0x140: {  	v30 =	vld [tilespmem:s22+$0xFFFFFFF0];
	v20 =	vmul.f32 v19, v1;
	[tilespmem:s22+$0xFFFFFFC0] =	vst v50;
	v17 =	vmul.f32 v17, v33  }
0x141: {  	v23 =	vadd.f32 v23, v8;
	v31 =	vld [tilespmem:s22+$0x60];
	v21 =	vmul.f32 v21, v40;
	[tilespmem:s22+$0x40] =	vst v28;
	v28 =	vmul.f32 v24, v6  }
0x142: {  	v29 =	vld [tilespmem:s22+$0x30];
	v54 =	vadd.f32 v52, v11;
	v27 =	vmul.f32 v48, v27;
	[tilespmem:s22+$0x70] =	vst v17;
	v17 =	vmul.f32 v19, v2  }
0x143: {  	v23 =	vmul.f32 v55, v23;
	[tilespmem:s22+$0xFFFFFF90] =	vst v21;
	v19 =	vmul.f32 v19, v0;
	v26 =	vadd.f32 v28, v10  }
0x144: {  	v51 =	vld [tilespmem:s22+$0xB0];
	v32 =	vmul.f32 v49, v54;
	[tilespmem:s22+$0xE0] =	vst v27;
	v27 =	vmul.f32 v16, v3;
	v17 =	vadd.f32 v17, v8  }
0x145: {  	v63 =	vld [tilespmem:s22+$0x10];
	[tilespmem:s22+$0xFFFFFF60] =	vst v23;
	v16 =	vmul.f32 v16, v0;
	v19 =	vadd.f32 v19, v4;
	v24 =	vmul.f32 v30, v26  }
0x146: {  	[tilespmem:s22+$0xFFFFFF40] =	vst v32;
	v25 =	vadd.f32 v27, v7;
	v17 =	vmul.f32 v31, v17  }
0x147: {  	v16 =	vadd.f32 v16, v4;
	v19 =	vmul.f32 v29, v19;
	[tilespmem:s22+$0xFFFFFFF0] =	vst v24  }
0x148: {  	v20 =	vadd.f32 v20, v5;
	v18 =	vmul.f32 v18, v25;
	[tilespmem:s22+$0x60] =	vst v17  }
0x149: {  	v16 =	vmul.f32 v51, v16;
	[tilespmem:s22+$0x30] =	vst v19  }
0x14a: {  	[tilespmem:s22+$0xA0] =	vst v18;
	v18 =	vmul.f32 v20, v63  }
0x14b: {  	[tilespmem:s22+$0xB0] =	vst v16  }
0x14c: {  	s26 =	simm.s32 $0x4580;
	[tilespmem:s22+$0x10] =	vst v18  }
0x14d: {  	[hbm4b:s10+s5] =	stream.linear.scatter [tilespmem:s26], [sflag:$0x9], $0x2000, $0x38;
	[tilespmem:$0x10580] =	vst v63  }
0x14e: {  	_ =	swait.ge [sflag:s30], $0x2000  }
0x14f: {  	[sflag:s30] =	ssyncset.done $0x0  }
0x150: {  	s22 =	simm.s32 $0x6680;
	[sflag:s30] =	ssyncadd.s32 $0xFFFFE000  }
0x151: {  	s24 =	simm.s32 $0x2C3;
	v17 =	vld [tilespmem:s22+$0x70]  }
0x152: {  	v16 =	vld.msk [tilespmem:s24+$0x0 ss:$0x0], $0xffff  }
0x153: {  	v19 =	vld.msk [tilespmem:s24+$0xFFFFFFFF ss:$0x0], $0xffff  }
0x154: {  	v24 =	vld.msk [tilespmem:s24+$0xFFFFFFFE ss:$0x0], $0xffff  }
0x155: {  	v23 =	vld.msk [tilespmem:s24+$0xFFFFFFFD ss:$0x0], $0xffff  }
0x156: {  	v21 =	vld [tilespmem:s22+$0xF0]  }
0x157: {  	v18 =	vld [tilespmem:s22+$0xA0]  }
0x158: {  	v25 =	vld [tilespmem:s22+$0xD0];
	v22 =	vmul.f32 v16, v15;
	v26 =	vmul.f32 v16, v1  }
0x159: {  	v20 =	vld [tilespmem:s22+$0x80];
	v27 =	vmul.f32 v19, v15;
	v29 =	vmul.f32 v16, v12  }
0x15a: {  	v31 =	vld [tilespmem:s22+$0xFFFFFF00];
	v32 =	vmul.f32 v24, v15;
	v58 =	vmul.f32 v23, v0  }
0x15b: {  	v56 =	vld [tilespmem:s22+$0xFFFFFF30];
	v28 =	vmul.f32 v16, v9;
	v60 =	vmul.f32 v23, v15  }
0x15c: {  	v59 =	vld [tilespmem:s22+$0x90];
	v30 =	vmul.f32 v16, v6;
	v33 =	vmul.f32 v16, v2  }
0x15d: {  	v38 =	vld [tilespmem:s22+$0xFFFFFF10];
	v63 =	vmul.f32 v23, v6;
	v57 =	vadd.f32 v26, v5;
	v26 =	vadd.f32 v27, v13  }
0x15e: {  	v36 =	vld [tilespmem:s22+$0xFFFFFF70];
	v27 =	vadd.f32 v29, v14;
	v29 =	vmul.f32 v23, v1;
	v61 =	vadd.f32 v58, v4  }
0x15f: {  	v35 =	vld [tilespmem:s22+$0x20];
	v40 =	vmul.f32 v19, v3;
	v34 =	vmul.f32 v19, v12;
	v62 =	vadd.f32 v60, v13  }
0x160: {  	v22 =	vadd.f32 v22, v13;
	v43 =	vadd.f32 v29, v5;
	v42 =	vmul.f32 v56, v61;
	v29 =	vld [tilespmem:s22+$0x0]  }
0x161: {  	s29 =	simm.s32 $0x6680;
	s26 =	simm.s32 $0x0;
	v41 =	vadd.f32 v63, v10;
	v39 =	vmul.f32 v62, v31;
	v31 =	vld [tilespmem:s22+$0xFFFFFFD0];
	v37 =	vmul.f32 v57, v59  }
.LBB2_8:
0x162: {  	s26 =	sadd.s32 $0x4, s26;
	v38 =	vmul.f32 v43, v38;
	v43 =	vmul.f32 v19, v1;
	v40 =	vadd.f32 v40, v7;
	v44 =	vld [tilespmem:s22+$0x50];
	s29 =	sadd.s32 $0x200, s29;
	s24 =	sadd.s32 $0x4, s24  }
0x163: {  	v30 =	vadd.f32 v30, v10;
	p0 =	slt.u32 s26, $0x3C;
	[tilespmem:s22+$0xFFFFFF30] =	vst v42;
	v42 =	vld [tilespmem:s22+$0xFFFFFF50];
	v36 =	vmul.f32 v36, v41;
	v41 =	vmul.f32 v19, v6  }
0x164: {  	v45 =	vmul.f32 v24, v2;
	v33 =	vadd.f32 v33, v8;
	[tilespmem:s22+$0xFFFFFF10] =	vst v38;
	v38 =	vld [tilespmem:s22+$0xFFFFFFE0];
	v35 =	vmul.f32 v35, v40  }
0x165: {  	v34 =	vadd.f32 v34, v14;
	v40 =	vmul.f32 v23, v9;
	[tilespmem:s22+$0xFFFFFF00] =	vst v39;
	v39 =	vmul.f32 v23, v3;
	v46 =	vld [tilespmem:s22+$0xFFFFFFA0]  }
0x166: {  	v32 =	vadd.f32 v32, v13;
	v48 =	vmul.f32 v24, v3;
	v49 =	vmul.f32 v24, v6;
	v47 =	vld [tilespmem:s22+$0xFFFFFF20];
	[tilespmem:s22+$0x90] =	vst v37  }
0x167: {  	v50 =	vmul.f32 v24, v12;
	v45 =	vadd.f32 v45, v8;
	v37 =	vmul.f32 v23, v12;
	[tilespmem:s22+$0xFFFFFF70] =	vst v36;
	v36 =	vld [tilespmem:s22+$0xFFFFFF80]  }
0x168: {  	v51 =	vmul.f32 v19, v9;
	v48 =	vadd.f32 v48, v7;
	v39 =	vadd.f32 v39, v7;
	[tilespmem:s22+$0x20] =	vst v35;
	v35 =	vld [tilespmem:s22+$0x40]  }
0x169: {  	v53 =	vmul.f32 v24, v9;
	v37 =	vadd.f32 v37, v14;
	v52 =	vld [tilespmem:s22+$0xFFFFFF90];
	v38 =	vmul.f32 v38, v45  }
0x16a: {  	v50 =	vadd.f32 v50, v14;
	v45 =	vmul.f32 v24, v1;
	v46 =	vmul.f32 v46, v48;
	v48 =	vld [tilespmem:s22+$0xFFFFFFC0]  }
0x16b: {  	v37 =	vmul.f32 v42, v37;
	v39 =	vmul.f32 v47, v39;
	v42 =	vld [tilespmem:s22+$0xFFFFFFB0];
	v47 =	vadd.f32 v51, v11  }
0x16c: {  	v24 =	vmul.f32 v24, v0;
	v32 =	vmul.f32 v32, v36;
	v36 =	vadd.f32 v45, v5;
	[tilespmem:s22+$0xFFFFFFA0] =	vst v46;
	v45 =	vld [tilespmem:s22+$0xC0]  }
0x16d: {  	v34 =	vmul.f32 v44, v34;
	[tilespmem:s22+$0xFFFFFF50] =	vst v37;
	v37 =	vadd.f32 v53, v11;
	v46 =	vld [tilespmem:s22+$0x10];
	v35 =	vmul.f32 v35, v47  }
0x16e: {  	v24 =	vadd.f32 v24, v4;
	[tilespmem:s22+$0xFFFFFF20] =	vst v39;
	v36 =	vmul.f32 v36, v52;
	v39 =	vmul.f32 v19, v2;
	v44 =	vld [tilespmem:s22+$0xE0]  }
0x16f: {  	v28 =	vadd.f32 v28, v11;
	v31 =	vmul.f32 v31, v50;
	v37 =	vmul.f32 v48, v37;
	[tilespmem:s22+$0x50] =	vst v34;
	v34 =	vld [tilespmem:s22+$0x60]  }
0x170: {  	v47 =	vld [tilespmem:s22+$0xFFFFFF60];
	[tilespmem:s22+$0xFFFFFF80] =	vst v32;
	v42 =	vmul.f32 v42, v24;
	v24 =	vmul.f32 v26, v29;
	v26 =	vadd.f32 v43, v5  }
0x171: {  	v23 =	vmul.f32 v23, v2;
	v29 =	vld [tilespmem:s22+$0xFFFFFF40];
	[tilespmem:s22+$0xFFFFFFD0] =	vst v31;
	v31 =	vadd.f32 v41, v10;
	v28 =	vmul.f32 v45, v28  }
0x172: {  	v25 =	vmul.f32 v25, v27;
	v32 =	vadd.f32 v39, v8;
	[tilespmem:s22+$0xFFFFFFE0] =	vst v38;
	v41 =	vmul.f32 v26, v46;
	v26 =	vld [tilespmem:s22+$0x30]  }
0x173: {  	v27 =	vmul.f32 v16, v3;
	v23 =	vadd.f32 v23, v8;
	v19 =	vmul.f32 v19, v0;
	v38 =	vld [tilespmem:s22+$0xB0];
	[tilespmem:s22+$0xC0] =	vst v28  }
0x174: {  	v16 =	vmul.f32 v16, v0;
	v28 =	vadd.f32 v40, v11;
	[tilespmem:s22+$0xFFFFFFC0] =	vst v37;
	v37 =	vld [tilespmem:s22+$0xFFFFFFF0];
	v34 =	vmul.f32 v34, v32  }
0x175: {  	v19 =	vadd.f32 v19, v4;
	v32 =	vld [tilespmem:s29+$0x70];
	v39 =	vmul.f32 v47, v23;
	v23 =	vadd.f32 v27, v7;
	[tilespmem:s22+$0xD0] =	vst v25  }
0x176: {  	v25 =	vld [tilespmem:s29+$0xF0];
	v27 =	vmul.f32 v29, v28;
	[tilespmem:s22+$0x40] =	vst v35;
	v28 =	vadd.f32 v16, v4;
	v29 =	vmul.f32 v44, v33  }
0x177: {  	v33 =	vadd.f32 v49, v10;
	v16 =	vld.msk [tilespmem:s24+$0x0 ss:$0x0], $0xffff;
	[tilespmem:s22+$0x0] =	vst v24;
	v44 =	vmul.f32 v26, v19;
	v35 =	vmul.f32 v18, v23  }
0x178: {  	v18 =	vmul.f32 v21, v30;
	v19 =	vld.msk [tilespmem:s24+$0xFFFFFFFF ss:$0x0], $0xffff;
	v45 =	vmul.f32 v38, v28;
	[tilespmem:s22+$0xE0] =	vst v29  }
0x179: {  	v24 =	vld.msk [tilespmem:s24+$0xFFFFFFFE ss:$0x0], $0xffff;
	[tilespmem:s22+$0xFFFFFF40] =	vst v27;
	v26 =	vmul.f32 v37, v33;
	v27 =	vmul.f32 v17, v31  }
0x17a: {  	v20 =	vmul.f32 v22, v20;
	v23 =	vld.msk [tilespmem:s24+$0xFFFFFFFD ss:$0x0], $0xffff;
	[tilespmem:s22+$0xF0] =	vst v18;
	v17 =	vmov v32  }
0x17b: {  	v18 =	vld [tilespmem:s29+$0xA0];
	[tilespmem:s22+$0x70] =	vst v27;
	v21 =	vmov v25  }
0x17c: {  	v25 =	vld [tilespmem:s29+$0xD0];
	[tilespmem:s22+$0x80] =	vst v20  }
0x17d: {  	v22 =	vmul.f32 v16, v15;
	v27 =	vmul.f32 v16, v1;
	v20 =	vld [tilespmem:s29+$0x80];
	[tilespmem:s22+$0xFFFFFFF0] =	vst v26  }
0x17e: {  	v29 =	vmul.f32 v16, v12;
	v26 =	vmul.f32 v19, v15;
	v31 =	vld [tilespmem:s29+$0xFFFFFF00];
	[tilespmem:s22+$0xFFFFFF60] =	vst v39  }
0x17f: {  	v32 =	vmul.f32 v24, v15;
	v22 =	vadd.f32 v22, v13;
	v46 =	vadd.f32 v27, v5;
	v37 =	vld [tilespmem:s29+$0xFFFFFF30];
	[tilespmem:s22+$0xFFFFFF90] =	vst v36  }
0x180: {  	v28 =	vmul.f32 v16, v9;
	v33 =	vmul.f32 v23, v0;
	v26 =	vadd.f32 v26, v13;
	v47 =	vld [tilespmem:s29+$0x90];
	[tilespmem:s22+$0xA0] =	vst v35  }
.Ltmp3:
0x181: {  	v30 =	vmul.f32 v16, v6;
	v27 =	vadd.f32 v29, v14;
	v35 =	vmul.f32 v23, v15;
	v38 =	vld [tilespmem:s29+$0xFFFFFF10];
	[tilespmem:s22+$0xFFFFFFB0] =	vst v42;
	(pc) =	sbr.rel @p0 .LBB2_8-.Ltmp3, $4  }
0x182: {  	v29 =	vmul.f32 v23, v1;
	v39 =	vadd.f32 v33, v4;
	v33 =	vmul.f32 v16, v2;
	v36 =	vld [tilespmem:s29+$0xFFFFFF70];
	[tilespmem:s22+$0x60] =	vst v34  }
0x183: {  	v40 =	vmul.f32 v19, v3;
	v49 =	vmul.f32 v23, v6;
	v48 =	vadd.f32 v35, v13;
	v35 =	vld [tilespmem:s29+$0x20];
	[tilespmem:s22+$0x10] =	vst v41  }
0x184: {  	v43 =	vadd.f32 v29, v5;
	v34 =	vmul.f32 v19, v12;
	v42 =	vmul.f32 v37, v39;
	v29 =	vld [tilespmem:s29+$0x0];
	[tilespmem:s22+$0x30] =	vst v44  }
0x185: {  	v41 =	vadd.f32 v49, v10;
	v39 =	vmul.f32 v48, v31;
	v31 =	vld [tilespmem:s29+$0xFFFFFFD0];
	v37 =	vmul.f32 v46, v47;
	[tilespmem:s22+$0xB0] =	vst v45;
	s22 =	smov.u32 s29  }
0x186: {  	[tilespmem:s22+$0xFFFFFF30] =	vst v42  }
0x187: {  	v38 =	vmul.f32 v43, v38;
	[tilespmem:s22+$0xFFFFFF00] =	vst v39  }
0x188: {  	v25 =	vmul.f32 v25, v27;
	[tilespmem:s22+$0x90] =	vst v37  }
0x189: {  	v40 =	vadd.f32 v40, v7;
	v55 =	vmul.f32 v24, v12;
	v20 =	vmul.f32 v22, v20;
	[tilespmem:s22+$0xFFFFFF10] =	vst v38  }
0x18a: {  	v49 =	vld [tilespmem:s22+$0xFFFFFFA0];
	v36 =	vmul.f32 v36, v41;
	[tilespmem:s22+$0xD0] =	vst v25  }
0x18b: {  	v48 =	vld [tilespmem:s22+$0xFFFFFF50];
	v50 =	vmul.f32 v24, v3;
	v35 =	vmul.f32 v35, v40;
	v41 =	vadd.f32 v55, v14;
	[tilespmem:s22+$0x80] =	vst v20  }
0x18c: {  	v45 =	vld [tilespmem:s22+$0xFFFFFF20];
	v46 =	vmul.f32 v23, v12;
	v25 =	vadd.f32 v30, v10;
	[tilespmem:s22+$0xFFFFFF70] =	vst v36;
	v26 =	vmul.f32 v26, v29  }
0x18d: {  	v63 =	vld [tilespmem:s22+$0x50];
	v51 =	vmul.f32 v23, v3;
	v39 =	vadd.f32 v50, v7;
	[tilespmem:s22+$0x20] =	vst v35;
	v31 =	vmul.f32 v31, v41  }
0x18e: {  	v47 =	vld [tilespmem:s22+$0xFFFFFF80];
	v52 =	vadd.f32 v46, v14;
	v21 =	vmul.f32 v21, v25;
	[tilespmem:s22+$0x0] =	vst v26  }
0x18f: {  	v44 =	vld [tilespmem:s22+$0xFFFFFFE0];
	v53 =	vadd.f32 v51, v7;
	v38 =	vmul.f32 v49, v39;
	[tilespmem:s22+$0xFFFFFFD0] =	vst v31  }
0x190: {  	v34 =	vadd.f32 v34, v14;
	v58 =	vmul.f32 v24, v2;
	v59 =	vld [tilespmem:s22+$0xC0];
	v56 =	vmul.f32 v48, v52;
	[tilespmem:s22+$0xF0] =	vst v21  }
0x191: {  	v57 =	vld [tilespmem:s22+$0xFFFFFFB0];
	v32 =	vadd.f32 v32, v13;
	v62 =	vmul.f32 v24, v9;
	v36 =	vmul.f32 v45, v53;
	[tilespmem:s22+$0xFFFFFFA0] =	vst v38  }
0x192: {  	v54 =	vld [tilespmem:s22+$0xFFFFFFC0];
	v22 =	vmul.f32 v24, v0;
	v61 =	vadd.f32 v58, v8;
	v34 =	vmul.f32 v63, v34;
	[tilespmem:s22+$0xFFFFFF50] =	vst v56  }
0x193: {  	v60 =	vld [tilespmem:s22+$0x40];
	v28 =	vadd.f32 v28, v11;
	v27 =	vadd.f32 v33, v8;
	v32 =	vmul.f32 v32, v47;
	[tilespmem:s22+$0xFFFFFF20] =	vst v36  }
0x194: {  	v46 =	vmul.f32 v19, v9;
	v22 =	vadd.f32 v22, v4;
	v35 =	vmul.f32 v44, v61;
	[tilespmem:s22+$0x50] =	vst v34  }
0x195: {  	v40 =	vld [tilespmem:s22+$0xFFFFFF90];
	v47 =	vadd.f32 v62, v11;
	v28 =	vmul.f32 v59, v28;
	v53 =	vmul.f32 v19, v6;
	[tilespmem:s22+$0xFFFFFF80] =	vst v32  }
0x196: {  	v25 =	vmul.f32 v24, v1;
	v48 =	vld [tilespmem:s22+$0xE0];
	v22 =	vmul.f32 v57, v22;
	v31 =	vadd.f32 v46, v11;
	[tilespmem:s22+$0xFFFFFFE0] =	vst v35  }
0x197: {  	v55 =	vld [tilespmem:s22+$0xFFFFFF60];
	v52 =	vmul.f32 v23, v9;
	v50 =	vmul.f32 v54, v47;
	[tilespmem:s22+$0xC0] =	vst v28;
	v33 =	vadd.f32 v53, v10  }
0x198: {  	v49 =	vld [tilespmem:s22+$0xFFFFFF40];
	v23 =	vmul.f32 v23, v2;
	v21 =	vadd.f32 v25, v5;
	[tilespmem:s22+$0xFFFFFFB0] =	vst v22;
	v28 =	vmul.f32 v60, v31  }
0x199: {  	v30 =	vld [tilespmem:s22+$0xFFFFFFF0];
	v20 =	vmul.f32 v19, v1;
	[tilespmem:s22+$0xFFFFFFC0] =	vst v50;
	v17 =	vmul.f32 v17, v33  }
0x19a: {  	v23 =	vadd.f32 v23, v8;
	v31 =	vld [tilespmem:s22+$0x60];
	v21 =	vmul.f32 v21, v40;
	[tilespmem:s22+$0x40] =	vst v28;
	v28 =	vmul.f32 v24, v6  }
0x19b: {  	v29 =	vld [tilespmem:s22+$0x30];
	v54 =	vadd.f32 v52, v11;
	v27 =	vmul.f32 v48, v27;
	[tilespmem:s22+$0x70] =	vst v17;
	v17 =	vmul.f32 v19, v2  }
0x19c: {  	v23 =	vmul.f32 v55, v23;
	[tilespmem:s22+$0xFFFFFF90] =	vst v21;
	v19 =	vmul.f32 v19, v0;
	v26 =	vadd.f32 v28, v10  }
0x19d: {  	v51 =	vld [tilespmem:s22+$0xB0];
	v32 =	vmul.f32 v49, v54;
	[tilespmem:s22+$0xE0] =	vst v27;
	v27 =	vmul.f32 v16, v3;
	v17 =	vadd.f32 v17, v8  }
0x19e: {  	v63 =	vld [tilespmem:s22+$0x10];
	[tilespmem:s22+$0xFFFFFF60] =	vst v23;
	v16 =	vmul.f32 v16, v0;
	v19 =	vadd.f32 v19, v4;
	v24 =	vmul.f32 v30, v26  }
0x19f: {  	[tilespmem:s22+$0xFFFFFF40] =	vst v32;
	v25 =	vadd.f32 v27, v7;
	v17 =	vmul.f32 v31, v17  }
0x1a0: {  	v16 =	vadd.f32 v16, v4;
	v19 =	vmul.f32 v29, v19;
	[tilespmem:s22+$0xFFFFFFF0] =	vst v24  }
0x1a1: {  	v20 =	vadd.f32 v20, v5;
	v18 =	vmul.f32 v18, v25;
	[tilespmem:s22+$0x60] =	vst v17  }
0x1a2: {  	v16 =	vmul.f32 v51, v16;
	[tilespmem:s22+$0x30] =	vst v19  }
0x1a3: {  	[tilespmem:s22+$0xA0] =	vst v18;
	v18 =	vmul.f32 v20, v63  }
0x1a4: {  	[tilespmem:s22+$0xB0] =	vst v16  }
0x1a5: {  	s26 =	simm.s32 $0x6580;
	[tilespmem:s22+$0x10] =	vst v18  }
0x1a6: {  	[hbm4b:s11+s5] =	stream.linear.scatter [tilespmem:s26], [sflag:$0x9], $0x2000, $0x38;
	[tilespmem:$0x10580] =	vst v63  }
0x1a7: {  	_ =	swait.ge [sflag:s1], $0x2000  }
0x1a8: {  	[sflag:s1] =	ssyncset.done $0x0  }
0x1a9: {  	s22 =	simm.s32 $0x8680;
	[sflag:s1] =	ssyncadd.s32 $0xFFFFE000  }
0x1aa: {  	s24 =	simm.s32 $0x303;
	v17 =	vld [tilespmem:s22+$0x70]  }
0x1ab: {  	v16 =	vld.msk [tilespmem:s24+$0x0 ss:$0x0], $0xffff  }
0x1ac: {  	v19 =	vld.msk [tilespmem:s24+$0xFFFFFFFF ss:$0x0], $0xffff  }
0x1ad: {  	v24 =	vld.msk [tilespmem:s24+$0xFFFFFFFE ss:$0x0], $0xffff  }
0x1ae: {  	v23 =	vld.msk [tilespmem:s24+$0xFFFFFFFD ss:$0x0], $0xffff  }
0x1af: {  	v21 =	vld [tilespmem:s22+$0xF0]  }
0x1b0: {  	v18 =	vld [tilespmem:s22+$0xA0]  }
0x1b1: {  	v25 =	vld [tilespmem:s22+$0xD0];
	v22 =	vmul.f32 v16, v15;
	v26 =	vmul.f32 v16, v1  }
0x1b2: {  	v20 =	vld [tilespmem:s22+$0x80];
	v27 =	vmul.f32 v19, v15;
	v29 =	vmul.f32 v16, v12  }
0x1b3: {  	v31 =	vld [tilespmem:s22+$0xFFFFFF00];
	v32 =	vmul.f32 v24, v15;
	v58 =	vmul.f32 v23, v0  }
0x1b4: {  	v56 =	vld [tilespmem:s22+$0xFFFFFF30];
	v28 =	vmul.f32 v16, v9;
	v60 =	vmul.f32 v23, v15  }
0x1b5: {  	v59 =	vld [tilespmem:s22+$0x90];
	v30 =	vmul.f32 v16, v6;
	v33 =	vmul.f32 v16, v2  }
0x1b6: {  	v38 =	vld [tilespmem:s22+$0xFFFFFF10];
	v63 =	vmul.f32 v23, v6;
	v57 =	vadd.f32 v26, v5;
	v26 =	vadd.f32 v27, v13  }
0x1b7: {  	v36 =	vld [tilespmem:s22+$0xFFFFFF70];
	v27 =	vadd.f32 v29, v14;
	v29 =	vmul.f32 v23, v1;
	v61 =	vadd.f32 v58, v4  }
0x1b8: {  	v35 =	vld [tilespmem:s22+$0x20];
	v40 =	vmul.f32 v19, v3;
	v34 =	vmul.f32 v19, v12;
	v62 =	vadd.f32 v60, v13  }
0x1b9: {  	v22 =	vadd.f32 v22, v13;
	v43 =	vadd.f32 v29, v5;
	v42 =	vmul.f32 v56, v61;
	v29 =	vld [tilespmem:s22+$0x0]  }
0x1ba: {  	s29 =	simm.s32 $0x8680;
	s26 =	simm.s32 $0x0;
	v41 =	vadd.f32 v63, v10;
	v39 =	vmul.f32 v62, v31;
	v31 =	vld [tilespmem:s22+$0xFFFFFFD0];
	v37 =	vmul.f32 v57, v59  }
.LBB2_10:
0x1bb: {  	s26 =	sadd.s32 $0x4, s26;
	v38 =	vmul.f32 v43, v38;
	v43 =	vmul.f32 v19, v1;
	v40 =	vadd.f32 v40, v7;
	v44 =	vld [tilespmem:s22+$0x50];
	s29 =	sadd.s32 $0x200, s29;
	s24 =	sadd.s32 $0x4, s24  }
0x1bc: {  	v30 =	vadd.f32 v30, v10;
	p0 =	slt.u32 s26, $0x3C;
	[tilespmem:s22+$0xFFFFFF30] =	vst v42;
	v42 =	vld [tilespmem:s22+$0xFFFFFF50];
	v36 =	vmul.f32 v36, v41;
	v41 =	vmul.f32 v19, v6  }
0x1bd: {  	v45 =	vmul.f32 v24, v2;
	v33 =	vadd.f32 v33, v8;
	[tilespmem:s22+$0xFFFFFF10] =	vst v38;
	v38 =	vld [tilespmem:s22+$0xFFFFFFE0];
	v35 =	vmul.f32 v35, v40  }
0x1be: {  	v34 =	vadd.f32 v34, v14;
	v40 =	vmul.f32 v23, v9;
	[tilespmem:s22+$0xFFFFFF00] =	vst v39;
	v39 =	vmul.f32 v23, v3;
	v46 =	vld [tilespmem:s22+$0xFFFFFFA0]  }
0x1bf: {  	v32 =	vadd.f32 v32, v13;
	v48 =	vmul.f32 v24, v3;
	v49 =	vmul.f32 v24, v6;
	v47 =	vld [tilespmem:s22+$0xFFFFFF20];
	[tilespmem:s22+$0x90] =	vst v37  }
0x1c0: {  	v50 =	vmul.f32 v24, v12;
	v45 =	vadd.f32 v45, v8;
	v37 =	vmul.f32 v23, v12;
	[tilespmem:s22+$0xFFFFFF70] =	vst v36;
	v36 =	vld [tilespmem:s22+$0xFFFFFF80]  }
0x1c1: {  	v51 =	vmul.f32 v19, v9;
	v48 =	vadd.f32 v48, v7;
	v39 =	vadd.f32 v39, v7;
	[tilespmem:s22+$0x20] =	vst v35;
	v35 =	vld [tilespmem:s22+$0x40]  }
0x1c2: {  	v53 =	vmul.f32 v24, v9;
	v37 =	vadd.f32 v37, v14;
	v52 =	vld [tilespmem:s22+$0xFFFFFF90];
	v38 =	vmul.f32 v38, v45  }
0x1c3: {  	v50 =	vadd.f32 v50, v14;
	v45 =	vmul.f32 v24, v1;
	v46 =	vmul.f32 v46, v48;
	v48 =	vld [tilespmem:s22+$0xFFFFFFC0]  }
0x1c4: {  	v37 =	vmul.f32 v42, v37;
	v39 =	vmul.f32 v47, v39;
	v42 =	vld [tilespmem:s22+$0xFFFFFFB0];
	v47 =	vadd.f32 v51, v11  }
0x1c5: {  	v24 =	vmul.f32 v24, v0;
	v32 =	vmul.f32 v32, v36;
	v36 =	vadd.f32 v45, v5;
	[tilespmem:s22+$0xFFFFFFA0] =	vst v46;
	v45 =	vld [tilespmem:s22+$0xC0]  }
0x1c6: {  	v34 =	vmul.f32 v44, v34;
	[tilespmem:s22+$0xFFFFFF50] =	vst v37;
	v37 =	vadd.f32 v53, v11;
	v46 =	vld [tilespmem:s22+$0x10];
	v35 =	vmul.f32 v35, v47  }
0x1c7: {  	v24 =	vadd.f32 v24, v4;
	[tilespmem:s22+$0xFFFFFF20] =	vst v39;
	v36 =	vmul.f32 v36, v52;
	v39 =	vmul.f32 v19, v2;
	v44 =	vld [tilespmem:s22+$0xE0]  }
0x1c8: {  	v28 =	vadd.f32 v28, v11;
	v31 =	vmul.f32 v31, v50;
	v37 =	vmul.f32 v48, v37;
	[tilespmem:s22+$0x50] =	vst v34;
	v34 =	vld [tilespmem:s22+$0x60]  }
0x1c9: {  	v47 =	vld [tilespmem:s22+$0xFFFFFF60];
	[tilespmem:s22+$0xFFFFFF80] =	vst v32;
	v42 =	vmul.f32 v42, v24;
	v24 =	vmul.f32 v26, v29;
	v26 =	vadd.f32 v43, v5  }
0x1ca: {  	v23 =	vmul.f32 v23, v2;
	v29 =	vld [tilespmem:s22+$0xFFFFFF40];
	[tilespmem:s22+$0xFFFFFFD0] =	vst v31;
	v31 =	vadd.f32 v41, v10;
	v28 =	vmul.f32 v45, v28  }
0x1cb: {  	v25 =	vmul.f32 v25, v27;
	v32 =	vadd.f32 v39, v8;
	[tilespmem:s22+$0xFFFFFFE0] =	vst v38;
	v41 =	vmul.f32 v26, v46;
	v26 =	vld [tilespmem:s22+$0x30]  }
0x1cc: {  	v27 =	vmul.f32 v16, v3;
	v23 =	vadd.f32 v23, v8;
	v19 =	vmul.f32 v19, v0;
	v38 =	vld [tilespmem:s22+$0xB0];
	[tilespmem:s22+$0xC0] =	vst v28  }
0x1cd: {  	v16 =	vmul.f32 v16, v0;
	v28 =	vadd.f32 v40, v11;
	[tilespmem:s22+$0xFFFFFFC0] =	vst v37;
	v37 =	vld [tilespmem:s22+$0xFFFFFFF0];
	v34 =	vmul.f32 v34, v32  }
0x1ce: {  	v19 =	vadd.f32 v19, v4;
	v32 =	vld [tilespmem:s29+$0x70];
	v39 =	vmul.f32 v47, v23;
	v23 =	vadd.f32 v27, v7;
	[tilespmem:s22+$0xD0] =	vst v25  }
0x1cf: {  	v25 =	vld [tilespmem:s29+$0xF0];
	v27 =	vmul.f32 v29, v28;
	[tilespmem:s22+$0x40] =	vst v35;
	v28 =	vadd.f32 v16, v4;
	v29 =	vmul.f32 v44, v33  }
0x1d0: {  	v33 =	vadd.f32 v49, v10;
	v16 =	vld.msk [tilespmem:s24+$0x0 ss:$0x0], $0xffff;
	[tilespmem:s22+$0x0] =	vst v24;
	v44 =	vmul.f32 v26, v19;
	v35 =	vmul.f32 v18, v23  }
0x1d1: {  	v18 =	vmul.f32 v21, v30;
	v19 =	vld.msk [tilespmem:s24+$0xFFFFFFFF ss:$0x0], $0xffff;
	v45 =	vmul.f32 v38, v28;
	[tilespmem:s22+$0xE0] =	vst v29  }
0x1d2: {  	v24 =	vld.msk [tilespmem:s24+$0xFFFFFFFE ss:$0x0], $0xffff;
	[tilespmem:s22+$0xFFFFFF40] =	vst v27;
	v26 =	vmul.f32 v37, v33;
	v27 =	vmul.f32 v17, v31  }
0x1d3: {  	v20 =	vmul.f32 v22, v20;
	v23 =	vld.msk [tilespmem:s24+$0xFFFFFFFD ss:$0x0], $0xffff;
	[tilespmem:s22+$0xF0] =	vst v18;
	v17 =	vmov v32  }
0x1d4: {  	v18 =	vld [tilespmem:s29+$0xA0];
	[tilespmem:s22+$0x70] =	vst v27;
	v21 =	vmov v25  }
0x1d5: {  	v25 =	vld [tilespmem:s29+$0xD0];
	[tilespmem:s22+$0x80] =	vst v20  }
0x1d6: {  	v22 =	vmul.f32 v16, v15;
	v27 =	vmul.f32 v16, v1;
	v20 =	vld [tilespmem:s29+$0x80];
	[tilespmem:s22+$0xFFFFFFF0] =	vst v26  }
0x1d7: {  	v29 =	vmul.f32 v16, v12;
	v26 =	vmul.f32 v19, v15;
	v31 =	vld [tilespmem:s29+$0xFFFFFF00];
	[tilespmem:s22+$0xFFFFFF60] =	vst v39  }
0x1d8: {  	v32 =	vmul.f32 v24, v15;
	v22 =	vadd.f32 v22, v13;
	v46 =	vadd.f32 v27, v5;
	v37 =	vld [tilespmem:s29+$0xFFFFFF30];
	[tilespmem:s22+$0xFFFFFF90] =	vst v36  }
0x1d9: {  	v28 =	vmul.f32 v16, v9;
	v33 =	vmul.f32 v23, v0;
	v26 =	vadd.f32 v26, v13;
	v47 =	vld [tilespmem:s29+$0x90];
	[tilespmem:s22+$0xA0] =	vst v35  }
.Ltmp4:
0x1da: {  	v30 =	vmul.f32 v16, v6;
	v27 =	vadd.f32 v29, v14;
	v35 =	vmul.f32 v23, v15;
	v38 =	vld [tilespmem:s29+$0xFFFFFF10];
	[tilespmem:s22+$0xFFFFFFB0] =	vst v42;
	(pc) =	sbr.rel @p0 .LBB2_10-.Ltmp4, $4  }
0x1db: {  	v29 =	vmul.f32 v23, v1;
	v39 =	vadd.f32 v33, v4;
	v33 =	vmul.f32 v16, v2;
	v36 =	vld [tilespmem:s29+$0xFFFFFF70];
	[tilespmem:s22+$0x60] =	vst v34  }
0x1dc: {  	v40 =	vmul.f32 v19, v3;
	v49 =	vmul.f32 v23, v6;
	v48 =	vadd.f32 v35, v13;
	v35 =	vld [tilespmem:s29+$0x20];
	[tilespmem:s22+$0x10] =	vst v41  }
0x1dd: {  	v43 =	vadd.f32 v29, v5;
	v34 =	vmul.f32 v19, v12;
	v42 =	vmul.f32 v37, v39;
	v29 =	vld [tilespmem:s29+$0x0];
	[tilespmem:s22+$0x30] =	vst v44  }
0x1de: {  	v41 =	vadd.f32 v49, v10;
	v39 =	vmul.f32 v48, v31;
	v31 =	vld [tilespmem:s29+$0xFFFFFFD0];
	v37 =	vmul.f32 v46, v47;
	[tilespmem:s22+$0xB0] =	vst v45;
	s22 =	smov.u32 s29  }
0x1df: {  	[tilespmem:s22+$0xFFFFFF30] =	vst v42  }
0x1e0: {  	v38 =	vmul.f32 v43, v38;
	[tilespmem:s22+$0xFFFFFF00] =	vst v39  }
0x1e1: {  	v25 =	vmul.f32 v25, v27;
	[tilespmem:s22+$0x90] =	vst v37  }
0x1e2: {  	v40 =	vadd.f32 v40, v7;
	v55 =	vmul.f32 v24, v12;
	v20 =	vmul.f32 v22, v20;
	[tilespmem:s22+$0xFFFFFF10] =	vst v38  }
0x1e3: {  	v49 =	vld [tilespmem:s22+$0xFFFFFFA0];
	v36 =	vmul.f32 v36, v41;
	[tilespmem:s22+$0xD0] =	vst v25  }
0x1e4: {  	v48 =	vld [tilespmem:s22+$0xFFFFFF50];
	v50 =	vmul.f32 v24, v3;
	v35 =	vmul.f32 v35, v40;
	v41 =	vadd.f32 v55, v14;
	[tilespmem:s22+$0x80] =	vst v20  }
0x1e5: {  	v45 =	vld [tilespmem:s22+$0xFFFFFF20];
	v46 =	vmul.f32 v23, v12;
	v25 =	vadd.f32 v30, v10;
	[tilespmem:s22+$0xFFFFFF70] =	vst v36;
	v26 =	vmul.f32 v26, v29  }
0x1e6: {  	v63 =	vld [tilespmem:s22+$0x50];
	v51 =	vmul.f32 v23, v3;
	v39 =	vadd.f32 v50, v7;
	[tilespmem:s22+$0x20] =	vst v35;
	v31 =	vmul.f32 v31, v41  }
0x1e7: {  	v47 =	vld [tilespmem:s22+$0xFFFFFF80];
	v52 =	vadd.f32 v46, v14;
	v21 =	vmul.f32 v21, v25;
	[tilespmem:s22+$0x0] =	vst v26  }
0x1e8: {  	v44 =	vld [tilespmem:s22+$0xFFFFFFE0];
	v53 =	vadd.f32 v51, v7;
	v38 =	vmul.f32 v49, v39;
	[tilespmem:s22+$0xFFFFFFD0] =	vst v31  }
0x1e9: {  	v34 =	vadd.f32 v34, v14;
	v58 =	vmul.f32 v24, v2;
	v59 =	vld [tilespmem:s22+$0xC0];
	v56 =	vmul.f32 v48, v52;
	[tilespmem:s22+$0xF0] =	vst v21  }
0x1ea: {  	v57 =	vld [tilespmem:s22+$0xFFFFFFB0];
	v32 =	vadd.f32 v32, v13;
	v62 =	vmul.f32 v24, v9;
	v36 =	vmul.f32 v45, v53;
	[tilespmem:s22+$0xFFFFFFA0] =	vst v38  }
0x1eb: {  	v54 =	vld [tilespmem:s22+$0xFFFFFFC0];
	v22 =	vmul.f32 v24, v0;
	v61 =	vadd.f32 v58, v8;
	v34 =	vmul.f32 v63, v34;
	[tilespmem:s22+$0xFFFFFF50] =	vst v56  }
0x1ec: {  	v60 =	vld [tilespmem:s22+$0x40];
	v28 =	vadd.f32 v28, v11;
	v27 =	vadd.f32 v33, v8;
	v32 =	vmul.f32 v32, v47;
	[tilespmem:s22+$0xFFFFFF20] =	vst v36  }
0x1ed: {  	v46 =	vmul.f32 v19, v9;
	v22 =	vadd.f32 v22, v4;
	v35 =	vmul.f32 v44, v61;
	[tilespmem:s22+$0x50] =	vst v34  }
0x1ee: {  	v40 =	vld [tilespmem:s22+$0xFFFFFF90];
	v47 =	vadd.f32 v62, v11;
	v28 =	vmul.f32 v59, v28;
	v53 =	vmul.f32 v19, v6;
	[tilespmem:s22+$0xFFFFFF80] =	vst v32  }
0x1ef: {  	v25 =	vmul.f32 v24, v1;
	v48 =	vld [tilespmem:s22+$0xE0];
	v22 =	vmul.f32 v57, v22;
	v31 =	vadd.f32 v46, v11;
	[tilespmem:s22+$0xFFFFFFE0] =	vst v35  }
0x1f0: {  	v55 =	vld [tilespmem:s22+$0xFFFFFF60];
	v52 =	vmul.f32 v23, v9;
	v50 =	vmul.f32 v54, v47;
	[tilespmem:s22+$0xC0] =	vst v28;
	v33 =	vadd.f32 v53, v10  }
0x1f1: {  	v49 =	vld [tilespmem:s22+$0xFFFFFF40];
	v23 =	vmul.f32 v23, v2;
	v21 =	vadd.f32 v25, v5;
	[tilespmem:s22+$0xFFFFFFB0] =	vst v22;
	v28 =	vmul.f32 v60, v31  }
0x1f2: {  	v30 =	vld [tilespmem:s22+$0xFFFFFFF0];
	v20 =	vmul.f32 v19, v1;
	[tilespmem:s22+$0xFFFFFFC0] =	vst v50;
	v17 =	vmul.f32 v17, v33  }
0x1f3: {  	v23 =	vadd.f32 v23, v8;
	v31 =	vld [tilespmem:s22+$0x60];
	v21 =	vmul.f32 v21, v40;
	[tilespmem:s22+$0x40] =	vst v28;
	v28 =	vmul.f32 v24, v6  }
0x1f4: {  	v29 =	vld [tilespmem:s22+$0x30];
	v54 =	vadd.f32 v52, v11;
	v27 =	vmul.f32 v48, v27;
	[tilespmem:s22+$0x70] =	vst v17;
	v17 =	vmul.f32 v19, v2  }
0x1f5: {  	v23 =	vmul.f32 v55, v23;
	[tilespmem:s22+$0xFFFFFF90] =	vst v21;
	v19 =	vmul.f32 v19, v0;
	v26 =	vadd.f32 v28, v10  }
0x1f6: {  	v51 =	vld [tilespmem:s22+$0xB0];
	v32 =	vmul.f32 v49, v54;
	[tilespmem:s22+$0xE0] =	vst v27;
	v27 =	vmul.f32 v16, v3;
	v17 =	vadd.f32 v17, v8  }
0x1f7: {  	v63 =	vld [tilespmem:s22+$0x10];
	[tilespmem:s22+$0xFFFFFF60] =	vst v23;
	v16 =	vmul.f32 v16, v0;
	v19 =	vadd.f32 v19, v4;
	v24 =	vmul.f32 v30, v26  }
0x1f8: {  	[tilespmem:s22+$0xFFFFFF40] =	vst v32;
	v25 =	vadd.f32 v27, v7;
	v17 =	vmul.f32 v31, v17  }
0x1f9: {  	v16 =	vadd.f32 v16, v4;
	v19 =	vmul.f32 v29, v19;
	[tilespmem:s22+$0xFFFFFFF0] =	vst v24  }
0x1fa: {  	v20 =	vadd.f32 v20, v5;
	v18 =	vmul.f32 v18, v25;
	[tilespmem:s22+$0x60] =	vst v17  }
0x1fb: {  	v16 =	vmul.f32 v51, v16;
	[tilespmem:s22+$0x30] =	vst v19  }
0x1fc: {  	[tilespmem:s22+$0xA0] =	vst v18;
	v18 =	vmul.f32 v20, v63  }
0x1fd: {  	[tilespmem:s22+$0xB0] =	vst v16  }
0x1fe: {  	s26 =	simm.s32 $0x8580;
	[tilespmem:s22+$0x10] =	vst v18  }
0x1ff: {  	[hbm4b:s12+s5] =	stream.linear.scatter [tilespmem:s26], [sflag:$0x9], $0x2000, $0x38;
	[tilespmem:$0x10580] =	vst v63  }
0x200: {  	_ =	swait.ge [sflag:s2], $0x2000  }
0x201: {  	[sflag:s2] =	ssyncset.done $0x0  }
0x202: {  	s22 =	simm.s32 $0xA680;
	[sflag:s2] =	ssyncadd.s32 $0xFFFFE000  }
0x203: {  	s24 =	simm.s32 $0x343;
	v17 =	vld [tilespmem:s22+$0x70]  }
0x204: {  	v16 =	vld.msk [tilespmem:s24+$0x0 ss:$0x0], $0xffff  }
0x205: {  	v19 =	vld.msk [tilespmem:s24+$0xFFFFFFFF ss:$0x0], $0xffff  }
0x206: {  	v24 =	vld.msk [tilespmem:s24+$0xFFFFFFFE ss:$0x0], $0xffff  }
0x207: {  	v23 =	vld.msk [tilespmem:s24+$0xFFFFFFFD ss:$0x0], $0xffff  }
0x208: {  	v21 =	vld [tilespmem:s22+$0xF0]  }
0x209: {  	v18 =	vld [tilespmem:s22+$0xA0]  }
0x20a: {  	v25 =	vld [tilespmem:s22+$0xD0];
	v22 =	vmul.f32 v16, v15;
	v26 =	vmul.f32 v16, v1  }
0x20b: {  	v20 =	vld [tilespmem:s22+$0x80];
	v27 =	vmul.f32 v19, v15;
	v29 =	vmul.f32 v16, v12  }
0x20c: {  	v31 =	vld [tilespmem:s22+$0xFFFFFF00];
	v32 =	vmul.f32 v24, v15;
	v58 =	vmul.f32 v23, v0  }
0x20d: {  	v56 =	vld [tilespmem:s22+$0xFFFFFF30];
	v28 =	vmul.f32 v16, v9;
	v60 =	vmul.f32 v23, v15  }
0x20e: {  	v59 =	vld [tilespmem:s22+$0x90];
	v30 =	vmul.f32 v16, v6;
	v33 =	vmul.f32 v16, v2  }
0x20f: {  	v38 =	vld [tilespmem:s22+$0xFFFFFF10];
	v63 =	vmul.f32 v23, v6;
	v57 =	vadd.f32 v26, v5;
	v26 =	vadd.f32 v27, v13  }
0x210: {  	v36 =	vld [tilespmem:s22+$0xFFFFFF70];
	v27 =	vadd.f32 v29, v14;
	v29 =	vmul.f32 v23, v1;
	v61 =	vadd.f32 v58, v4  }
0x211: {  	v35 =	vld [tilespmem:s22+$0x20];
	v40 =	vmul.f32 v19, v3;
	v34 =	vmul.f32 v19, v12;
	v62 =	vadd.f32 v60, v13  }
0x212: {  	v22 =	vadd.f32 v22, v13;
	v43 =	vadd.f32 v29, v5;
	v42 =	vmul.f32 v56, v61;
	v29 =	vld [tilespmem:s22+$0x0]  }
0x213: {  	s29 =	simm.s32 $0xA680;
	s26 =	simm.s32 $0x0;
	v41 =	vadd.f32 v63, v10;
	v39 =	vmul.f32 v62, v31;
	v31 =	vld [tilespmem:s22+$0xFFFFFFD0];
	v37 =	vmul.f32 v57, v59  }
.LBB2_12:
0x214: {  	s26 =	sadd.s32 $0x4, s26;
	v38 =	vmul.f32 v43, v38;
	v43 =	vmul.f32 v19, v1;
	v40 =	vadd.f32 v40, v7;
	v44 =	vld [tilespmem:s22+$0x50];
	s29 =	sadd.s32 $0x200, s29;
	s24 =	sadd.s32 $0x4, s24  }
0x215: {  	v30 =	vadd.f32 v30, v10;
	p0 =	slt.u32 s26, $0x3C;
	[tilespmem:s22+$0xFFFFFF30] =	vst v42;
	v42 =	vld [tilespmem:s22+$0xFFFFFF50];
	v36 =	vmul.f32 v36, v41;
	v41 =	vmul.f32 v19, v6  }
0x216: {  	v45 =	vmul.f32 v24, v2;
	v33 =	vadd.f32 v33, v8;
	[tilespmem:s22+$0xFFFFFF10] =	vst v38;
	v38 =	vld [tilespmem:s22+$0xFFFFFFE0];
	v35 =	vmul.f32 v35, v40  }
0x217: {  	v34 =	vadd.f32 v34, v14;
	v40 =	vmul.f32 v23, v9;
	[tilespmem:s22+$0xFFFFFF00] =	vst v39;
	v39 =	vmul.f32 v23, v3;
	v46 =	vld [tilespmem:s22+$0xFFFFFFA0]  }
0x218: {  	v32 =	vadd.f32 v32, v13;
	v48 =	vmul.f32 v24, v3;
	v49 =	vmul.f32 v24, v6;
	v47 =	vld [tilespmem:s22+$0xFFFFFF20];
	[tilespmem:s22+$0x90] =	vst v37  }
0x219: {  	v50 =	vmul.f32 v24, v12;
	v45 =	vadd.f32 v45, v8;
	v37 =	vmul.f32 v23, v12;
	[tilespmem:s22+$0xFFFFFF70] =	vst v36;
	v36 =	vld [tilespmem:s22+$0xFFFFFF80]  }
0x21a: {  	v51 =	vmul.f32 v19, v9;
	v48 =	vadd.f32 v48, v7;
	v39 =	vadd.f32 v39, v7;
	[tilespmem:s22+$0x20] =	vst v35;
	v35 =	vld [tilespmem:s22+$0x40]  }
0x21b: {  	v53 =	vmul.f32 v24, v9;
	v37 =	vadd.f32 v37, v14;
	v52 =	vld [tilespmem:s22+$0xFFFFFF90];
	v38 =	vmul.f32 v38, v45  }
0x21c: {  	v50 =	vadd.f32 v50, v14;
	v45 =	vmul.f32 v24, v1;
	v46 =	vmul.f32 v46, v48;
	v48 =	vld [tilespmem:s22+$0xFFFFFFC0]  }
0x21d: {  	v37 =	vmul.f32 v42, v37;
	v39 =	vmul.f32 v47, v39;
	v42 =	vld [tilespmem:s22+$0xFFFFFFB0];
	v47 =	vadd.f32 v51, v11  }
0x21e: {  	v24 =	vmul.f32 v24, v0;
	v32 =	vmul.f32 v32, v36;
	v36 =	vadd.f32 v45, v5;
	[tilespmem:s22+$0xFFFFFFA0] =	vst v46;
	v45 =	vld [tilespmem:s22+$0xC0]  }
0x21f: {  	v34 =	vmul.f32 v44, v34;
	[tilespmem:s22+$0xFFFFFF50] =	vst v37;
	v37 =	vadd.f32 v53, v11;
	v46 =	vld [tilespmem:s22+$0x10];
	v35 =	vmul.f32 v35, v47  }
0x220: {  	v24 =	vadd.f32 v24, v4;
	[tilespmem:s22+$0xFFFFFF20] =	vst v39;
	v36 =	vmul.f32 v36, v52;
	v39 =	vmul.f32 v19, v2;
	v44 =	vld [tilespmem:s22+$0xE0]  }
0x221: {  	v28 =	vadd.f32 v28, v11;
	v31 =	vmul.f32 v31, v50;
	v37 =	vmul.f32 v48, v37;
	[tilespmem:s22+$0x50] =	vst v34;
	v34 =	vld [tilespmem:s22+$0x60]  }
0x222: {  	v47 =	vld [tilespmem:s22+$0xFFFFFF60];
	[tilespmem:s22+$0xFFFFFF80] =	vst v32;
	v42 =	vmul.f32 v42, v24;
	v24 =	vmul.f32 v26, v29;
	v26 =	vadd.f32 v43, v5  }
0x223: {  	v23 =	vmul.f32 v23, v2;
	v29 =	vld [tilespmem:s22+$0xFFFFFF40];
	[tilespmem:s22+$0xFFFFFFD0] =	vst v31;
	v31 =	vadd.f32 v41, v10;
	v28 =	vmul.f32 v45, v28  }
0x224: {  	v25 =	vmul.f32 v25, v27;
	v32 =	vadd.f32 v39, v8;
	[tilespmem:s22+$0xFFFFFFE0] =	vst v38;
	v41 =	vmul.f32 v26, v46;
	v26 =	vld [tilespmem:s22+$0x30]  }
0x225: {  	v27 =	vmul.f32 v16, v3;
	v23 =	vadd.f32 v23, v8;
	v19 =	vmul.f32 v19, v0;
	v38 =	vld [tilespmem:s22+$0xB0];
	[tilespmem:s22+$0xC0] =	vst v28  }
0x226: {  	v16 =	vmul.f32 v16, v0;
	v28 =	vadd.f32 v40, v11;
	[tilespmem:s22+$0xFFFFFFC0] =	vst v37;
	v37 =	vld [tilespmem:s22+$0xFFFFFFF0];
	v34 =	vmul.f32 v34, v32  }
0x227: {  	v19 =	vadd.f32 v19, v4;
	v32 =	vld [tilespmem:s29+$0x70];
	v39 =	vmul.f32 v47, v23;
	v23 =	vadd.f32 v27, v7;
	[tilespmem:s22+$0xD0] =	vst v25  }
0x228: {  	v25 =	vld [tilespmem:s29+$0xF0];
	v27 =	vmul.f32 v29, v28;
	[tilespmem:s22+$0x40] =	vst v35;
	v28 =	vadd.f32 v16, v4;
	v29 =	vmul.f32 v44, v33  }
0x229: {  	v33 =	vadd.f32 v49, v10;
	v16 =	vld.msk [tilespmem:s24+$0x0 ss:$0x0], $0xffff;
	[tilespmem:s22+$0x0] =	vst v24;
	v44 =	vmul.f32 v26, v19;
	v35 =	vmul.f32 v18, v23  }
0x22a: {  	v18 =	vmul.f32 v21, v30;
	v19 =	vld.msk [tilespmem:s24+$0xFFFFFFFF ss:$0x0], $0xffff;
	v45 =	vmul.f32 v38, v28;
	[tilespmem:s22+$0xE0] =	vst v29  }
0x22b: {  	v24 =	vld.msk [tilespmem:s24+$0xFFFFFFFE ss:$0x0], $0xffff;
	[tilespmem:s22+$0xFFFFFF40] =	vst v27;
	v26 =	vmul.f32 v37, v33;
	v27 =	vmul.f32 v17, v31  }
0x22c: {  	v20 =	vmul.f32 v22, v20;
	v23 =	vld.msk [tilespmem:s24+$0xFFFFFFFD ss:$0x0], $0xffff;
	[tilespmem:s22+$0xF0] =	vst v18;
	v17 =	vmov v32  }
0x22d: {  	v18 =	vld [tilespmem:s29+$0xA0];
	[tilespmem:s22+$0x70] =	vst v27;
	v21 =	vmov v25  }
0x22e: {  	v25 =	vld [tilespmem:s29+$0xD0];
	[tilespmem:s22+$0x80] =	vst v20  }
0x22f: {  	v22 =	vmul.f32 v16, v15;
	v27 =	vmul.f32 v16, v1;
	v20 =	vld [tilespmem:s29+$0x80];
	[tilespmem:s22+$0xFFFFFFF0] =	vst v26  }
0x230: {  	v29 =	vmul.f32 v16, v12;
	v26 =	vmul.f32 v19, v15;
	v31 =	vld [tilespmem:s29+$0xFFFFFF00];
	[tilespmem:s22+$0xFFFFFF60] =	vst v39  }
0x231: {  	v32 =	vmul.f32 v24, v15;
	v22 =	vadd.f32 v22, v13;
	v46 =	vadd.f32 v27, v5;
	v37 =	vld [tilespmem:s29+$0xFFFFFF30];
	[tilespmem:s22+$0xFFFFFF90] =	vst v36  }
0x232: {  	v28 =	vmul.f32 v16, v9;
	v33 =	vmul.f32 v23, v0;
	v26 =	vadd.f32 v26, v13;
	v47 =	vld [tilespmem:s29+$0x90];
	[tilespmem:s22+$0xA0] =	vst v35  }
.Ltmp5:
0x233: {  	v30 =	vmul.f32 v16, v6;
	v27 =	vadd.f32 v29, v14;
	v35 =	vmul.f32 v23, v15;
	v38 =	vld [tilespmem:s29+$0xFFFFFF10];
	[tilespmem:s22+$0xFFFFFFB0] =	vst v42;
	(pc) =	sbr.rel @p0 .LBB2_12-.Ltmp5, $4  }
0x234: {  	v29 =	vmul.f32 v23, v1;
	v39 =	vadd.f32 v33, v4;
	v33 =	vmul.f32 v16, v2;
	v36 =	vld [tilespmem:s29+$0xFFFFFF70];
	[tilespmem:s22+$0x60] =	vst v34  }
0x235: {  	v40 =	vmul.f32 v19, v3;
	v49 =	vmul.f32 v23, v6;
	v48 =	vadd.f32 v35, v13;
	v35 =	vld [tilespmem:s29+$0x20];
	[tilespmem:s22+$0x10] =	vst v41  }
0x236: {  	v43 =	vadd.f32 v29, v5;
	v34 =	vmul.f32 v19, v12;
	v42 =	vmul.f32 v37, v39;
	v29 =	vld [tilespmem:s29+$0x0];
	[tilespmem:s22+$0x30] =	vst v44  }
0x237: {  	v41 =	vadd.f32 v49, v10;
	v39 =	vmul.f32 v48, v31;
	v31 =	vld [tilespmem:s29+$0xFFFFFFD0];
	v37 =	vmul.f32 v46, v47;
	[tilespmem:s22+$0xB0] =	vst v45;
	s22 =	smov.u32 s29  }
0x238: {  	[tilespmem:s22+$0xFFFFFF30] =	vst v42  }
0x239: {  	v38 =	vmul.f32 v43, v38;
	[tilespmem:s22+$0xFFFFFF00] =	vst v39  }
0x23a: {  	v25 =	vmul.f32 v25, v27;
	[tilespmem:s22+$0x90] =	vst v37  }
0x23b: {  	v40 =	vadd.f32 v40, v7;
	v55 =	vmul.f32 v24, v12;
	v20 =	vmul.f32 v22, v20;
	[tilespmem:s22+$0xFFFFFF10] =	vst v38  }
0x23c: {  	v49 =	vld [tilespmem:s22+$0xFFFFFFA0];
	v36 =	vmul.f32 v36, v41;
	[tilespmem:s22+$0xD0] =	vst v25  }
0x23d: {  	v48 =	vld [tilespmem:s22+$0xFFFFFF50];
	v50 =	vmul.f32 v24, v3;
	v35 =	vmul.f32 v35, v40;
	v41 =	vadd.f32 v55, v14;
	[tilespmem:s22+$0x80] =	vst v20  }
0x23e: {  	v45 =	vld [tilespmem:s22+$0xFFFFFF20];
	v46 =	vmul.f32 v23, v12;
	v25 =	vadd.f32 v30, v10;
	[tilespmem:s22+$0xFFFFFF70] =	vst v36;
	v26 =	vmul.f32 v26, v29  }
0x23f: {  	v63 =	vld [tilespmem:s22+$0x50];
	v51 =	vmul.f32 v23, v3;
	v39 =	vadd.f32 v50, v7;
	[tilespmem:s22+$0x20] =	vst v35;
	v31 =	vmul.f32 v31, v41  }
0x240: {  	v47 =	vld [tilespmem:s22+$0xFFFFFF80];
	v52 =	vadd.f32 v46, v14;
	v21 =	vmul.f32 v21, v25;
	[tilespmem:s22+$0x0] =	vst v26  }
0x241: {  	v44 =	vld [tilespmem:s22+$0xFFFFFFE0];
	v53 =	vadd.f32 v51, v7;
	v38 =	vmul.f32 v49, v39;
	[tilespmem:s22+$0xFFFFFFD0] =	vst v31  }
0x242: {  	v34 =	vadd.f32 v34, v14;
	v58 =	vmul.f32 v24, v2;
	v59 =	vld [tilespmem:s22+$0xC0];
	v56 =	vmul.f32 v48, v52;
	[tilespmem:s22+$0xF0] =	vst v21  }
0x243: {  	v57 =	vld [tilespmem:s22+$0xFFFFFFB0];
	v32 =	vadd.f32 v32, v13;
	v62 =	vmul.f32 v24, v9;
	v36 =	vmul.f32 v45, v53;
	[tilespmem:s22+$0xFFFFFFA0] =	vst v38  }
0x244: {  	v54 =	vld [tilespmem:s22+$0xFFFFFFC0];
	v22 =	vmul.f32 v24, v0;
	v61 =	vadd.f32 v58, v8;
	v34 =	vmul.f32 v63, v34;
	[tilespmem:s22+$0xFFFFFF50] =	vst v56  }
0x245: {  	v60 =	vld [tilespmem:s22+$0x40];
	v28 =	vadd.f32 v28, v11;
	v27 =	vadd.f32 v33, v8;
	v32 =	vmul.f32 v32, v47;
	[tilespmem:s22+$0xFFFFFF20] =	vst v36  }
0x246: {  	v46 =	vmul.f32 v19, v9;
	v22 =	vadd.f32 v22, v4;
	v35 =	vmul.f32 v44, v61;
	[tilespmem:s22+$0x50] =	vst v34  }
0x247: {  	v40 =	vld [tilespmem:s22+$0xFFFFFF90];
	v47 =	vadd.f32 v62, v11;
	v28 =	vmul.f32 v59, v28;
	v53 =	vmul.f32 v19, v6;
	[tilespmem:s22+$0xFFFFFF80] =	vst v32  }
0x248: {  	v25 =	vmul.f32 v24, v1;
	v48 =	vld [tilespmem:s22+$0xE0];
	v22 =	vmul.f32 v57, v22;
	v31 =	vadd.f32 v46, v11;
	[tilespmem:s22+$0xFFFFFFE0] =	vst v35  }
0x249: {  	v55 =	vld [tilespmem:s22+$0xFFFFFF60];
	v52 =	vmul.f32 v23, v9;
	v50 =	vmul.f32 v54, v47;
	[tilespmem:s22+$0xC0] =	vst v28;
	v33 =	vadd.f32 v53, v10  }
0x24a: {  	v49 =	vld [tilespmem:s22+$0xFFFFFF40];
	v23 =	vmul.f32 v23, v2;
	v21 =	vadd.f32 v25, v5;
	[tilespmem:s22+$0xFFFFFFB0] =	vst v22;
	v28 =	vmul.f32 v60, v31  }
0x24b: {  	v30 =	vld [tilespmem:s22+$0xFFFFFFF0];
	v20 =	vmul.f32 v19, v1;
	[tilespmem:s22+$0xFFFFFFC0] =	vst v50;
	v17 =	vmul.f32 v17, v33  }
0x24c: {  	v23 =	vadd.f32 v23, v8;
	v31 =	vld [tilespmem:s22+$0x60];
	v21 =	vmul.f32 v21, v40;
	[tilespmem:s22+$0x40] =	vst v28;
	v28 =	vmul.f32 v24, v6  }
0x24d: {  	v29 =	vld [tilespmem:s22+$0x30];
	v54 =	vadd.f32 v52, v11;
	v27 =	vmul.f32 v48, v27;
	[tilespmem:s22+$0x70] =	vst v17;
	v17 =	vmul.f32 v19, v2  }
0x24e: {  	v23 =	vmul.f32 v55, v23;
	[tilespmem:s22+$0xFFFFFF90] =	vst v21;
	v19 =	vmul.f32 v19, v0;
	v26 =	vadd.f32 v28, v10  }
0x24f: {  	v51 =	vld [tilespmem:s22+$0xB0];
	v32 =	vmul.f32 v49, v54;
	[tilespmem:s22+$0xE0] =	vst v27;
	v27 =	vmul.f32 v16, v3;
	v17 =	vadd.f32 v17, v8  }
0x250: {  	v63 =	vld [tilespmem:s22+$0x10];
	[tilespmem:s22+$0xFFFFFF60] =	vst v23;
	v16 =	vmul.f32 v16, v0;
	v19 =	vadd.f32 v19, v4;
	v24 =	vmul.f32 v30, v26  }
0x251: {  	[tilespmem:s22+$0xFFFFFF40] =	vst v32;
	v25 =	vadd.f32 v27, v7;
	v17 =	vmul.f32 v31, v17  }
0x252: {  	v16 =	vadd.f32 v16, v4;
	v19 =	vmul.f32 v29, v19;
	[tilespmem:s22+$0xFFFFFFF0] =	vst v24  }
0x253: {  	v20 =	vadd.f32 v20, v5;
	v18 =	vmul.f32 v18, v25;
	[tilespmem:s22+$0x60] =	vst v17  }
0x254: {  	v16 =	vmul.f32 v51, v16;
	[tilespmem:s22+$0x30] =	vst v19  }
0x255: {  	[tilespmem:s22+$0xA0] =	vst v18;
	v18 =	vmul.f32 v20, v63  }
0x256: {  	[tilespmem:s22+$0xB0] =	vst v16  }
0x257: {  	s26 =	simm.s32 $0xA580;
	[tilespmem:s22+$0x10] =	vst v18  }
0x258: {  	[hbm4b:s13+s5] =	stream.linear.scatter [tilespmem:s26], [sflag:$0x9], $0x2000, $0x38;
	[tilespmem:$0x10580] =	vst v63  }
0x259: {  	_ =	swait.ge [sflag:s4], $0x2000  }
0x25a: {  	[sflag:s4] =	ssyncset.done $0x0  }
0x25b: {  	s22 =	simm.s32 $0xC680;
	[sflag:s4] =	ssyncadd.s32 $0xFFFFE000  }
0x25c: {  	s24 =	simm.s32 $0x383;
	v17 =	vld [tilespmem:s22+$0x70]  }
0x25d: {  	v16 =	vld.msk [tilespmem:s24+$0x0 ss:$0x0], $0xffff  }
0x25e: {  	v19 =	vld.msk [tilespmem:s24+$0xFFFFFFFF ss:$0x0], $0xffff  }
0x25f: {  	v24 =	vld.msk [tilespmem:s24+$0xFFFFFFFE ss:$0x0], $0xffff  }
0x260: {  	v23 =	vld.msk [tilespmem:s24+$0xFFFFFFFD ss:$0x0], $0xffff  }
0x261: {  	v21 =	vld [tilespmem:s22+$0xF0]  }
0x262: {  	v18 =	vld [tilespmem:s22+$0xA0]  }
0x263: {  	v25 =	vld [tilespmem:s22+$0xD0];
	v22 =	vmul.f32 v16, v15;
	v26 =	vmul.f32 v16, v1  }
0x264: {  	v20 =	vld [tilespmem:s22+$0x80];
	v27 =	vmul.f32 v19, v15;
	v29 =	vmul.f32 v16, v12  }
0x265: {  	v31 =	vld [tilespmem:s22+$0xFFFFFF00];
	v32 =	vmul.f32 v24, v15;
	v58 =	vmul.f32 v23, v0  }
0x266: {  	v56 =	vld [tilespmem:s22+$0xFFFFFF30];
	v28 =	vmul.f32 v16, v9;
	v60 =	vmul.f32 v23, v15  }
0x267: {  	v59 =	vld [tilespmem:s22+$0x90];
	v30 =	vmul.f32 v16, v6;
	v33 =	vmul.f32 v16, v2  }
0x268: {  	v38 =	vld [tilespmem:s22+$0xFFFFFF10];
	v63 =	vmul.f32 v23, v6;
	v57 =	vadd.f32 v26, v5;
	v26 =	vadd.f32 v27, v13  }
0x269: {  	v36 =	vld [tilespmem:s22+$0xFFFFFF70];
	v27 =	vadd.f32 v29, v14;
	v29 =	vmul.f32 v23, v1;
	v61 =	vadd.f32 v58, v4  }
0x26a: {  	v35 =	vld [tilespmem:s22+$0x20];
	v40 =	vmul.f32 v19, v3;
	v34 =	vmul.f32 v19, v12;
	v62 =	vadd.f32 v60, v13  }
0x26b: {  	v22 =	vadd.f32 v22, v13;
	v43 =	vadd.f32 v29, v5;
	v42 =	vmul.f32 v56, v61;
	v29 =	vld [tilespmem:s22+$0x0]  }
0x26c: {  	s29 =	simm.s32 $0xC680;
	s26 =	simm.s32 $0x0;
	v41 =	vadd.f32 v63, v10;
	v39 =	vmul.f32 v62, v31;
	v31 =	vld [tilespmem:s22+$0xFFFFFFD0];
	v37 =	vmul.f32 v57, v59  }
.LBB2_14:
0x26d: {  	s26 =	sadd.s32 $0x4, s26;
	v38 =	vmul.f32 v43, v38;
	v43 =	vmul.f32 v19, v1;
	v40 =	vadd.f32 v40, v7;
	v44 =	vld [tilespmem:s22+$0x50];
	s29 =	sadd.s32 $0x200, s29;
	s24 =	sadd.s32 $0x4, s24  }
0x26e: {  	v30 =	vadd.f32 v30, v10;
	p0 =	slt.u32 s26, $0x3C;
	[tilespmem:s22+$0xFFFFFF30] =	vst v42;
	v42 =	vld [tilespmem:s22+$0xFFFFFF50];
	v36 =	vmul.f32 v36, v41;
	v41 =	vmul.f32 v19, v6  }
0x26f: {  	v45 =	vmul.f32 v24, v2;
	v33 =	vadd.f32 v33, v8;
	[tilespmem:s22+$0xFFFFFF10] =	vst v38;
	v38 =	vld [tilespmem:s22+$0xFFFFFFE0];
	v35 =	vmul.f32 v35, v40  }
0x270: {  	v34 =	vadd.f32 v34, v14;
	v40 =	vmul.f32 v23, v9;
	[tilespmem:s22+$0xFFFFFF00] =	vst v39;
	v39 =	vmul.f32 v23, v3;
	v46 =	vld [tilespmem:s22+$0xFFFFFFA0]  }
0x271: {  	v32 =	vadd.f32 v32, v13;
	v48 =	vmul.f32 v24, v3;
	v49 =	vmul.f32 v24, v6;
	v47 =	vld [tilespmem:s22+$0xFFFFFF20];
	[tilespmem:s22+$0x90] =	vst v37  }
0x272: {  	v50 =	vmul.f32 v24, v12;
	v45 =	vadd.f32 v45, v8;
	v37 =	vmul.f32 v23, v12;
	[tilespmem:s22+$0xFFFFFF70] =	vst v36;
	v36 =	vld [tilespmem:s22+$0xFFFFFF80]  }
0x273: {  	v51 =	vmul.f32 v19, v9;
	v48 =	vadd.f32 v48, v7;
	v39 =	vadd.f32 v39, v7;
	[tilespmem:s22+$0x20] =	vst v35;
	v35 =	vld [tilespmem:s22+$0x40]  }
0x274: {  	v53 =	vmul.f32 v24, v9;
	v37 =	vadd.f32 v37, v14;
	v52 =	vld [tilespmem:s22+$0xFFFFFF90];
	v38 =	vmul.f32 v38, v45  }
0x275: {  	v50 =	vadd.f32 v50, v14;
	v45 =	vmul.f32 v24, v1;
	v46 =	vmul.f32 v46, v48;
	v48 =	vld [tilespmem:s22+$0xFFFFFFC0]  }
0x276: {  	v37 =	vmul.f32 v42, v37;
	v39 =	vmul.f32 v47, v39;
	v42 =	vld [tilespmem:s22+$0xFFFFFFB0];
	v47 =	vadd.f32 v51, v11  }
0x277: {  	v24 =	vmul.f32 v24, v0;
	v32 =	vmul.f32 v32, v36;
	v36 =	vadd.f32 v45, v5;
	[tilespmem:s22+$0xFFFFFFA0] =	vst v46;
	v45 =	vld [tilespmem:s22+$0xC0]  }
0x278: {  	v34 =	vmul.f32 v44, v34;
	[tilespmem:s22+$0xFFFFFF50] =	vst v37;
	v37 =	vadd.f32 v53, v11;
	v46 =	vld [tilespmem:s22+$0x10];
	v35 =	vmul.f32 v35, v47  }
0x279: {  	v24 =	vadd.f32 v24, v4;
	[tilespmem:s22+$0xFFFFFF20] =	vst v39;
	v36 =	vmul.f32 v36, v52;
	v39 =	vmul.f32 v19, v2;
	v44 =	vld [tilespmem:s22+$0xE0]  }
0x27a: {  	v28 =	vadd.f32 v28, v11;
	v31 =	vmul.f32 v31, v50;
	v37 =	vmul.f32 v48, v37;
	[tilespmem:s22+$0x50] =	vst v34;
	v34 =	vld [tilespmem:s22+$0x60]  }
0x27b: {  	v47 =	vld [tilespmem:s22+$0xFFFFFF60];
	[tilespmem:s22+$0xFFFFFF80] =	vst v32;
	v42 =	vmul.f32 v42, v24;
	v24 =	vmul.f32 v26, v29;
	v26 =	vadd.f32 v43, v5  }
0x27c: {  	v23 =	vmul.f32 v23, v2;
	v29 =	vld [tilespmem:s22+$0xFFFFFF40];
	[tilespmem:s22+$0xFFFFFFD0] =	vst v31;
	v31 =	vadd.f32 v41, v10;
	v28 =	vmul.f32 v45, v28  }
0x27d: {  	v25 =	vmul.f32 v25, v27;
	v32 =	vadd.f32 v39, v8;
	[tilespmem:s22+$0xFFFFFFE0] =	vst v38;
	v41 =	vmul.f32 v26, v46;
	v26 =	vld [tilespmem:s22+$0x30]  }
0x27e: {  	v27 =	vmul.f32 v16, v3;
	v23 =	vadd.f32 v23, v8;
	v19 =	vmul.f32 v19, v0;
	v38 =	vld [tilespmem:s22+$0xB0];
	[tilespmem:s22+$0xC0] =	vst v28  }
0x27f: {  	v16 =	vmul.f32 v16, v0;
	v28 =	vadd.f32 v40, v11;
	[tilespmem:s22+$0xFFFFFFC0] =	vst v37;
	v37 =	vld [tilespmem:s22+$0xFFFFFFF0];
	v34 =	vmul.f32 v34, v32  }
0x280: {  	v19 =	vadd.f32 v19, v4;
	v32 =	vld [tilespmem:s29+$0x70];
	v39 =	vmul.f32 v47, v23;
	v23 =	vadd.f32 v27, v7;
	[tilespmem:s22+$0xD0] =	vst v25  }
0x281: {  	v25 =	vld [tilespmem:s29+$0xF0];
	v27 =	vmul.f32 v29, v28;
	[tilespmem:s22+$0x40] =	vst v35;
	v28 =	vadd.f32 v16, v4;
	v29 =	vmul.f32 v44, v33  }
0x282: {  	v33 =	vadd.f32 v49, v10;
	v16 =	vld.msk [tilespmem:s24+$0x0 ss:$0x0], $0xffff;
	[tilespmem:s22+$0x0] =	vst v24;
	v44 =	vmul.f32 v26, v19;
	v35 =	vmul.f32 v18, v23  }
0x283: {  	v18 =	vmul.f32 v21, v30;
	v19 =	vld.msk [tilespmem:s24+$0xFFFFFFFF ss:$0x0], $0xffff;
	v45 =	vmul.f32 v38, v28;
	[tilespmem:s22+$0xE0] =	vst v29  }
0x284: {  	v24 =	vld.msk [tilespmem:s24+$0xFFFFFFFE ss:$0x0], $0xffff;
	[tilespmem:s22+$0xFFFFFF40] =	vst v27;
	v26 =	vmul.f32 v37, v33;
	v27 =	vmul.f32 v17, v31  }
0x285: {  	v20 =	vmul.f32 v22, v20;
	v23 =	vld.msk [tilespmem:s24+$0xFFFFFFFD ss:$0x0], $0xffff;
	[tilespmem:s22+$0xF0] =	vst v18;
	v17 =	vmov v32  }
0x286: {  	v18 =	vld [tilespmem:s29+$0xA0];
	[tilespmem:s22+$0x70] =	vst v27;
	v21 =	vmov v25  }
0x287: {  	v25 =	vld [tilespmem:s29+$0xD0];
	[tilespmem:s22+$0x80] =	vst v20  }
0x288: {  	v22 =	vmul.f32 v16, v15;
	v27 =	vmul.f32 v16, v1;
	v20 =	vld [tilespmem:s29+$0x80];
	[tilespmem:s22+$0xFFFFFFF0] =	vst v26  }
0x289: {  	v29 =	vmul.f32 v16, v12;
	v26 =	vmul.f32 v19, v15;
	v31 =	vld [tilespmem:s29+$0xFFFFFF00];
	[tilespmem:s22+$0xFFFFFF60] =	vst v39  }
0x28a: {  	v32 =	vmul.f32 v24, v15;
	v22 =	vadd.f32 v22, v13;
	v46 =	vadd.f32 v27, v5;
	v37 =	vld [tilespmem:s29+$0xFFFFFF30];
	[tilespmem:s22+$0xFFFFFF90] =	vst v36  }
0x28b: {  	v28 =	vmul.f32 v16, v9;
	v33 =	vmul.f32 v23, v0;
	v26 =	vadd.f32 v26, v13;
	v47 =	vld [tilespmem:s29+$0x90];
	[tilespmem:s22+$0xA0] =	vst v35  }
.Ltmp6:
0x28c: {  	v30 =	vmul.f32 v16, v6;
	v27 =	vadd.f32 v29, v14;
	v35 =	vmul.f32 v23, v15;
	v38 =	vld [tilespmem:s29+$0xFFFFFF10];
	[tilespmem:s22+$0xFFFFFFB0] =	vst v42;
	(pc) =	sbr.rel @p0 .LBB2_14-.Ltmp6, $4  }
0x28d: {  	v29 =	vmul.f32 v23, v1;
	v39 =	vadd.f32 v33, v4;
	v33 =	vmul.f32 v16, v2;
	v36 =	vld [tilespmem:s29+$0xFFFFFF70];
	[tilespmem:s22+$0x60] =	vst v34  }
0x28e: {  	v40 =	vmul.f32 v19, v3;
	v49 =	vmul.f32 v23, v6;
	v48 =	vadd.f32 v35, v13;
	v35 =	vld [tilespmem:s29+$0x20];
	[tilespmem:s22+$0x10] =	vst v41  }
0x28f: {  	v43 =	vadd.f32 v29, v5;
	v34 =	vmul.f32 v19, v12;
	v42 =	vmul.f32 v37, v39;
	v29 =	vld [tilespmem:s29+$0x0];
	[tilespmem:s22+$0x30] =	vst v44  }
0x290: {  	v41 =	vadd.f32 v49, v10;
	v39 =	vmul.f32 v48, v31;
	v31 =	vld [tilespmem:s29+$0xFFFFFFD0];
	v37 =	vmul.f32 v46, v47;
	[tilespmem:s22+$0xB0] =	vst v45;
	s22 =	smov.u32 s29  }
0x291: {  	[tilespmem:s22+$0xFFFFFF30] =	vst v42  }
0x292: {  	v38 =	vmul.f32 v43, v38;
	[tilespmem:s22+$0xFFFFFF00] =	vst v39  }
0x293: {  	v25 =	vmul.f32 v25, v27;
	[tilespmem:s22+$0x90] =	vst v37  }
0x294: {  	v40 =	vadd.f32 v40, v7;
	v55 =	vmul.f32 v24, v12;
	v20 =	vmul.f32 v22, v20;
	[tilespmem:s22+$0xFFFFFF10] =	vst v38  }
0x295: {  	v49 =	vld [tilespmem:s22+$0xFFFFFFA0];
	v36 =	vmul.f32 v36, v41;
	[tilespmem:s22+$0xD0] =	vst v25  }
0x296: {  	v48 =	vld [tilespmem:s22+$0xFFFFFF50];
	v50 =	vmul.f32 v24, v3;
	v35 =	vmul.f32 v35, v40;
	v41 =	vadd.f32 v55, v14;
	[tilespmem:s22+$0x80] =	vst v20  }
0x297: {  	v45 =	vld [tilespmem:s22+$0xFFFFFF20];
	v46 =	vmul.f32 v23, v12;
	v25 =	vadd.f32 v30, v10;
	[tilespmem:s22+$0xFFFFFF70] =	vst v36;
	v26 =	vmul.f32 v26, v29  }
0x298: {  	v63 =	vld [tilespmem:s22+$0x50];
	v51 =	vmul.f32 v23, v3;
	v39 =	vadd.f32 v50, v7;
	[tilespmem:s22+$0x20] =	vst v35;
	v31 =	vmul.f32 v31, v41  }
0x299: {  	v47 =	vld [tilespmem:s22+$0xFFFFFF80];
	v52 =	vadd.f32 v46, v14;
	v21 =	vmul.f32 v21, v25;
	[tilespmem:s22+$0x0] =	vst v26  }
0x29a: {  	v44 =	vld [tilespmem:s22+$0xFFFFFFE0];
	v53 =	vadd.f32 v51, v7;
	v38 =	vmul.f32 v49, v39;
	[tilespmem:s22+$0xFFFFFFD0] =	vst v31  }
0x29b: {  	v34 =	vadd.f32 v34, v14;
	v58 =	vmul.f32 v24, v2;
	v59 =	vld [tilespmem:s22+$0xC0];
	v56 =	vmul.f32 v48, v52;
	[tilespmem:s22+$0xF0] =	vst v21  }
0x29c: {  	v57 =	vld [tilespmem:s22+$0xFFFFFFB0];
	v32 =	vadd.f32 v32, v13;
	v62 =	vmul.f32 v24, v9;
	v36 =	vmul.f32 v45, v53;
	[tilespmem:s22+$0xFFFFFFA0] =	vst v38  }
0x29d: {  	v54 =	vld [tilespmem:s22+$0xFFFFFFC0];
	v22 =	vmul.f32 v24, v0;
	v61 =	vadd.f32 v58, v8;
	v34 =	vmul.f32 v63, v34;
	[tilespmem:s22+$0xFFFFFF50] =	vst v56  }
0x29e: {  	v60 =	vld [tilespmem:s22+$0x40];
	v28 =	vadd.f32 v28, v11;
	v27 =	vadd.f32 v33, v8;
	v32 =	vmul.f32 v32, v47;
	[tilespmem:s22+$0xFFFFFF20] =	vst v36  }
0x29f: {  	v46 =	vmul.f32 v19, v9;
	v22 =	vadd.f32 v22, v4;
	v35 =	vmul.f32 v44, v61;
	[tilespmem:s22+$0x50] =	vst v34  }
0x2a0: {  	v40 =	vld [tilespmem:s22+$0xFFFFFF90];
	v47 =	vadd.f32 v62, v11;
	v28 =	vmul.f32 v59, v28;
	v53 =	vmul.f32 v19, v6;
	[tilespmem:s22+$0xFFFFFF80] =	vst v32  }
0x2a1: {  	v25 =	vmul.f32 v24, v1;
	v48 =	vld [tilespmem:s22+$0xE0];
	v22 =	vmul.f32 v57, v22;
	v31 =	vadd.f32 v46, v11;
	[tilespmem:s22+$0xFFFFFFE0] =	vst v35  }
0x2a2: {  	v55 =	vld [tilespmem:s22+$0xFFFFFF60];
	v52 =	vmul.f32 v23, v9;
	v50 =	vmul.f32 v54, v47;
	[tilespmem:s22+$0xC0] =	vst v28;
	v33 =	vadd.f32 v53, v10  }
0x2a3: {  	v49 =	vld [tilespmem:s22+$0xFFFFFF40];
	v23 =	vmul.f32 v23, v2;
	v21 =	vadd.f32 v25, v5;
	[tilespmem:s22+$0xFFFFFFB0] =	vst v22;
	v28 =	vmul.f32 v60, v31  }
0x2a4: {  	v30 =	vld [tilespmem:s22+$0xFFFFFFF0];
	v20 =	vmul.f32 v19, v1;
	[tilespmem:s22+$0xFFFFFFC0] =	vst v50;
	v17 =	vmul.f32 v17, v33  }
0x2a5: {  	v23 =	vadd.f32 v23, v8;
	v31 =	vld [tilespmem:s22+$0x60];
	v21 =	vmul.f32 v21, v40;
	[tilespmem:s22+$0x40] =	vst v28;
	v28 =	vmul.f32 v24, v6  }
0x2a6: {  	v29 =	vld [tilespmem:s22+$0x30];
	v54 =	vadd.f32 v52, v11;
	v27 =	vmul.f32 v48, v27;
	[tilespmem:s22+$0x70] =	vst v17;
	v17 =	vmul.f32 v19, v2  }
0x2a7: {  	v23 =	vmul.f32 v55, v23;
	[tilespmem:s22+$0xFFFFFF90] =	vst v21;
	v19 =	vmul.f32 v19, v0;
	v26 =	vadd.f32 v28, v10  }
0x2a8: {  	v51 =	vld [tilespmem:s22+$0xB0];
	v32 =	vmul.f32 v49, v54;
	[tilespmem:s22+$0xE0] =	vst v27;
	v27 =	vmul.f32 v16, v3;
	v17 =	vadd.f32 v17, v8  }
0x2a9: {  	v63 =	vld [tilespmem:s22+$0x10];
	[tilespmem:s22+$0xFFFFFF60] =	vst v23;
	v16 =	vmul.f32 v16, v0;
	v19 =	vadd.f32 v19, v4;
	v24 =	vmul.f32 v30, v26  }
0x2aa: {  	[tilespmem:s22+$0xFFFFFF40] =	vst v32;
	v25 =	vadd.f32 v27, v7;
	v17 =	vmul.f32 v31, v17  }
0x2ab: {  	v16 =	vadd.f32 v16, v4;
	v19 =	vmul.f32 v29, v19;
	[tilespmem:s22+$0xFFFFFFF0] =	vst v24  }
0x2ac: {  	v20 =	vadd.f32 v20, v5;
	v18 =	vmul.f32 v18, v25;
	[tilespmem:s22+$0x60] =	vst v17  }
0x2ad: {  	v16 =	vmul.f32 v51, v16;
	[tilespmem:s22+$0x30] =	vst v19  }
0x2ae: {  	[tilespmem:s22+$0xA0] =	vst v18;
	v18 =	vmul.f32 v20, v63  }
0x2af: {  	[tilespmem:s22+$0xB0] =	vst v16  }
0x2b0: {  	[tilespmem:s22+$0x10] =	vst v18  }
0x2b1: {  	[hbm4b:s14+s5] =	stream.linear.scatter [tilespmem:s31], [sflag:$0x9], $0x2000, $0x38;
	[tilespmem:$0x10580] =	vst v63  }
0x2b2: {  	_ =	swait.ge [sflag:s21], $0x2000  }
0x2b3: {  	[sflag:s21] =	ssyncset.done $0x0  }
0x2b4: {  	s22 =	simm.s32 $0xE680;
	[sflag:s21] =	ssyncadd.s32 $0xFFFFE000  }
0x2b5: {  	s24 =	simm.s32 $0x3C3;
	v17 =	vld [tilespmem:s22+$0x70]  }
0x2b6: {  	v16 =	vld.msk [tilespmem:s24+$0x0 ss:$0x0], $0xffff  }
0x2b7: {  	v19 =	vld.msk [tilespmem:s24+$0xFFFFFFFF ss:$0x0], $0xffff  }
0x2b8: {  	v24 =	vld.msk [tilespmem:s24+$0xFFFFFFFE ss:$0x0], $0xffff  }
0x2b9: {  	v23 =	vld.msk [tilespmem:s24+$0xFFFFFFFD ss:$0x0], $0xffff  }
0x2ba: {  	v21 =	vld [tilespmem:s22+$0xF0]  }
0x2bb: {  	v18 =	vld [tilespmem:s22+$0xA0]  }
0x2bc: {  	v25 =	vld [tilespmem:s22+$0xD0];
	v22 =	vmul.f32 v16, v15;
	v26 =	vmul.f32 v16, v1  }
0x2bd: {  	v20 =	vld [tilespmem:s22+$0x80];
	v27 =	vmul.f32 v19, v15;
	v29 =	vmul.f32 v16, v12  }
0x2be: {  	v31 =	vld [tilespmem:s22+$0xFFFFFF00];
	v32 =	vmul.f32 v24, v15;
	v58 =	vmul.f32 v23, v0  }
0x2bf: {  	v56 =	vld [tilespmem:s22+$0xFFFFFF30];
	v28 =	vmul.f32 v16, v9;
	v60 =	vmul.f32 v23, v15  }
0x2c0: {  	v59 =	vld [tilespmem:s22+$0x90];
	v30 =	vmul.f32 v16, v6;
	v33 =	vmul.f32 v16, v2  }
0x2c1: {  	v38 =	vld [tilespmem:s22+$0xFFFFFF10];
	v63 =	vmul.f32 v23, v6;
	v57 =	vadd.f32 v26, v5;
	v26 =	vadd.f32 v27, v13  }
0x2c2: {  	v36 =	vld [tilespmem:s22+$0xFFFFFF70];
	v27 =	vadd.f32 v29, v14;
	v29 =	vmul.f32 v23, v1;
	v61 =	vadd.f32 v58, v4  }
0x2c3: {  	v35 =	vld [tilespmem:s22+$0x20];
	v40 =	vmul.f32 v19, v3;
	v34 =	vmul.f32 v19, v12;
	v62 =	vadd.f32 v60, v13  }
0x2c4: {  	v22 =	vadd.f32 v22, v13;
	v43 =	vadd.f32 v29, v5;
	v42 =	vmul.f32 v56, v61;
	v29 =	vld [tilespmem:s22+$0x0]  }
0x2c5: {  	s26 =	simm.s32 $0x0;
	s29 =	simm.s32 $0xE680;
	v41 =	vadd.f32 v63, v10;
	v39 =	vmul.f32 v62, v31;
	v31 =	vld [tilespmem:s22+$0xFFFFFFD0];
	v37 =	vmul.f32 v57, v59  }
.LBB2_16:
0x2c6: {  	s26 =	sadd.s32 $0x4, s26;
	v38 =	vmul.f32 v43, v38;
	v43 =	vmul.f32 v19, v1;
	v40 =	vadd.f32 v40, v7;
	v44 =	vld [tilespmem:s22+$0x50];
	s29 =	sadd.s32 $0x200, s29;
	s24 =	sadd.s32 $0x4, s24  }
0x2c7: {  	v30 =	vadd.f32 v30, v10;
	p0 =	slt.u32 s26, $0x3C;
	[tilespmem:s22+$0xFFFFFF30] =	vst v42;
	v42 =	vld [tilespmem:s22+$0xFFFFFF50];
	v36 =	vmul.f32 v36, v41;
	v41 =	vmul.f32 v19, v6  }
0x2c8: {  	v45 =	vmul.f32 v24, v2;
	v33 =	vadd.f32 v33, v8;
	[tilespmem:s22+$0xFFFFFF10] =	vst v38;
	v38 =	vld [tilespmem:s22+$0xFFFFFFE0];
	v35 =	vmul.f32 v35, v40  }
0x2c9: {  	v34 =	vadd.f32 v34, v14;
	v40 =	vmul.f32 v23, v9;
	[tilespmem:s22+$0xFFFFFF00] =	vst v39;
	v39 =	vmul.f32 v23, v3;
	v46 =	vld [tilespmem:s22+$0xFFFFFFA0]  }
0x2ca: {  	v32 =	vadd.f32 v32, v13;
	v48 =	vmul.f32 v24, v3;
	v49 =	vmul.f32 v24, v6;
	v47 =	vld [tilespmem:s22+$0xFFFFFF20];
	[tilespmem:s22+$0x90] =	vst v37  }
0x2cb: {  	v50 =	vmul.f32 v24, v12;
	v45 =	vadd.f32 v45, v8;
	v37 =	vmul.f32 v23, v12;
	[tilespmem:s22+$0xFFFFFF70] =	vst v36;
	v36 =	vld [tilespmem:s22+$0xFFFFFF80]  }
0x2cc: {  	v51 =	vmul.f32 v19, v9;
	v48 =	vadd.f32 v48, v7;
	v39 =	vadd.f32 v39, v7;
	[tilespmem:s22+$0x20] =	vst v35;
	v35 =	vld [tilespmem:s22+$0x40]  }
0x2cd: {  	v53 =	vmul.f32 v24, v9;
	v37 =	vadd.f32 v37, v14;
	v52 =	vld [tilespmem:s22+$0xFFFFFF90];
	v38 =	vmul.f32 v38, v45  }
0x2ce: {  	v50 =	vadd.f32 v50, v14;
	v45 =	vmul.f32 v24, v1;
	v46 =	vmul.f32 v46, v48;
	v48 =	vld [tilespmem:s22+$0xFFFFFFC0]  }
0x2cf: {  	v37 =	vmul.f32 v42, v37;
	v39 =	vmul.f32 v47, v39;
	v42 =	vld [tilespmem:s22+$0xFFFFFFB0];
	v47 =	vadd.f32 v51, v11  }
0x2d0: {  	v24 =	vmul.f32 v24, v0;
	v32 =	vmul.f32 v32, v36;
	v36 =	vadd.f32 v45, v5;
	[tilespmem:s22+$0xFFFFFFA0] =	vst v46;
	v45 =	vld [tilespmem:s22+$0xC0]  }
0x2d1: {  	v34 =	vmul.f32 v44, v34;
	[tilespmem:s22+$0xFFFFFF50] =	vst v37;
	v37 =	vadd.f32 v53, v11;
	v46 =	vld [tilespmem:s22+$0x10];
	v35 =	vmul.f32 v35, v47  }
0x2d2: {  	v24 =	vadd.f32 v24, v4;
	[tilespmem:s22+$0xFFFFFF20] =	vst v39;
	v36 =	vmul.f32 v36, v52;
	v39 =	vmul.f32 v19, v2;
	v44 =	vld [tilespmem:s22+$0xE0]  }
0x2d3: {  	v28 =	vadd.f32 v28, v11;
	v31 =	vmul.f32 v31, v50;
	v37 =	vmul.f32 v48, v37;
	[tilespmem:s22+$0x50] =	vst v34;
	v34 =	vld [tilespmem:s22+$0x60]  }
0x2d4: {  	v47 =	vld [tilespmem:s22+$0xFFFFFF60];
	[tilespmem:s22+$0xFFFFFF80] =	vst v32;
	v42 =	vmul.f32 v42, v24;
	v24 =	vmul.f32 v26, v29;
	v26 =	vadd.f32 v43, v5  }
0x2d5: {  	v23 =	vmul.f32 v23, v2;
	v29 =	vld [tilespmem:s22+$0xFFFFFF40];
	[tilespmem:s22+$0xFFFFFFD0] =	vst v31;
	v31 =	vadd.f32 v41, v10;
	v28 =	vmul.f32 v45, v28  }
0x2d6: {  	v25 =	vmul.f32 v25, v27;
	v32 =	vadd.f32 v39, v8;
	[tilespmem:s22+$0xFFFFFFE0] =	vst v38;
	v41 =	vmul.f32 v26, v46;
	v26 =	vld [tilespmem:s22+$0x30]  }
0x2d7: {  	v27 =	vmul.f32 v16, v3;
	v23 =	vadd.f32 v23, v8;
	v19 =	vmul.f32 v19, v0;
	v38 =	vld [tilespmem:s22+$0xB0];
	[tilespmem:s22+$0xC0] =	vst v28  }
0x2d8: {  	v16 =	vmul.f32 v16, v0;
	v28 =	vadd.f32 v40, v11;
	[tilespmem:s22+$0xFFFFFFC0] =	vst v37;
	v37 =	vld [tilespmem:s22+$0xFFFFFFF0];
	v34 =	vmul.f32 v34, v32  }
0x2d9: {  	v19 =	vadd.f32 v19, v4;
	v32 =	vld [tilespmem:s29+$0x70];
	v39 =	vmul.f32 v47, v23;
	v23 =	vadd.f32 v27, v7;
	[tilespmem:s22+$0xD0] =	vst v25  }
0x2da: {  	v25 =	vld [tilespmem:s29+$0xF0];
	v27 =	vmul.f32 v29, v28;
	[tilespmem:s22+$0x40] =	vst v35;
	v28 =	vadd.f32 v16, v4;
	v29 =	vmul.f32 v44, v33  }
0x2db: {  	v33 =	vadd.f32 v49, v10;
	v16 =	vld.msk [tilespmem:s24+$0x0 ss:$0x0], $0xffff;
	[tilespmem:s22+$0x0] =	vst v24;
	v44 =	vmul.f32 v26, v19;
	v35 =	vmul.f32 v18, v23  }
0x2dc: {  	v18 =	vmul.f32 v21, v30;
	v19 =	vld.msk [tilespmem:s24+$0xFFFFFFFF ss:$0x0], $0xffff;
	v45 =	vmul.f32 v38, v28;
	[tilespmem:s22+$0xE0] =	vst v29  }
0x2dd: {  	v24 =	vld.msk [tilespmem:s24+$0xFFFFFFFE ss:$0x0], $0xffff;
	[tilespmem:s22+$0xFFFFFF40] =	vst v27;
	v26 =	vmul.f32 v37, v33;
	v27 =	vmul.f32 v17, v31  }
0x2de: {  	v20 =	vmul.f32 v22, v20;
	v23 =	vld.msk [tilespmem:s24+$0xFFFFFFFD ss:$0x0], $0xffff;
	[tilespmem:s22+$0xF0] =	vst v18;
	v17 =	vmov v32  }
0x2df: {  	v18 =	vld [tilespmem:s29+$0xA0];
	[tilespmem:s22+$0x70] =	vst v27;
	v21 =	vmov v25  }
0x2e0: {  	v25 =	vld [tilespmem:s29+$0xD0];
	[tilespmem:s22+$0x80] =	vst v20  }
0x2e1: {  	v22 =	vmul.f32 v16, v15;
	v27 =	vmul.f32 v16, v1;
	v20 =	vld [tilespmem:s29+$0x80];
	[tilespmem:s22+$0xFFFFFFF0] =	vst v26  }
0x2e2: {  	v29 =	vmul.f32 v16, v12;
	v26 =	vmul.f32 v19, v15;
	v31 =	vld [tilespmem:s29+$0xFFFFFF00];
	[tilespmem:s22+$0xFFFFFF60] =	vst v39  }
0x2e3: {  	v32 =	vmul.f32 v24, v15;
	v22 =	vadd.f32 v22, v13;
	v46 =	vadd.f32 v27, v5;
	v37 =	vld [tilespmem:s29+$0xFFFFFF30];
	[tilespmem:s22+$0xFFFFFF90] =	vst v36  }
0x2e4: {  	v28 =	vmul.f32 v16, v9;
	v33 =	vmul.f32 v23, v0;
	v26 =	vadd.f32 v26, v13;
	v47 =	vld [tilespmem:s29+$0x90];
	[tilespmem:s22+$0xA0] =	vst v35  }
.Ltmp7:
0x2e5: {  	v30 =	vmul.f32 v16, v6;
	v27 =	vadd.f32 v29, v14;
	v35 =	vmul.f32 v23, v15;
	v38 =	vld [tilespmem:s29+$0xFFFFFF10];
	[tilespmem:s22+$0xFFFFFFB0] =	vst v42;
	(pc) =	sbr.rel @p0 .LBB2_16-.Ltmp7, $4  }
0x2e6: {  	v29 =	vmul.f32 v23, v1;
	v39 =	vadd.f32 v33, v4;
	v33 =	vmul.f32 v16, v2;
	v36 =	vld [tilespmem:s29+$0xFFFFFF70];
	[tilespmem:s22+$0x60] =	vst v34  }
0x2e7: {  	v40 =	vmul.f32 v19, v3;
	v49 =	vmul.f32 v23, v6;
	v48 =	vadd.f32 v35, v13;
	v35 =	vld [tilespmem:s29+$0x20];
	[tilespmem:s22+$0x10] =	vst v41  }
0x2e8: {  	v43 =	vadd.f32 v29, v5;
	v34 =	vmul.f32 v19, v12;
	v42 =	vmul.f32 v37, v39;
	v29 =	vld [tilespmem:s29+$0x0];
	[tilespmem:s22+$0x30] =	vst v44  }
0x2e9: {  	v41 =	vadd.f32 v49, v10;
	v39 =	vmul.f32 v48, v31;
	v31 =	vld [tilespmem:s29+$0xFFFFFFD0];
	v37 =	vmul.f32 v46, v47;
	[tilespmem:s22+$0xB0] =	vst v45;
	s22 =	smov.u32 s29  }
0x2ea: {  	[tilespmem:s22+$0xFFFFFF30] =	vst v42  }
0x2eb: {  	v15 =	vmul.f32 v43, v38;
	v57 =	vld [tilespmem:s22+$0xFFFFFFA0];
	[tilespmem:s22+$0xFFFFFF00] =	vst v39  }
0x2ec: {  	v56 =	vld [tilespmem:s22+$0xFFFFFF50];
	v59 =	vmul.f32 v24, v3;
	v40 =	vadd.f32 v40, v7;
	v25 =	vmul.f32 v25, v27;
	[tilespmem:s22+$0x90] =	vst v37  }
0x2ed: {  	v44 =	vld [tilespmem:s22+$0xFFFFFF20];
	v45 =	vmul.f32 v23, v12;
	v36 =	vmul.f32 v36, v41;
	[tilespmem:s22+$0xFFFFFF10] =	vst v15  }
0x2ee: {  	v55 =	vld [tilespmem:s22+$0x50];
	v60 =	vmul.f32 v23, v3;
	v39 =	vadd.f32 v59, v7;
	v35 =	vmul.f32 v35, v40;
	[tilespmem:s22+$0xD0] =	vst v25  }
0x2ef: {  	v46 =	vld [tilespmem:s22+$0xFFFFFF80];
	v61 =	vadd.f32 v45, v14;
	[tilespmem:s22+$0xFFFFFF70] =	vst v36;
	v26 =	vmul.f32 v26, v29  }
0x2f0: {  	v58 =	vld [tilespmem:s22+$0xFFFFFFE0];
	v62 =	vadd.f32 v60, v7;
	[tilespmem:s22+$0x20] =	vst v35;
	v15 =	vmul.f32 v57, v39  }
0x2f1: {  	v34 =	vadd.f32 v34, v14;
	v48 =	vmul.f32 v24, v2;
	v47 =	vmul.f32 v56, v61;
	[tilespmem:s22+$0x0] =	vst v26  }
0x2f2: {  	v13 =	vadd.f32 v32, v13;
	v50 =	vld [tilespmem:s22+$0xC0];
	v45 =	vmul.f32 v24, v12;
	v49 =	vmul.f32 v44, v62;
	[tilespmem:s22+$0xFFFFFFA0] =	vst v15  }
0x2f3: {  	v63 =	vld [tilespmem:s22+$0xFFFFFFC0];
	v53 =	vadd.f32 v48, v8;
	v52 =	vmul.f32 v55, v34;
	[tilespmem:s22+$0xFFFFFF50] =	vst v47  }
0x2f4: {  	v54 =	vmul.f32 v24, v9;
	v60 =	vld [tilespmem:s22+$0xFFFFFF40];
	v12 =	vadd.f32 v45, v14;
	v13 =	vmul.f32 v13, v46;
	[tilespmem:s22+$0xFFFFFF20] =	vst v49  }
0x2f5: {  	v32 =	vmul.f32 v23, v9;
	v55 =	vadd.f32 v28, v11;
	v57 =	vmul.f32 v58, v53;
	[tilespmem:s22+$0x50] =	vst v52  }
0x2f6: {  	v59 =	vld [tilespmem:s22+$0xE0];
	v58 =	vadd.f32 v54, v11;
	v12 =	vmul.f32 v31, v12;
	[tilespmem:s22+$0xFFFFFF80] =	vst v13  }
0x2f7: {  	v51 =	vld [tilespmem:s22+$0x40];
	v56 =	vmul.f32 v19, v9;
	v9 =	vadd.f32 v32, v11;
	v61 =	vmul.f32 v50, v55;
	[tilespmem:s22+$0xFFFFFFE0] =	vst v57  }
0x2f8: {  	v42 =	vadd.f32 v30, v10;
	v63 =	vmul.f32 v63, v58;
	[tilespmem:s22+$0xFFFFFFD0] =	vst v12  }
0x2f9: {  	v35 =	vadd.f32 v33, v8;
	v39 =	vmul.f32 v19, v6;
	v9 =	vmul.f32 v60, v9;
	[tilespmem:s22+$0xC0] =	vst v61  }
0x2fa: {  	v43 =	vld [tilespmem:s22+$0xFFFFFFF0];
	v62 =	vadd.f32 v56, v11;
	v11 =	vmul.f32 v21, v42;
	[tilespmem:s22+$0xFFFFFFC0] =	vst v63  }
0x2fb: {  	v45 =	vld [tilespmem:s22+$0xFFFFFF60];
	v44 =	vmul.f32 v24, v6;
	v15 =	vadd.f32 v39, v10;
	v12 =	vmul.f32 v59, v35;
	[tilespmem:s22+$0xFFFFFF40] =	vst v9  }
0x2fc: {  	v37 =	vld [tilespmem:s22+$0xFFFFFFB0];
	v46 =	vmul.f32 v23, v2;
	v14 =	vmul.f32 v51, v62;
	[tilespmem:s22+$0xF0] =	vst v11  }
0x2fd: {  	v36 =	vld [tilespmem:s22+$0x60];
	v53 =	vmul.f32 v24, v0;
	v6 =	vadd.f32 v44, v10;
	v48 =	vmul.f32 v17, v15;
	[tilespmem:s22+$0xE0] =	vst v12  }
0x2fe: {  	v40 =	vld [tilespmem:s22+$0xFFFFFF90];
	v54 =	vmul.f32 v19, v2;
	v49 =	vadd.f32 v46, v8;
	v51 =	vmul.f32 v22, v20;
	[tilespmem:s22+$0x40] =	vst v14  }
0x2ff: {  	v47 =	vmul.f32 v24, v1;
	v58 =	vadd.f32 v53, v4;
	v6 =	vmul.f32 v43, v6;
	[tilespmem:s22+$0x70] =	vst v48  }
0x300: {  	v38 =	vld [tilespmem:s22+$0x10];
	v50 =	vmul.f32 v16, v3;
	v2 =	vadd.f32 v54, v8;
	v55 =	vmul.f32 v45, v49;
	[tilespmem:s22+$0x80] =	vst v51  }
0x301: {  	v41 =	vld [tilespmem:s22+$0x30];
	v56 =	vmul.f32 v19, v1;
	v52 =	vadd.f32 v47, v5;
	v60 =	vmul.f32 v37, v58;
	[tilespmem:s22+$0xFFFFFFF0] =	vst v6  }
0x302: {  	v28 =	vld [tilespmem:s22+$0xB0];
	v59 =	vmul.f32 v19, v0;
	v3 =	vadd.f32 v50, v7;
	v2 =	vmul.f32 v36, v2;
	[tilespmem:s22+$0xFFFFFF60] =	vst v55  }
0x303: {  	v1 =	vadd.f32 v56, v5;
	v61 =	vmul.f32 v16, v0;
	v57 =	vmul.f32 v52, v40;
	[tilespmem:s22+$0xFFFFFFB0] =	vst v60  }
0x304: {  	v62 =	vadd.f32 v59, v4;
	v3 =	vmul.f32 v18, v3;
	[tilespmem:s22+$0x60] =	vst v2  }
0x305: {  	v1 =	vmul.f32 v1, v38;
	v0 =	vadd.f32 v61, v4;
	[tilespmem:s22+$0xFFFFFF90] =	vst v57  }
0x306: {  	v63 =	vmul.f32 v41, v62;
	[tilespmem:s22+$0xA0] =	vst v3  }
0x307: {  	v0 =	vmul.f32 v28, v0;
	[tilespmem:s22+$0x10] =	vst v1  }
0x308: {  	[tilespmem:s22+$0x30] =	vst v63  }
0x309: {  	[tilespmem:s22+$0xB0] =	vst v0  }
0x30a: {  	[hbm4b:s15+s5] =	stream.linear.scatter [tilespmem:s3], [sflag:$0x9], $0x2000, $0x38;
	[tilespmem:$0x10580] =	vst v63  }
0x30b: {  	_ =	swait.ge [sflag:s19], $0x2000  }
0x30c: {  	[sflag:s19] =	ssyncset.done $0x0  }
0x30d: {  	[sflag:s19] =	ssyncadd.s32 $0xFFFFE000  }
0x30e: {  	_ =	swait.ge [sflag:s19], $0x2000  }
0x30f: {  	[sflag:s19] =	ssyncset.done $0x0  }
0x310: {  	[sflag:s19] =	ssyncadd.s32 $0xFFFFE000  }
0x311: {  	_ =	swait.ge [sflag:s19], $0x2000  }
0x312: {  	[sflag:s19] =	ssyncset.done $0x0  }
0x313: {  	[sflag:s19] =	ssyncadd.s32 $0xFFFFE000  }
0x314: {  	_ =	swait.ge [sflag:s19], $0x2000  }
0x315: {  	[sflag:s19] =	ssyncset.done $0x0  }
0x316: {  	[sflag:s19] =	ssyncadd.s32 $0xFFFFE000  }
0x317: {  	_ =	swait.ge [sflag:s19], $0x2000  }
0x318: {  	[sflag:s19] =	ssyncset.done $0x0  }
0x319: {  	[sflag:s19] =	ssyncadd.s32 $0xFFFFE000  }
0x31a: {  	_ =	swait.ge [sflag:s19], $0x2000  }
0x31b: {  	[sflag:s19] =	ssyncset.done $0x0  }
0x31c: {  	s20 =	sadd.s32 $0x1, s20;
	[sflag:s19] =	ssyncadd.s32 $0xFFFFE000  }
0x31d: {  	p0 =	sne.s32 s20, s16;
	_ =	swait.ge [sflag:s19], $0x2000  }
.Ltmp8:
0x31e: {  	[sflag:s19] =	ssyncset.done $0x0;
	(pc) =	sbr.rel @p0 .LBB2_1-.Ltmp8, $4  }
0x31f: {  	[sflag:s19] =	ssyncadd.s32 $0xFFFFE000  }
0x320: {  	_ =	swait.ge [sflag:s19], $0x2000  }
0x321: {  	[sflag:s19] =	ssyncset.done $0x0  }
0x322: {  	[sflag:s19] =	ssyncadd.s32 $0xFFFFE000  }
0x323: {  	_ =	sfence.sel $0x180000  }
0x324: {  	[bflag:$0x0] =	sbarrier.arrive $0xFFFF  }
0x325: {  	_ =	strace $0x90000047  }
0x326: {  	s0 =	stileid.u32;
	[bflag:$0x2] =	sbarrier.arrive $0xFFFF  }
0x327: {  	p0 =	sne.s32 s0, $0x0;
	s0 =	rddreg [dreg:$0x6]  }
0x328: {  	s0 =	sadd.s32 @!p0 $0x100000, s0  }
0x329: {  	[sflag:s0] =	ssyncadd.tile.s32 @!p0 $0x1;
	_ =	shalt  }
.Lfunc_end2:
_tile_overlayer_lowered:
.L_overlay_start_2:
0x32a: {  	(tag) =	ssettag $0x2  }
0x32b: {  	s0 =	rddreg [dreg:$0x0];
	s2 =	stileid.u32  }
0x32c: {  	s1 =	rddreg [dreg:$0x1];
	p0 =	sne.s32 s2, $0x0  }
0x32d: {  	s3 =	rddreg [dreg:$0x2];
	[bflag:$0x3] =	sbarrier.arrive $0xFFFF;
	s2 =	simm.s32 @!p0 $0x1C0A  }
0x32e: {  	[timem:s3], [sflag:s2] =	dma.local @!p0 [hbm:s0], s1  }
0x32f: {  	s0 =	simm.s32 @!p0 $0xA  }
0x330: {  	_ =	swait.ge @!p0 [sflag:s0], s1  }
0x331: {  	s1 =	ssub.s32 @!p0 $0x0, s1;
	[sflag:s0] =	ssyncset.done @!p0 $0x0  }
0x332: {  	[sflag:s0] =	ssyncadd.s32 @!p0 s1  }
0x333: {  	[bflag:$0x3] =	sbarrier.arrive $0xFFFF  }
0x334: {  	_ =	shalt  }

</sc_bundles>
